<compile_context>
chip_gen: v7x
topology: tpu7x:2x2x1
jax: 0.10.2.dev20260603
libtpu: 0.0.44.dev20260713+nightly
codegen_flags: <defaults>
</compile_context>

<pallas_src>
import functools

import jax
import jax.numpy as jnp
from jax import lax
from jax.experimental import pallas as pl
from jax.experimental.pallas import tpu as pltpu
from jax.experimental.pallas import tpu_sc as plsc

N = 100000
F0, F1, F2 = 16, 32, 2
NP = 100352
NP8 = NP // 8
E = 3200000
G = 128
NW = 32
PWG = 784
NG = PWG * NW
EP = NG * G
SG = 56
CH = PWG // SG
NB = 8
STEPS = SG // NB
RPT = NP // 16

_mesh = plsc.VectorSubcoreMesh(core_axis_name="c", subcore_axis_name="s",
                               num_cores=2, num_subcores=16)
_sc_params = pltpu.CompilerParams(use_tc_tiling_on_sc=False)


def _deg_body(dstg, out, acc, dstbuf, zbuf, onesbuf, ssem):
    c = lax.axis_index("c")
    s = lax.axis_index("s")
    wid = s * 2 + c

    z = jnp.zeros((16,), jnp.float32)

    def zb(i, _):
        zbuf[pl.ds(i * 16, 16)] = z
        return 0

    lax.fori_loop(0, RPT // 16, zb, 0)
    o = jnp.ones((16,), jnp.float32)
    for i in range(G // 16):
        onesbuf[pl.ds(i * 16, 16)] = o
    pltpu.sync_copy(zbuf, acc.at[pl.ds(s * RPT, RPT)])
    plsc.subcore_barrier()

    def chunk(t, _):
        gb = wid * PWG + t * SG
        pltpu.sync_copy(dstg.at[pl.ds(gb, SG)], dstbuf)

        def step(si, _):
            @pl.when(si > 0)
            def _drain():
                for _b in range(NB):
                    pltpu.make_async_copy(
                        onesbuf, acc.at[dstbuf.at[0]], ssem).wait()

            for b in range(NB):
                g = si * NB + b
                pltpu.async_copy(
                    onesbuf, acc.at[dstbuf.at[g]], ssem, add=True)
            return 0

        lax.fori_loop(0, STEPS, step, 0)
        for _b in range(NB):
            pltpu.make_async_copy(onesbuf, acc.at[dstbuf.at[0]], ssem).wait()
        return 0

    lax.fori_loop(0, CH, chunk, 0)
    plsc.subcore_barrier()
    pltpu.sync_copy(acc.at[pl.ds(s * RPT, RPT)],
                    out.at[c, pl.ds(s * RPT, RPT)])


_deg_call = pl.kernel(
    _deg_body,
    out_type=jax.ShapeDtypeStruct((2, NP), jnp.float32),
    mesh=_mesh,
    compiler_params=_sc_params,
    scratch_types=[
        pltpu.VMEM_SHARED((NP,), jnp.float32),
        pltpu.VMEM((SG, G), jnp.int32),
        pltpu.VMEM((RPT,), jnp.float32),
        pltpu.VMEM((G,), jnp.float32),
        pltpu.SemaphoreType.DMA,
    ],
)


def _segsum_main(F, y, srcg, dstg, out, acc, srcbuf, dstbuf, rb, gs, ss):
    c = lax.axis_index("c")
    s = lax.axis_index("s")
    wid = s * 2 + c

    def chunk(t, _):
        gb = wid * PWG + t * SG
        pltpu.sync_copy(srcg.at[pl.ds(gb, SG)], srcbuf)
        pltpu.sync_copy(dstg.at[pl.ds(gb, SG)], dstbuf)
        for b in range(NB):
            pltpu.async_copy(y.at[srcbuf.at[b]], rb[b], gs[b])

        def step(si, _):
            for b in range(NB):
                g = si * NB + b
                pltpu.make_async_copy(y.at[srcbuf.at[g]], rb[b], gs[b]).wait()
                pltpu.async_copy(rb[b], acc.at[dstbuf.at[g]], ss[b], add=True)
            for b in range(NB):
                g = si * NB + b
                pltpu.make_async_copy(rb[b], acc.at[dstbuf.at[g]],
                                      ss[b]).wait()

                @pl.when(si < STEPS - 1)
                def _next():
                    pltpu.async_copy(y.at[srcbuf.at[g + NB]], rb[b], gs[b])
            return 0

        lax.fori_loop(0, STEPS, step, 0)
        return 0

    lax.fori_loop(0, CH, chunk, 0)
    plsc.subcore_barrier()
    pltpu.sync_copy(acc.at[pl.ds(s * RPT, RPT)],
                    out.at[c, pl.ds(s * RPT, RPT)])


def _segsum16_body(y, srcg, dstg, out, acc, srcbuf, dstbuf,
                   rb0, rb1, rb2, rb3, rb4, rb5, rb6, rb7,
                   gs0, gs1, gs2, gs3, gs4, gs5, gs6, gs7,
                   ss0, ss1, ss2, ss3, ss4, ss5, ss6, ss7):
    s = lax.axis_index("s")

    z = jnp.zeros((16,), jnp.float32)

    def zr(i, _):
        rb0[i, :] = z
        return 0

    lax.fori_loop(0, G, zr, 0)

    def zcp(k, _):
        pltpu.sync_copy(rb0, acc.at[pl.ds(s * RPT + k * G, G)])
        return 0

    lax.fori_loop(0, RPT // G, zcp, 0)
    plsc.subcore_barrier()
    _segsum_main(F0, y, srcg, dstg, out, acc, srcbuf, dstbuf,
                 (rb0, rb1, rb2, rb3, rb4, rb5, rb6, rb7),
                 (gs0, gs1, gs2, gs3, gs4, gs5, gs6, gs7),
                 (ss0, ss1, ss2, ss3, ss4, ss5, ss6, ss7))


def _segsum_scratch(F):
    return ([
        pltpu.VMEM_SHARED((NP, F), jnp.float32),
        pltpu.VMEM((SG, G), jnp.int32),
        pltpu.VMEM((SG, G), jnp.int32),
    ] + [pltpu.VMEM((G, F), jnp.float32)] * NB
      + [pltpu.SemaphoreType.DMA] * (2 * NB))


_segsum16_call = pl.kernel(
    _segsum16_body,
    out_type=jax.ShapeDtypeStruct((2, NP, F0), jnp.float32),
    mesh=_mesh,
    compiler_params=_sc_params,
    scratch_types=_segsum_scratch(F0),
)



RB = 1568
_GRID = NP8 // RB


def _tc_d_body(degp, d_out):
    d_out[:, :] = lax.rsqrt(degp[0] + degp[1] + 1.0)


_tc_d = pl.pallas_call(
    _tc_d_body,
    out_shape=jax.ShapeDtypeStruct((NP // 128, 128), jnp.float32),
)


def _tc_y_body(d16, xp, y_out):
    y_out[:, :] = d16[:, :] * xp[:, :]


_tc_y = pl.pallas_call(
    _tc_y_body,
    grid=(_GRID,),
    in_specs=[
        pl.BlockSpec((RB, 128), lambda g: (g, 0)),
        pl.BlockSpec((RB, 128), lambda g: (g, 0)),
    ],
    out_specs=pl.BlockSpec((RB, 128), lambda g: (g, 0)),
    out_shape=jax.ShapeDtypeStruct((NP8, 128), jnp.float32),
)


def _tc_dense_body(s1p, y, d16, W1b, b1b, W2b, P_out, q_out):
    agg = d16[:, :] * (s1p[0] + s1p[1] + y[:, :])
    h = jnp.dot(agg, W1b[:, :], preferred_element_type=jnp.float32) + b1b[:]
    h = jnp.maximum(h, 0.0)
    p = jnp.dot(h, W2b[:, :], preferred_element_type=jnp.float32)
    P_out[:, :] = p
    q_out[:, :] = d16[:, :] * p


_tc_dense = pl.pallas_call(
    _tc_dense_body,
    grid=(_GRID,),
    in_specs=[
        pl.BlockSpec((2, RB, 128), lambda g: (0, g, 0)),
        pl.BlockSpec((RB, 128), lambda g: (g, 0)),
        pl.BlockSpec((RB, 128), lambda g: (g, 0)),
        pl.BlockSpec((128, 8 * F1), lambda g: (0, 0)),
        pl.BlockSpec((8 * F1,), lambda g: (0,)),
        pl.BlockSpec((8 * F1, 128), lambda g: (0, 0)),
    ],
    out_specs=(
        pl.BlockSpec((RB, 128), lambda g: (g, 0)),
        pl.BlockSpec((RB, 128), lambda g: (g, 0)),
    ),
    out_shape=(
        jax.ShapeDtypeStruct((NP8, 128), jnp.float32),
        jax.ShapeDtypeStruct((NP8, 128), jnp.float32),
    ),
)


def _tc_final_body(s2p, P_ref, d16, b2b, out):
    d = d16[:, :]
    out[:, :] = (d * (s2p[0] + s2p[1])
                 + d * d * P_ref[:, :] + b2b[:])


_tc_final = pl.pallas_call(
    _tc_final_body,
    grid=(_GRID,),
    in_specs=[
        pl.BlockSpec((2, RB, 128), lambda g: (0, g, 0)),
        pl.BlockSpec((RB, 128), lambda g: (g, 0)),
        pl.BlockSpec((RB, 128), lambda g: (g, 0)),
        pl.BlockSpec((128,), lambda g: (0,)),
    ],
    out_specs=pl.BlockSpec((RB, 128), lambda g: (g, 0)),
    out_shape=jax.ShapeDtypeStruct((NP8, 128), jnp.float32),
)


def kernel(x, edge_index, W1, b1, W2, b2):
    f32 = jnp.float32
    ei = edge_index.astype(jnp.int32)
    pad = EP - E
    fill = jnp.full((pad,), N, jnp.int32)
    srcg = jnp.concatenate([ei[0], fill]).reshape(NG, G)
    dstg = jnp.concatenate([ei[1], fill]).reshape(NG, G)
    xp128 = jnp.pad(x, ((0, NP - N), (0, 0))).reshape(NP8, 128)

    eye8 = jnp.eye(8, dtype=f32)
    W1b = jnp.kron(eye8, W1)
    b1b = jnp.tile(b1, 8)
    W2b = jnp.kron(eye8, jnp.tile(W2, (1, 8)))
    b2b = jnp.tile(b2, 64)

    degp = _deg_call(dstg)
    d_c = _tc_d(degp.reshape(2, NP // 128, 128))
    d16 = jnp.repeat(d_c.reshape(NP), 16).reshape(NP8, 128)

    y128 = _tc_y(d16, xp128)
    s1p = _segsum16_call(y128.reshape(NP, F0), srcg, dstg)
    Pp, qp = _tc_dense(s1p.reshape(2, NP8, 128), y128, d16,
                       W1b, b1b, W2b)
    s2p = _segsum16_call(qp.reshape(NP, F0), srcg, dstg)
    outp = _tc_final(s2p.reshape(2, NP8, 128), Pp, d16, b2b)
    return outp.reshape(NP, F0)[:N, :F2]

# --- scband reference (transcript-rebuilt; emitter-appended) ---
"""Pipeline reference for scband-bongard-gnn-22385369547064 (READ-ONLY COPY).

The authoritative reference and input builder live on the scoring server;
editing this copy changes nothing except your own understanding.
"""

import jax, jax.numpy as jnp
import numpy as np

N_NODES = 100000
N_EDGES = 3200000


def gcn_conv(x, edge_index, W, b):
    # PyG GCNConv: x' = D^{-1/2} (A + I) D^{-1/2} X W + b
    n = x.shape[0]
    h = x @ W
    src = edge_index[0]
    dst = edge_index[1]
    loop = jnp.arange(n, dtype=edge_index.dtype)
    src = jnp.concatenate([src, loop])
    dst = jnp.concatenate([dst, loop])
    deg = jnp.zeros((n,), dtype=h.dtype).at[dst].add(1.0)
    deg_inv_sqrt = jnp.where(deg > 0, deg ** -0.5, 0.0)
    norm = deg_inv_sqrt[src] * deg_inv_sqrt[dst]
    msg = h[src] * norm[:, None]
    out = jnp.zeros((n, h.shape[1]), dtype=h.dtype).at[dst].add(msg)
    return out + b


def setup_inputs(seed: int = 0) -> dict:
    key = jax.random.key(seed)
    k1, k2, k3, k4, k5, k6 = jax.random.split(key, 6)
    x = jax.random.normal(k1, (N_NODES, 16), dtype=jnp.float32)
    edge_index = jax.random.randint(k2, (2, N_EDGES), 0, N_NODES, dtype=jnp.int64)
    # Glorot-style init for GCN weights
    W1 = jax.random.normal(k3, (16, 32), dtype=jnp.float32) * (1.0 / np.sqrt(16))
    b1 = jnp.zeros((32,), dtype=jnp.float32)
    W2 = jax.random.normal(k4, (32, 2), dtype=jnp.float32) * (1.0 / np.sqrt(32))
    b2 = jnp.zeros((2,), dtype=jnp.float32)
    return {"x": x, "edge_index": edge_index, "W1": W1, "b1": b1, "W2": W2, "b2": b2}


def reference(x, edge_index, W1, b1, W2, b2):
    h = gcn_conv(x, edge_index, W1, b1)
    h = jax.nn.relu(h)
    out = gcn_conv(h, edge_index, W2, b2)
    return out

if __name__ == "__main__":
    import jax
    _d = setup_inputs()
    print(jax.jit(kernel)(*tuple(_d.values())))

</pallas_src>

<mosaic_0001>
#map = affine_map<(d0, d1) -> (0, 0)>
#map1 = affine_map<(d0, d1) -> (0, 0, 0)>
module attributes {stable_mosaic.version = 14 : i64} {
  func.func @_segsum16_body(%arg0: i32, %arg1: i32, %arg2: memref<100352x16xf32, #tpu.memory_space<hbm>>, %arg3: memref<25088x128xi32, #tpu.memory_space<hbm>>, %arg4: memref<25088x128xi32, #tpu.memory_space<hbm>>, %arg5: memref<2x100352x16xf32, #tpu.memory_space<hbm>>, %arg6: memref<100352x16xf32, #tpu.memory_space<vmem_shared>>, %arg7: memref<56x128xi32, #tpu.memory_space<vmem>>, %arg8: memref<56x128xi32, #tpu.memory_space<vmem>>, %arg9: memref<128x16xf32, #tpu.memory_space<vmem>>, %arg10: memref<128x16xf32, #tpu.memory_space<vmem>>, %arg11: memref<128x16xf32, #tpu.memory_space<vmem>>, %arg12: memref<128x16xf32, #tpu.memory_space<vmem>>, %arg13: memref<128x16xf32, #tpu.memory_space<vmem>>, %arg14: memref<128x16xf32, #tpu.memory_space<vmem>>, %arg15: memref<128x16xf32, #tpu.memory_space<vmem>>, %arg16: memref<128x16xf32, #tpu.memory_space<vmem>>, %arg17: memref<!tpu.dma_semaphore, #tpu.memory_space<semaphore_mem>>, %arg18: memref<!tpu.dma_semaphore, #tpu.memory_space<semaphore_mem>>, %arg19: memref<!tpu.dma_semaphore, #tpu.memory_space<semaphore_mem>>, %arg20: memref<!tpu.dma_semaphore, #tpu.memory_space<semaphore_mem>>, %arg21: memref<!tpu.dma_semaphore, #tpu.memory_space<semaphore_mem>>, %arg22: memref<!tpu.dma_semaphore, #tpu.memory_space<semaphore_mem>>, %arg23: memref<!tpu.dma_semaphore, #tpu.memory_space<semaphore_mem>>, %arg24: memref<!tpu.dma_semaphore, #tpu.memory_space<semaphore_mem>>, %arg25: memref<!tpu.dma_semaphore, #tpu.memory_space<semaphore_mem>>, %arg26: memref<!tpu.dma_semaphore, #tpu.memory_space<semaphore_mem>>, %arg27: memref<!tpu.dma_semaphore, #tpu.memory_space<semaphore_mem>>, %arg28: memref<!tpu.dma_semaphore, #tpu.memory_space<semaphore_mem>>, %arg29: memref<!tpu.dma_semaphore, #tpu.memory_space<semaphore_mem>>, %arg30: memref<!tpu.dma_semaphore, #tpu.memory_space<semaphore_mem>>, %arg31: memref<!tpu.dma_semaphore, #tpu.memory_space<semaphore_mem>>, %arg32: memref<!tpu.dma_semaphore, #tpu.memory_space<semaphore_mem>>) attributes {dimension_semantics = [#tpu.dimension_semantics<core_parallel>, #tpu.dimension_semantics<subcore_parallel>], iteration_bounds = array<i64: 2, 16>, scalar_prefetch = 0 : i64, scratch_operands = 27 : i64, tpu.core_type = #tpu.core_type<sc_vector_subcore>, window_params = [{transform_indices = #map}, {transform_indices = #map}, {transform_indices = #map}, {transform_indices = #map1}]} {
    %broadcast_in_dim3A = arith.constant 0.000000e+00 : f32
    %broadcast_in_dim3A_0 = vector.broadcast %broadcast_in_dim3A : f32 to vector<16xf32>
    %scan3A = arith.constant 0 : i32
    %scan3A_1 = arith.constant 0 : i32
    %scan3A_2 = arith.constant 128 : i32
    %scan3A_3 = arith.addi %scan3A_1, %scan3A_2 : i32
    %scan3A_4 = arith.constant 1 : i32
    %scan3A_5 = scf.for %scan3A_27 = %scan3A_1 to %scan3A_3 step %scan3A_4 iter_args(%scan3A_28 = %scan3A) -> (i32)  : i32 {
      %swap3A = arith.index_cast %scan3A_27 : i32 to index
      %swap3A_29 = arith.constant 0 : index
      %swap3A_30 = tpu.vector_load %arg9[%swap3A, %swap3A_29] {strides = array<i32>} : memref<128x16xf32, #tpu.memory_space<vmem>>, vector<1x16xf32>,
      %swap3A_31 = vector.shape_cast %swap3A_30 : vector<1x16xf32> to vector<16xf32>
      %swap3A_32 = vector.shape_cast %broadcast_in_dim3A_0 : vector<16xf32> to vector<1x16xf32>
      tpu.vector_store %arg9[%swap3A, %swap3A_29], %swap3A_32 {strides = array<i32>} : memref<128x16xf32, #tpu.memory_space<vmem>>, vector<1x16xf32>,
      %scan3A_33 = arith.constant 0 : i32
      scf.yield %scan3A_33 : i32
    }
    %scan3A_6 = arith.constant 128 : i32
    %scan3A_7 = arith.constant 0 : i32
    %scan3A_8 = arith.constant 0 : i32
    %scan3A_9 = arith.constant 49 : i32
    %scan3A_10 = arith.addi %scan3A_8, %scan3A_9 : i32
    %scan3A_11 = arith.constant 1 : i32
    %scan3A_12 = scf.for %scan3A_27 = %scan3A_8 to %scan3A_10 step %scan3A_11 iter_args(%scan3A_28 = %scan3A_7) -> (i32)  : i32 {
      %mul3A_29 = arith.constant 6272 : i32
      %mul3A_30 = arith.muli %arg1, %mul3A_29 : i32
      %mul3A_31 = arith.constant 128 : i32
      %mul3A_32 = arith.muli %scan3A_27, %mul3A_31 : i32
      %add3A_33 = arith.addi %mul3A_30, %mul3A_32 : i32
      "tpu.region"() ({
        %run_scoped3A = tpu.sem_alloc : memref<!tpu.dma_semaphore, #tpu.memory_space<semaphore_mem>>
        %dma_start3A = arith.constant 0 : i32
        %dma_start3A_35 = tpu.memref_slice %arg6[%add3A_33, %dma_start3A] : memref<100352x16xf32, #tpu.memory_space<vmem_shared>> -> memref<128x16xf32, #tpu.memory_space<vmem_shared>>
        %dma_start3A_36 = arith.constant 0 : i32
        %dma_start3A_37 = tpu.memref_slice %arg6[%add3A_33, %dma_start3A_36] : memref<100352x16xf32, #tpu.memory_space<vmem_shared>> -> memref<128x16xf32, #tpu.memory_space<vmem_shared>>
        tpu.enqueue_dma source(%arg9 : memref<128x16xf32, #tpu.memory_space<vmem>>) target(%dma_start3A_37 : memref<128x16xf32, #tpu.memory_space<vmem_shared>>) target_semaphore(%run_scoped3A : memref<!tpu.dma_semaphore, #tpu.memory_space<semaphore_mem>>)
        %dma_wait3A = arith.constant 0 : i32
        %dma_wait3A_38 = tpu.memref_slice %arg6[%add3A_33, %dma_wait3A] : memref<100352x16xf32, #tpu.memory_space<vmem_shared>> -> memref<128x16xf32, #tpu.memory_space<vmem_shared>>
        %dma_wait3A_39 = arith.constant 0 : i32
        %dma_wait3A_40 = tpu.memref_slice %arg6[%add3A_33, %dma_wait3A_39] : memref<100352x16xf32, #tpu.memory_space<vmem_shared>> -> memref<128x16xf32, #tpu.memory_space<vmem_shared>>
        tpu.wait_dma2 semaphore(%run_scoped3A : memref<!tpu.dma_semaphore, #tpu.memory_space<semaphore_mem>>) src(%arg9 : memref<128x16xf32, #tpu.memory_space<vmem>>) dst(%dma_wait3A_40 : memref<128x16xf32, #tpu.memory_space<vmem_shared>>)
        tpu.yield
      }) : () -> ()
      %scan3A_34 = arith.constant 0 : i32
      scf.yield %scan3A_34 : i32
    }
    %scan3A_13 = arith.constant 49 : i32
    %barrier3A = arith.constant 0 : index
    tpu.barrier barrier_id(%barrier3A)
    %mul3A = arith.constant 2 : i32
    %mul3A_14 = arith.muli %arg1, %mul3A : i32
    %add3A = arith.addi %mul3A_14, %arg0 : i32
    %scan3A_15 = arith.constant 0 : i32
    %scan3A_16 = arith.constant 0 : i32
    %scan3A_17 = arith.constant 14 : i32
    %scan3A_18 = arith.addi %scan3A_16, %scan3A_17 : i32
    %scan3A_19 = arith.constant 1 : i32
    %scan3A_20 = scf.for %scan3A_27 = %scan3A_16 to %scan3A_18 step %scan3A_19 iter_args(%scan3A_28 = %scan3A_15) -> (i32)  : i32 {
      %mul3A_29 = arith.constant 784 : i32
      %mul3A_30 = arith.muli %add3A, %mul3A_29 : i32
      %mul3A_31 = arith.constant 56 : i32
      %mul3A_32 = arith.muli %scan3A_27, %mul3A_31 : i32
      %add3A_33 = arith.addi %mul3A_30, %mul3A_32 : i32
      "tpu.region"() ({
        %run_scoped3A = tpu.sem_alloc : memref<!tpu.dma_semaphore, #tpu.memory_space<semaphore_mem>>
        %dma_start3A_97 = arith.constant 0 : i32
        %dma_start3A_98 = tpu.memref_slice %arg3[%add3A_33, %dma_start3A_97] : memref<25088x128xi32, #tpu.memory_space<hbm>> -> memref<56x128xi32, #tpu.memory_space<hbm>>
        %dma_start3A_99 = arith.constant 0 : i32
        %dma_start3A_100 = tpu.memref_slice %arg3[%add3A_33, %dma_start3A_99] : memref<25088x128xi32, #tpu.memory_space<hbm>> -> memref<56x128xi32, #tpu.memory_space<hbm>>
        tpu.enqueue_dma source(%dma_start3A_100 : memref<56x128xi32, #tpu.memory_space<hbm>>) target(%arg7 : memref<56x128xi32, #tpu.memory_space<vmem>>) target_semaphore(%run_scoped3A : memref<!tpu.dma_semaphore, #tpu.memory_space<semaphore_mem>>)
        %dma_wait3A = arith.constant 0 : i32
        %dma_wait3A_101 = tpu.memref_slice %arg3[%add3A_33, %dma_wait3A] : memref<25088x128xi32, #tpu.memory_space<hbm>> -> memref<56x128xi32, #tpu.memory_space<hbm>>
        %dma_wait3A_102 = arith.constant 0 : i32
        %dma_wait3A_103 = tpu.memref_slice %arg3[%add3A_33, %dma_wait3A_102] : memref<25088x128xi32, #tpu.memory_space<hbm>> -> memref<56x128xi32, #tpu.memory_space<hbm>>
        tpu.wait_dma2 semaphore(%run_scoped3A : memref<!tpu.dma_semaphore, #tpu.memory_space<semaphore_mem>>) src(%dma_wait3A_103 : memref<56x128xi32, #tpu.memory_space<hbm>>) dst(%arg7 : memref<56x128xi32, #tpu.memory_space<vmem>>)
        tpu.yield
      }) : () -> ()
      "tpu.region"() ({
        %run_scoped3A = tpu.sem_alloc : memref<!tpu.dma_semaphore, #tpu.memory_space<semaphore_mem>>
        %dma_start3A_97 = arith.constant 0 : i32
        %dma_start3A_98 = tpu.memref_slice %arg4[%add3A_33, %dma_start3A_97] : memref<25088x128xi32, #tpu.memory_space<hbm>> -> memref<56x128xi32, #tpu.memory_space<hbm>>
        %dma_start3A_99 = arith.constant 0 : i32
        %dma_start3A_100 = tpu.memref_slice %arg4[%add3A_33, %dma_start3A_99] : memref<25088x128xi32, #tpu.memory_space<hbm>> -> memref<56x128xi32, #tpu.memory_space<hbm>>
        tpu.enqueue_dma source(%dma_start3A_100 : memref<56x128xi32, #tpu.memory_space<hbm>>) target(%arg8 : memref<56x128xi32, #tpu.memory_space<vmem>>) target_semaphore(%run_scoped3A : memref<!tpu.dma_semaphore, #tpu.memory_space<semaphore_mem>>)
        %dma_wait3A = arith.constant 0 : i32
        %dma_wait3A_101 = tpu.memref_slice %arg4[%add3A_33, %dma_wait3A] : memref<25088x128xi32, #tpu.memory_space<hbm>> -> memref<56x128xi32, #tpu.memory_space<hbm>>
        %dma_wait3A_102 = arith.constant 0 : i32
        %dma_wait3A_103 = tpu.memref_slice %arg4[%add3A_33, %dma_wait3A_102] : memref<25088x128xi32, #tpu.memory_space<hbm>> -> memref<56x128xi32, #tpu.memory_space<hbm>>
        tpu.wait_dma2 semaphore(%run_scoped3A : memref<!tpu.dma_semaphore, #tpu.memory_space<semaphore_mem>>) src(%dma_wait3A_103 : memref<56x128xi32, #tpu.memory_space<hbm>>) dst(%arg8 : memref<56x128xi32, #tpu.memory_space<vmem>>)
        tpu.yield
      }) : () -> ()
      %dma_start3A = arith.constant 0 : i32
      %dma_start3A_34 = arith.constant 0 : i32
      %dma_start3A_35 = tpu.memref_slice %arg7[%dma_start3A, %dma_start3A_34] : memref<56x128xi32, #tpu.memory_space<vmem>> -> memref<1x128xi32, #tpu.memory_space<vmem>>
      %dma_start3A_36 = tpu.memref_squeeze %dma_start3A_35 : memref<1x128xi32, #tpu.memory_space<vmem>> -> memref<128xi32, #tpu.memory_space<vmem>>
      %dma_start3A_37 = arith.constant 0 : i32
      %dma_start3A_38 = arith.constant 0 : i32
      %dma_start3A_39 = tpu.memref_slice %arg2[%dma_start3A_37, %dma_start3A_38] : memref<100352x16xf32, #tpu.memory_space<hbm>> -> memref<100352x16xf32, #tpu.memory_space<hbm>>
      tpu.enqueue_indirect_dma source(%dma_start3A_39 : memref<100352x16xf32, #tpu.memory_space<hbm>>) target(%arg9 : memref<128x16xf32, #tpu.memory_space<vmem>>) offsets(%dma_start3A_36 : memref<128xi32, #tpu.memory_space<vmem>>) semaphore(%arg17 : memref<!tpu.dma_semaphore, #tpu.memory_space<semaphore_mem>>)
      %dma_start3A_40 = arith.constant 1 : i32
      %dma_start3A_41 = arith.constant 0 : i32
      %dma_start3A_42 = tpu.memref_slice %arg7[%dma_start3A_40, %dma_start3A_41] : memref<56x128xi32, #tpu.memory_space<vmem>> -> memref<1x128xi32, #tpu.memory_space<vmem>>
      %dma_start3A_43 = tpu.memref_squeeze %dma_start3A_42 : memref<1x128xi32, #tpu.memory_space<vmem>> -> memref<128xi32, #tpu.memory_space<vmem>>
      %dma_start3A_44 = arith.constant 0 : i32
      %dma_start3A_45 = arith.constant 0 : i32
      %dma_start3A_46 = tpu.memref_slice %arg2[%dma_start3A_44, %dma_start3A_45] : memref<100352x16xf32, #tpu.memory_space<hbm>> -> memref<100352x16xf32, #tpu.memory_space<hbm>>
      tpu.enqueue_indirect_dma source(%dma_start3A_46 : memref<100352x16xf32, #tpu.memory_space<hbm>>) target(%arg10 : memref<128x16xf32, #tpu.memory_space<vmem>>) offsets(%dma_start3A_43 : memref<128xi32, #tpu.memory_space<vmem>>) semaphore(%arg18 : memref<!tpu.dma_semaphore, #tpu.memory_space<semaphore_mem>>)
      %dma_start3A_47 = arith.constant 2 : i32
      %dma_start3A_48 = arith.constant 0 : i32
      %dma_start3A_49 = tpu.memref_slice %arg7[%dma_start3A_47, %dma_start3A_48] : memref<56x128xi32, #tpu.memory_space<vmem>> -> memref<1x128xi32, #tpu.memory_space<vmem>>
      %dma_start3A_50 = tpu.memref_squeeze %dma_start3A_49 : memref<1x128xi32, #tpu.memory_space<vmem>> -> memref<128xi32, #tpu.memory_space<vmem>>
      %dma_start3A_51 = arith.constant 0 : i32
      %dma_start3A_52 = arith.constant 0 : i32
      %dma_start3A_53 = tpu.memref_slice %arg2[%dma_start3A_51, %dma_start3A_52] : memref<100352x16xf32, #tpu.memory_space<hbm>> -> memref<100352x16xf32, #tpu.memory_space<hbm>>
      tpu.enqueue_indirect_dma source(%dma_start3A_53 : memref<100352x16xf32, #tpu.memory_space<hbm>>) target(%arg11 : memref<128x16xf32, #tpu.memory_space<vmem>>) offsets(%dma_start3A_50 : memref<128xi32, #tpu.memory_space<vmem>>) semaphore(%arg19 : memref<!tpu.dma_semaphore, #tpu.memory_space<semaphore_mem>>)
      %dma_start3A_54 = arith.constant 3 : i32
      %dma_start3A_55 = arith.constant 0 : i32
      %dma_start3A_56 = tpu.memref_slice %arg7[%dma_start3A_54, %dma_start3A_55] : memref<56x128xi32, #tpu.memory_space<vmem>> -> memref<1x128xi32, #tpu.memory_space<vmem>>
      %dma_start3A_57 = tpu.memref_squeeze %dma_start3A_56 : memref<1x128xi32, #tpu.memory_space<vmem>> -> memref<128xi32, #tpu.memory_space<vmem>>
      %dma_start3A_58 = arith.constant 0 : i32
      %dma_start3A_59 = arith.constant 0 : i32
      %dma_start3A_60 = tpu.memref_slice %arg2[%dma_start3A_58, %dma_start3A_59] : memref<100352x16xf32, #tpu.memory_space<hbm>> -> memref<100352x16xf32, #tpu.memory_space<hbm>>
      tpu.enqueue_indirect_dma source(%dma_start3A_60 : memref<100352x16xf32, #tpu.memory_space<hbm>>) target(%arg12 : memref<128x16xf32, #tpu.memory_space<vmem>>) offsets(%dma_start3A_57 : memref<128xi32, #tpu.memory_space<vmem>>) semaphore(%arg20 : memref<!tpu.dma_semaphore, #tpu.memory_space<semaphore_mem>>)
      %dma_start3A_61 = arith.constant 4 : i32
      %dma_start3A_62 = arith.constant 0 : i32
      %dma_start3A_63 = tpu.memref_slice %arg7[%dma_start3A_61, %dma_start3A_62] : memref<56x128xi32, #tpu.memory_space<vmem>> -> memref<1x128xi32, #tpu.memory_space<vmem>>
      %dma_start3A_64 = tpu.memref_squeeze %dma_start3A_63 : memref<1x128xi32, #tpu.memory_space<vmem>> -> memref<128xi32, #tpu.memory_space<vmem>>
      %dma_start3A_65 = arith.constant 0 : i32
      %dma_start3A_66 = arith.constant 0 : i32
      %dma_start3A_67 = tpu.memref_slice %arg2[%dma_start3A_65, %dma_start3A_66] : memref<100352x16xf32, #tpu.memory_space<hbm>> -> memref<100352x16xf32, #tpu.memory_space<hbm>>
      tpu.enqueue_indirect_dma source(%dma_start3A_67 : memref<100352x16xf32, #tpu.memory_space<hbm>>) target(%arg13 : memref<128x16xf32, #tpu.memory_space<vmem>>) offsets(%dma_start3A_64 : memref<128xi32, #tpu.memory_space<vmem>>) semaphore(%arg21 : memref<!tpu.dma_semaphore, #tpu.memory_space<semaphore_mem>>)
      %dma_start3A_68 = arith.constant 5 : i32
      %dma_start3A_69 = arith.constant 0 : i32
      %dma_start3A_70 = tpu.memref_slice %arg7[%dma_start3A_68, %dma_start3A_69] : memref<56x128xi32, #tpu.memory_space<vmem>> -> memref<1x128xi32, #tpu.memory_space<vmem>>
      %dma_start3A_71 = tpu.memref_squeeze %dma_start3A_70 : memref<1x128xi32, #tpu.memory_space<vmem>> -> memref<128xi32, #tpu.memory_space<vmem>>
      %dma_start3A_72 = arith.constant 0 : i32
      %dma_start3A_73 = arith.constant 0 : i32
      %dma_start3A_74 = tpu.memref_slice %arg2[%dma_start3A_72, %dma_start3A_73] : memref<100352x16xf32, #tpu.memory_space<hbm>> -> memref<100352x16xf32, #tpu.memory_space<hbm>>
      tpu.enqueue_indirect_dma source(%dma_start3A_74 : memref<100352x16xf32, #tpu.memory_space<hbm>>) target(%arg14 : memref<128x16xf32, #tpu.memory_space<vmem>>) offsets(%dma_start3A_71 : memref<128xi32, #tpu.memory_space<vmem>>) semaphore(%arg22 : memref<!tpu.dma_semaphore, #tpu.memory_space<semaphore_mem>>)
      %dma_start3A_75 = arith.constant 6 : i32
      %dma_start3A_76 = arith.constant 0 : i32
      %dma_start3A_77 = tpu.memref_slice %arg7[%dma_start3A_75, %dma_start3A_76] : memref<56x128xi32, #tpu.memory_space<vmem>> -> memref<1x128xi32, #tpu.memory_space<vmem>>
      %dma_start3A_78 = tpu.memref_squeeze %dma_start3A_77 : memref<1x128xi32, #tpu.memory_space<vmem>> -> memref<128xi32, #tpu.memory_space<vmem>>
      %dma_start3A_79 = arith.constant 0 : i32
      %dma_start3A_80 = arith.constant 0 : i32
      %dma_start3A_81 = tpu.memref_slice %arg2[%dma_start3A_79, %dma_start3A_80] : memref<100352x16xf32, #tpu.memory_space<hbm>> -> memref<100352x16xf32, #tpu.memory_space<hbm>>
      tpu.enqueue_indirect_dma source(%dma_start3A_81 : memref<100352x16xf32, #tpu.memory_space<hbm>>) target(%arg15 : memref<128x16xf32, #tpu.memory_space<vmem>>) offsets(%dma_start3A_78 : memref<128xi32, #tpu.memory_space<vmem>>) semaphore(%arg23 : memref<!tpu.dma_semaphore, #tpu.memory_space<semaphore_mem>>)
      %dma_start3A_82 = arith.constant 7 : i32
      %dma_start3A_83 = arith.constant 0 : i32
      %dma_start3A_84 = tpu.memref_slice %arg7[%dma_start3A_82, %dma_start3A_83] : memref<56x128xi32, #tpu.memory_space<vmem>> -> memref<1x128xi32, #tpu.memory_space<vmem>>
      %dma_start3A_85 = tpu.memref_squeeze %dma_start3A_84 : memref<1x128xi32, #tpu.memory_space<vmem>> -> memref<128xi32, #tpu.memory_space<vmem>>
      %dma_start3A_86 = arith.constant 0 : i32
      %dma_start3A_87 = arith.constant 0 : i32
      %dma_start3A_88 = tpu.memref_slice %arg2[%dma_start3A_86, %dma_start3A_87] : memref<100352x16xf32, #tpu.memory_space<hbm>> -> memref<100352x16xf32, #tpu.memory_space<hbm>>
      tpu.enqueue_indirect_dma source(%dma_start3A_88 : memref<100352x16xf32, #tpu.memory_space<hbm>>) target(%arg16 : memref<128x16xf32, #tpu.memory_space<vmem>>) offsets(%dma_start3A_85 : memref<128xi32, #tpu.memory_space<vmem>>) semaphore(%arg24 : memref<!tpu.dma_semaphore, #tpu.memory_space<semaphore_mem>>)
      %scan3A_89 = arith.constant 0 : i32
      %scan3A_90 = arith.constant 0 : i32
      %scan3A_91 = arith.constant 7 : i32
      %scan3A_92 = arith.addi %scan3A_90, %scan3A_91 : i32
      %scan3A_93 = arith.constant 1 : i32
      %scan3A_94 = scf.for %scan3A_97 = %scan3A_90 to %scan3A_92 step %scan3A_93 iter_args(%scan3A_98 = %scan3A_89) -> (i32)  : i32 {
        %mul3A_99 = arith.constant 8 : i32
        %mul3A_100 = arith.muli %scan3A_97, %mul3A_99 : i32
        %add3A_101 = arith.constant 0 : i32
        %add3A_102 = arith.addi %mul3A_100, %add3A_101 : i32
        %dma_wait3A = arith.constant 0 : i32
        %dma_wait3A_103 = tpu.memref_slice %arg7[%add3A_102, %dma_wait3A] : memref<56x128xi32, #tpu.memory_space<vmem>> -> memref<1x128xi32, #tpu.memory_space<vmem>>
        %dma_wait3A_104 = tpu.memref_squeeze %dma_wait3A_103 : memref<1x128xi32, #tpu.memory_space<vmem>> -> memref<128xi32, #tpu.memory_space<vmem>>
        %dma_wait3A_105 = arith.constant 0 : i32
        %dma_wait3A_106 = arith.constant 0 : i32
        %dma_wait3A_107 = tpu.memref_slice %arg2[%dma_wait3A_105, %dma_wait3A_106] : memref<100352x16xf32, #tpu.memory_space<hbm>> -> memref<100352x16xf32, #tpu.memory_space<hbm>>
        tpu.wait_indirect_dma semaphore(%arg17 : memref<!tpu.dma_semaphore, #tpu.memory_space<semaphore_mem>>) src(%dma_wait3A_107 : memref<100352x16xf32, #tpu.memory_space<hbm>>) dst(%arg9 : memref<128x16xf32, #tpu.memory_space<vmem>>)
        %dma_start3A_108 = arith.constant 0 : i32
        %dma_start3A_109 = tpu.memref_slice %arg8[%add3A_102, %dma_start3A_108] : memref<56x128xi32, #tpu.memory_space<vmem>> -> memref<1x128xi32, #tpu.memory_space<vmem>>
        %dma_start3A_110 = tpu.memref_squeeze %dma_start3A_109 : memref<1x128xi32, #tpu.memory_space<vmem>> -> memref<128xi32, #tpu.memory_space<vmem>>
        %dma_start3A_111 = arith.constant 0 : i32
        %dma_start3A_112 = arith.constant 0 : i32
        %dma_start3A_113 = tpu.memref_slice %arg6[%dma_start3A_111, %dma_start3A_112] : memref<100352x16xf32, #tpu.memory_space<vmem_shared>> -> memref<100352x16xf32, #tpu.memory_space<vmem_shared>>
        tpu.enqueue_indirect_dma source(%arg9 : memref<128x16xf32, #tpu.memory_space<vmem>>) target(%dma_start3A_113 : memref<100352x16xf32, #tpu.memory_space<vmem_shared>>) offsets(%dma_start3A_110 : memref<128xi32, #tpu.memory_space<vmem>>) semaphore(%arg25 : memref<!tpu.dma_semaphore, #tpu.memory_space<semaphore_mem>>) {add = true}
        %mul3A_114 = arith.constant 8 : i32
        %mul3A_115 = arith.muli %scan3A_97, %mul3A_114 : i32
        %add3A_116 = arith.constant 1 : i32
        %add3A_117 = arith.addi %mul3A_115, %add3A_116 : i32
        %dma_wait3A_118 = arith.constant 0 : i32
        %dma_wait3A_119 = tpu.memref_slice %arg7[%add3A_117, %dma_wait3A_118] : memref<56x128xi32, #tpu.memory_space<vmem>> -> memref<1x128xi32, #tpu.memory_space<vmem>>
        %dma_wait3A_120 = tpu.memref_squeeze %dma_wait3A_119 : memref<1x128xi32, #tpu.memory_space<vmem>> -> memref<128xi32, #tpu.memory_space<vmem>>
        %dma_wait3A_121 = arith.constant 0 : i32
        %dma_wait3A_122 = arith.constant 0 : i32
        %dma_wait3A_123 = tpu.memref_slice %arg2[%dma_wait3A_121, %dma_wait3A_122] : memref<100352x16xf32, #tpu.memory_space<hbm>> -> memref<100352x16xf32, #tpu.memory_space<hbm>>
        tpu.wait_indirect_dma semaphore(%arg18 : memref<!tpu.dma_semaphore, #tpu.memory_space<semaphore_mem>>) src(%dma_wait3A_123 : memref<100352x16xf32, #tpu.memory_space<hbm>>) dst(%arg10 : memref<128x16xf32, #tpu.memory_space<vmem>>)
        %dma_start3A_124 = arith.constant 0 : i32
        %dma_start3A_125 = tpu.memref_slice %arg8[%add3A_117, %dma_start3A_124] : memref<56x128xi32, #tpu.memory_space<vmem>> -> memref<1x128xi32, #tpu.memory_space<vmem>>
        %dma_start3A_126 = tpu.memref_squeeze %dma_start3A_125 : memref<1x128xi32, #tpu.memory_space<vmem>> -> memref<128xi32, #tpu.memory_space<vmem>>
        %dma_start3A_127 = arith.constant 0 : i32
        %dma_start3A_128 = arith.constant 0 : i32
        %dma_start3A_129 = tpu.memref_slice %arg6[%dma_start3A_127, %dma_start3A_128] : memref<100352x16xf32, #tpu.memory_space<vmem_shared>> -> memref<100352x16xf32, #tpu.memory_space<vmem_shared>>
        tpu.enqueue_indirect_dma source(%arg10 : memref<128x16xf32, #tpu.memory_space<vmem>>) target(%dma_start3A_129 : memref<100352x16xf32, #tpu.memory_space<vmem_shared>>) offsets(%dma_start3A_126 : memref<128xi32, #tpu.memory_space<vmem>>) semaphore(%arg26 : memref<!tpu.dma_semaphore, #tpu.memory_space<semaphore_mem>>) {add = true}
        %mul3A_130 = arith.constant 8 : i32
        %mul3A_131 = arith.muli %scan3A_97, %mul3A_130 : i32
        %add3A_132 = arith.constant 2 : i32
        %add3A_133 = arith.addi %mul3A_131, %add3A_132 : i32
        %dma_wait3A_134 = arith.constant 0 : i32
        %dma_wait3A_135 = tpu.memref_slice %arg7[%add3A_133, %dma_wait3A_134] : memref<56x128xi32, #tpu.memory_space<vmem>> -> memref<1x128xi32, #tpu.memory_space<vmem>>
        %dma_wait3A_136 = tpu.memref_squeeze %dma_wait3A_135 : memref<1x128xi32, #tpu.memory_space<vmem>> -> memref<128xi32, #tpu.memory_space<vmem>>
        %dma_wait3A_137 = arith.constant 0 : i32
        %dma_wait3A_138 = arith.constant 0 : i32
        %dma_wait3A_139 = tpu.memref_slice %arg2[%dma_wait3A_137, %dma_wait3A_138] : memref<100352x16xf32, #tpu.memory_space<hbm>> -> memref<100352x16xf32, #tpu.memory_space<hbm>>
        tpu.wait_indirect_dma semaphore(%arg19 : memref<!tpu.dma_semaphore, #tpu.memory_space<semaphore_mem>>) src(%dma_wait3A_139 : memref<100352x16xf32, #tpu.memory_space<hbm>>) dst(%arg11 : memref<128x16xf32, #tpu.memory_space<vmem>>)
        %dma_start3A_140 = arith.constant 0 : i32
        %dma_start3A_141 = tpu.memref_slice %arg8[%add3A_133, %dma_start3A_140] : memref<56x128xi32, #tpu.memory_space<vmem>> -> memref<1x128xi32, #tpu.memory_space<vmem>>
        %dma_start3A_142 = tpu.memref_squeeze %dma_start3A_141 : memref<1x128xi32, #tpu.memory_space<vmem>> -> memref<128xi32, #tpu.memory_space<vmem>>
        %dma_start3A_143 = arith.constant 0 : i32
        %dma_start3A_144 = arith.constant 0 : i32
        %dma_start3A_145 = tpu.memref_slice %arg6[%dma_start3A_143, %dma_start3A_144] : memref<100352x16xf32, #tpu.memory_space<vmem_shared>> -> memref<100352x16xf32, #tpu.memory_space<vmem_shared>>
        tpu.enqueue_indirect_dma source(%arg11 : memref<128x16xf32, #tpu.memory_space<vmem>>) target(%dma_start3A_145 : memref<100352x16xf32, #tpu.memory_space<vmem_shared>>) offsets(%dma_start3A_142 : memref<128xi32, #tpu.memory_space<vmem>>) semaphore(%arg27 : memref<!tpu.dma_semaphore, #tpu.memory_space<semaphore_mem>>) {add = true}
        %mul3A_146 = arith.constant 8 : i32
        %mul3A_147 = arith.muli %scan3A_97, %mul3A_146 : i32
        %add3A_148 = arith.constant 3 : i32
        %add3A_149 = arith.addi %mul3A_147, %add3A_148 : i32
        %dma_wait3A_150 = arith.constant 0 : i32
        %dma_wait3A_151 = tpu.memref_slice %arg7[%add3A_149, %dma_wait3A_150] : memref<56x128xi32, #tpu.memory_space<vmem>> -> memref<1x128xi32, #tpu.memory_space<vmem>>
        %dma_wait3A_152 = tpu.memref_squeeze %dma_wait3A_151 : memref<1x128xi32, #tpu.memory_space<vmem>> -> memref<128xi32, #tpu.memory_space<vmem>>
        %dma_wait3A_153 = arith.constant 0 : i32
        %dma_wait3A_154 = arith.constant 0 : i32
        %dma_wait3A_155 = tpu.memref_slice %arg2[%dma_wait3A_153, %dma_wait3A_154] : memref<100352x16xf32, #tpu.memory_space<hbm>> -> memref<100352x16xf32, #tpu.memory_space<hbm>>
        tpu.wait_indirect_dma semaphore(%arg20 : memref<!tpu.dma_semaphore, #tpu.memory_space<semaphore_mem>>) src(%dma_wait3A_155 : memref<100352x16xf32, #tpu.memory_space<hbm>>) dst(%arg12 : memref<128x16xf32, #tpu.memory_space<vmem>>)
        %dma_start3A_156 = arith.constant 0 : i32
        %dma_start3A_157 = tpu.memref_slice %arg8[%add3A_149, %dma_start3A_156] : memref<56x128xi32, #tpu.memory_space<vmem>> -> memref<1x128xi32, #tpu.memory_space<vmem>>
        %dma_start3A_158 = tpu.memref_squeeze %dma_start3A_157 : memref<1x128xi32, #tpu.memory_space<vmem>> -> memref<128xi32, #tpu.memory_space<vmem>>
        %dma_start3A_159 = arith.constant 0 : i32
        %dma_start3A_160 = arith.constant 0 : i32
        %dma_start3A_161 = tpu.memref_slice %arg6[%dma_start3A_159, %dma_start3A_160] : memref<100352x16xf32, #tpu.memory_space<vmem_shared>> -> memref<100352x16xf32, #tpu.memory_space<vmem_shared>>
        tpu.enqueue_indirect_dma source(%arg12 : memref<128x16xf32, #tpu.memory_space<vmem>>) target(%dma_start3A_161 : memref<100352x16xf32, #tpu.memory_space<vmem_shared>>) offsets(%dma_start3A_158 : memref<128xi32, #tpu.memory_space<vmem>>) semaphore(%arg28 : memref<!tpu.dma_semaphore, #tpu.memory_space<semaphore_mem>>) {add = true}
        %mul3A_162 = arith.constant 8 : i32
        %mul3A_163 = arith.muli %scan3A_97, %mul3A_162 : i32
        %add3A_164 = arith.constant 4 : i32
        %add3A_165 = arith.addi %mul3A_163, %add3A_164 : i32
        %dma_wait3A_166 = arith.constant 0 : i32
        %dma_wait3A_167 = tpu.memref_slice %arg7[%add3A_165, %dma_wait3A_166] : memref<56x128xi32, #tpu.memory_space<vmem>> -> memref<1x128xi32, #tpu.memory_space<vmem>>
        %dma_wait3A_168 = tpu.memref_squeeze %dma_wait3A_167 : memref<1x128xi32, #tpu.memory_space<vmem>> -> memref<128xi32, #tpu.memory_space<vmem>>
        %dma_wait3A_169 = arith.constant 0 : i32
        %dma_wait3A_170 = arith.constant 0 : i32
        %dma_wait3A_171 = tpu.memref_slice %arg2[%dma_wait3A_169, %dma_wait3A_170] : memref<100352x16xf32, #tpu.memory_space<hbm>> -> memref<100352x16xf32, #tpu.memory_space<hbm>>
        tpu.wait_indirect_dma semaphore(%arg21 : memref<!tpu.dma_semaphore, #tpu.memory_space<semaphore_mem>>) src(%dma_wait3A_171 : memref<100352x16xf32, #tpu.memory_space<hbm>>) dst(%arg13 : memref<128x16xf32, #tpu.memory_space<vmem>>)
        %dma_start3A_172 = arith.constant 0 : i32
        %dma_start3A_173 = tpu.memref_slice %arg8[%add3A_165, %dma_start3A_172] : memref<56x128xi32, #tpu.memory_space<vmem>> -> memref<1x128xi32, #tpu.memory_space<vmem>>
        %dma_start3A_174 = tpu.memref_squeeze %dma_start3A_173 : memref<1x128xi32, #tpu.memory_space<vmem>> -> memref<128xi32, #tpu.memory_space<vmem>>
        %dma_start3A_175 = arith.constant 0 : i32
        %dma_start3A_176 = arith.constant 0 : i32
        %dma_start3A_177 = tpu.memref_slice %arg6[%dma_start3A_175, %dma_start3A_176] : memref<100352x16xf32, #tpu.memory_space<vmem_shared>> -> memref<100352x16xf32, #tpu.memory_space<vmem_shared>>
        tpu.enqueue_indirect_dma source(%arg13 : memref<128x16xf32, #tpu.memory_space<vmem>>) target(%dma_start3A_177 : memref<100352x16xf32, #tpu.memory_space<vmem_shared>>) offsets(%dma_start3A_174 : memref<128xi32, #tpu.memory_space<vmem>>) semaphore(%arg29 : memref<!tpu.dma_semaphore, #tpu.memory_space<semaphore_mem>>) {add = true}
        %mul3A_178 = arith.constant 8 : i32
        %mul3A_179 = arith.muli %scan3A_97, %mul3A_178 : i32
        %add3A_180 = arith.constant 5 : i32
        %add3A_181 = arith.addi %mul3A_179, %add3A_180 : i32
        %dma_wait3A_182 = arith.constant 0 : i32
        %dma_wait3A_183 = tpu.memref_slice %arg7[%add3A_181, %dma_wait3A_182] : memref<56x128xi32, #tpu.memory_space<vmem>> -> memref<1x128xi32, #tpu.memory_space<vmem>>
        %dma_wait3A_184 = tpu.memref_squeeze %dma_wait3A_183 : memref<1x128xi32, #tpu.memory_space<vmem>> -> memref<128xi32, #tpu.memory_space<vmem>>
        %dma_wait3A_185 = arith.constant 0 : i32
        %dma_wait3A_186 = arith.constant 0 : i32
        %dma_wait3A_187 = tpu.memref_slice %arg2[%dma_wait3A_185, %dma_wait3A_186] : memref<100352x16xf32, #tpu.memory_space<hbm>> -> memref<100352x16xf32, #tpu.memory_space<hbm>>
        tpu.wait_indirect_dma semaphore(%arg22 : memref<!tpu.dma_semaphore, #tpu.memory_space<semaphore_mem>>) src(%dma_wait3A_187 : memref<100352x16xf32, #tpu.memory_space<hbm>>) dst(%arg14 : memref<128x16xf32, #tpu.memory_space<vmem>>)
        %dma_start3A_188 = arith.constant 0 : i32
        %dma_start3A_189 = tpu.memref_slice %arg8[%add3A_181, %dma_start3A_188] : memref<56x128xi32, #tpu.memory_space<vmem>> -> memref<1x128xi32, #tpu.memory_space<vmem>>
        %dma_start3A_190 = tpu.memref_squeeze %dma_start3A_189 : memref<1x128xi32, #tpu.memory_space<vmem>> -> memref<128xi32, #tpu.memory_space<vmem>>
        %dma_start3A_191 = arith.constant 0 : i32
        %dma_start3A_192 = arith.constant 0 : i32
        %dma_start3A_193 = tpu.memref_slice %arg6[%dma_start3A_191, %dma_start3A_192] : memref<100352x16xf32, #tpu.memory_space<vmem_shared>> -> memref<100352x16xf32, #tpu.memory_space<vmem_shared>>
        tpu.enqueue_indirect_dma source(%arg14 : memref<128x16xf32, #tpu.memory_space<vmem>>) target(%dma_start3A_193 : memref<100352x16xf32, #tpu.memory_space<vmem_shared>>) offsets(%dma_start3A_190 : memref<128xi32, #tpu.memory_space<vmem>>) semaphore(%arg30 : memref<!tpu.dma_semaphore, #tpu.memory_space<semaphore_mem>>) {add = true}
        %mul3A_194 = arith.constant 8 : i32
        %mul3A_195 = arith.muli %scan3A_97, %mul3A_194 : i32
        %add3A_196 = arith.constant 6 : i32
        %add3A_197 = arith.addi %mul3A_195, %add3A_196 : i32
        %dma_wait3A_198 = arith.constant 0 : i32
        %dma_wait3A_199 = tpu.memref_slice %arg7[%add3A_197, %dma_wait3A_198] : memref<56x128xi32, #tpu.memory_space<vmem>> -> memref<1x128xi32, #tpu.memory_space<vmem>>
        %dma_wait3A_200 = tpu.memref_squeeze %dma_wait3A_199 : memref<1x128xi32, #tpu.memory_space<vmem>> -> memref<128xi32, #tpu.memory_space<vmem>>
        %dma_wait3A_201 = arith.constant 0 : i32
        %dma_wait3A_202 = arith.constant 0 : i32
        %dma_wait3A_203 = tpu.memref_slice %arg2[%dma_wait3A_201, %dma_wait3A_202] : memref<100352x16xf32, #tpu.memory_space<hbm>> -> memref<100352x16xf32, #tpu.memory_space<hbm>>
        tpu.wait_indirect_dma semaphore(%arg23 : memref<!tpu.dma_semaphore, #tpu.memory_space<semaphore_mem>>) src(%dma_wait3A_203 : memref<100352x16xf32, #tpu.memory_space<hbm>>) dst(%arg15 : memref<128x16xf32, #tpu.memory_space<vmem>>)
        %dma_start3A_204 = arith.constant 0 : i32
        %dma_start3A_205 = tpu.memref_slice %arg8[%add3A_197, %dma_start3A_204] : memref<56x128xi32, #tpu.memory_space<vmem>> -> memref<1x128xi32, #tpu.memory_space<vmem>>
        %dma_start3A_206 = tpu.memref_squeeze %dma_start3A_205 : memref<1x128xi32, #tpu.memory_space<vmem>> -> memref<128xi32, #tpu.memory_space<vmem>>
        %dma_start3A_207 = arith.constant 0 : i32
        %dma_start3A_208 = arith.constant 0 : i32
        %dma_start3A_209 = tpu.memref_slice %arg6[%dma_start3A_207, %dma_start3A_208] : memref<100352x16xf32, #tpu.memory_space<vmem_shared>> -> memref<100352x16xf32, #tpu.memory_space<vmem_shared>>
        tpu.enqueue_indirect_dma source(%arg15 : memref<128x16xf32, #tpu.memory_space<vmem>>) target(%dma_start3A_209 : memref<100352x16xf32, #tpu.memory_space<vmem_shared>>) offsets(%dma_start3A_206 : memref<128xi32, #tpu.memory_space<vmem>>) semaphore(%arg31 : memref<!tpu.dma_semaphore, #tpu.memory_space<semaphore_mem>>) {add = true}
        %mul3A_210 = arith.constant 8 : i32
        %mul3A_211 = arith.muli %scan3A_97, %mul3A_210 : i32
        %add3A_212 = arith.constant 7 : i32
        %add3A_213 = arith.addi %mul3A_211, %add3A_212 : i32
        %dma_wait3A_214 = arith.constant 0 : i32
        %dma_wait3A_215 = tpu.memref_slice %arg7[%add3A_213, %dma_wait3A_214] : memref<56x128xi32, #tpu.memory_space<vmem>> -> memref<1x128xi32, #tpu.memory_space<vmem>>
        %dma_wait3A_216 = tpu.memref_squeeze %dma_wait3A_215 : memref<1x128xi32, #tpu.memory_space<vmem>> -> memref<128xi32, #tpu.memory_space<vmem>>
        %dma_wait3A_217 = arith.constant 0 : i32
        %dma_wait3A_218 = arith.constant 0 : i32
        %dma_wait3A_219 = tpu.memref_slice %arg2[%dma_wait3A_217, %dma_wait3A_218] : memref<100352x16xf32, #tpu.memory_space<hbm>> -> memref<100352x16xf32, #tpu.memory_space<hbm>>
        tpu.wait_indirect_dma semaphore(%arg24 : memref<!tpu.dma_semaphore, #tpu.memory_space<semaphore_mem>>) src(%dma_wait3A_219 : memref<100352x16xf32, #tpu.memory_space<hbm>>) dst(%arg16 : memref<128x16xf32, #tpu.memory_space<vmem>>)
        %dma_start3A_220 = arith.constant 0 : i32
        %dma_start3A_221 = tpu.memref_slice %arg8[%add3A_213, %dma_start3A_220] : memref<56x128xi32, #tpu.memory_space<vmem>> -> memref<1x128xi32, #tpu.memory_space<vmem>>
        %dma_start3A_222 = tpu.memref_squeeze %dma_start3A_221 : memref<1x128xi32, #tpu.memory_space<vmem>> -> memref<128xi32, #tpu.memory_space<vmem>>
        %dma_start3A_223 = arith.constant 0 : i32
        %dma_start3A_224 = arith.constant 0 : i32
        %dma_start3A_225 = tpu.memref_slice %arg6[%dma_start3A_223, %dma_start3A_224] : memref<100352x16xf32, #tpu.memory_space<vmem_shared>> -> memref<100352x16xf32, #tpu.memory_space<vmem_shared>>
        tpu.enqueue_indirect_dma source(%arg16 : memref<128x16xf32, #tpu.memory_space<vmem>>) target(%dma_start3A_225 : memref<100352x16xf32, #tpu.memory_space<vmem_shared>>) offsets(%dma_start3A_222 : memref<128xi32, #tpu.memory_space<vmem>>) semaphore(%arg32 : memref<!tpu.dma_semaphore, #tpu.memory_space<semaphore_mem>>) {add = true}
        %mul3A_226 = arith.constant 8 : i32
        %mul3A_227 = arith.muli %scan3A_97, %mul3A_226 : i32
        %add3A_228 = arith.constant 0 : i32
        %add3A_229 = arith.addi %mul3A_227, %add3A_228 : i32
        %dma_wait3A_230 = arith.constant 0 : i32
        %dma_wait3A_231 = tpu.memref_slice %arg8[%add3A_229, %dma_wait3A_230] : memref<56x128xi32, #tpu.memory_space<vmem>> -> memref<1x128xi32, #tpu.memory_space<vmem>>
        %dma_wait3A_232 = tpu.memref_squeeze %dma_wait3A_231 : memref<1x128xi32, #tpu.memory_space<vmem>> -> memref<128xi32, #tpu.memory_space<vmem>>
        %dma_wait3A_233 = arith.constant 0 : i32
        %dma_wait3A_234 = arith.constant 0 : i32
        %dma_wait3A_235 = tpu.memref_slice %arg6[%dma_wait3A_233, %dma_wait3A_234] : memref<100352x16xf32, #tpu.memory_space<vmem_shared>> -> memref<100352x16xf32, #tpu.memory_space<vmem_shared>>
        tpu.wait_indirect_dma semaphore(%arg25 : memref<!tpu.dma_semaphore, #tpu.memory_space<semaphore_mem>>) src(%arg9 : memref<128x16xf32, #tpu.memory_space<vmem>>) dst(%dma_wait3A_235 : memref<100352x16xf32, #tpu.memory_space<vmem_shared>>)
        %lt3A = arith.constant 6 : i32
        %lt3A_236 = arith.cmpi slt, %scan3A_97, %lt3A : i32
        %convert_element_type3A = arith.extui %lt3A_236 : i1 to i32
        %cond3A = arith.constant 0 : i32
        %cond3A_237 = arith.cmpi ne, %convert_element_type3A, %cond3A : i32
        scf.if %cond3A_237 {
          %add3A_344 = arith.constant 8 : i32
          %add3A_345 = arith.addi %add3A_229, %add3A_344 : i32
          %dma_start3A_346 = arith.constant 0 : i32
          %dma_start3A_347 = tpu.memref_slice %arg7[%add3A_345, %dma_start3A_346] : memref<56x128xi32, #tpu.memory_space<vmem>> -> memref<1x128xi32, #tpu.memory_space<vmem>>
          %dma_start3A_348 = tpu.memref_squeeze %dma_start3A_347 : memref<1x128xi32, #tpu.memory_space<vmem>> -> memref<128xi32, #tpu.memory_space<vmem>>
          %dma_start3A_349 = arith.constant 0 : i32
          %dma_start3A_350 = arith.constant 0 : i32
          %dma_start3A_351 = tpu.memref_slice %arg2[%dma_start3A_349, %dma_start3A_350] : memref<100352x16xf32, #tpu.memory_space<hbm>> -> memref<100352x16xf32, #tpu.memory_space<hbm>>
          tpu.enqueue_indirect_dma source(%dma_start3A_351 : memref<100352x16xf32, #tpu.memory_space<hbm>>) target(%arg9 : memref<128x16xf32, #tpu.memory_space<vmem>>) offsets(%dma_start3A_348 : memref<128xi32, #tpu.memory_space<vmem>>) semaphore(%arg17 : memref<!tpu.dma_semaphore, #tpu.memory_space<semaphore_mem>>)
        } else {
        }
        %mul3A_238 = arith.constant 8 : i32
        %mul3A_239 = arith.muli %scan3A_97, %mul3A_238 : i32
        %add3A_240 = arith.constant 1 : i32
        %add3A_241 = arith.addi %mul3A_239, %add3A_240 : i32
        %dma_wait3A_242 = arith.constant 0 : i32
        %dma_wait3A_243 = tpu.memref_slice %arg8[%add3A_241, %dma_wait3A_242] : memref<56x128xi32, #tpu.memory_space<vmem>> -> memref<1x128xi32, #tpu.memory_space<vmem>>
        %dma_wait3A_244 = tpu.memref_squeeze %dma_wait3A_243 : memref<1x128xi32, #tpu.memory_space<vmem>> -> memref<128xi32, #tpu.memory_space<vmem>>
        %dma_wait3A_245 = arith.constant 0 : i32
        %dma_wait3A_246 = arith.constant 0 : i32
        %dma_wait3A_247 = tpu.memref_slice %arg6[%dma_wait3A_245, %dma_wait3A_246] : memref<100352x16xf32, #tpu.memory_space<vmem_shared>> -> memref<100352x16xf32, #tpu.memory_space<vmem_shared>>
        tpu.wait_indirect_dma semaphore(%arg26 : memref<!tpu.dma_semaphore, #tpu.memory_space<semaphore_mem>>) src(%arg10 : memref<128x16xf32, #tpu.memory_space<vmem>>) dst(%dma_wait3A_247 : memref<100352x16xf32, #tpu.memory_space<vmem_shared>>)
        %lt3A_248 = arith.constant 6 : i32
        %lt3A_249 = arith.cmpi slt, %scan3A_97, %lt3A_248 : i32
        %convert_element_type3A_250 = arith.extui %lt3A_249 : i1 to i32
        %cond3A_251 = arith.constant 0 : i32
        %cond3A_252 = arith.cmpi ne, %convert_element_type3A_250, %cond3A_251 : i32
        scf.if %cond3A_252 {
          %add3A_344 = arith.constant 8 : i32
          %add3A_345 = arith.addi %add3A_241, %add3A_344 : i32
          %dma_start3A_346 = arith.constant 0 : i32
          %dma_start3A_347 = tpu.memref_slice %arg7[%add3A_345, %dma_start3A_346] : memref<56x128xi32, #tpu.memory_space<vmem>> -> memref<1x128xi32, #tpu.memory_space<vmem>>
          %dma_start3A_348 = tpu.memref_squeeze %dma_start3A_347 : memref<1x128xi32, #tpu.memory_space<vmem>> -> memref<128xi32, #tpu.memory_space<vmem>>
          %dma_start3A_349 = arith.constant 0 : i32
          %dma_start3A_350 = arith.constant 0 : i32
          %dma_start3A_351 = tpu.memref_slice %arg2[%dma_start3A_349, %dma_start3A_350] : memref<100352x16xf32, #tpu.memory_space<hbm>> -> memref<100352x16xf32, #tpu.memory_space<hbm>>
          tpu.enqueue_indirect_dma source(%dma_start3A_351 : memref<100352x16xf32, #tpu.memory_space<hbm>>) target(%arg10 : memref<128x16xf32, #tpu.memory_space<vmem>>) offsets(%dma_start3A_348 : memref<128xi32, #tpu.memory_space<vmem>>) semaphore(%arg18 : memref<!tpu.dma_semaphore, #tpu.memory_space<semaphore_mem>>)
        } else {
        }
        %mul3A_253 = arith.constant 8 : i32
        %mul3A_254 = arith.muli %scan3A_97, %mul3A_253 : i32
        %add3A_255 = arith.constant 2 : i32
        %add3A_256 = arith.addi %mul3A_254, %add3A_255 : i32
        %dma_wait3A_257 = arith.constant 0 : i32
        %dma_wait3A_258 = tpu.memref_slice %arg8[%add3A_256, %dma_wait3A_257] : memref<56x128xi32, #tpu.memory_space<vmem>> -> memref<1x128xi32, #tpu.memory_space<vmem>>
        %dma_wait3A_259 = tpu.memref_squeeze %dma_wait3A_258 : memref<1x128xi32, #tpu.memory_space<vmem>> -> memref<128xi32, #tpu.memory_space<vmem>>
        %dma_wait3A_260 = arith.constant 0 : i32
        %dma_wait3A_261 = arith.constant 0 : i32
        %dma_wait3A_262 = tpu.memref_slice %arg6[%dma_wait3A_260, %dma_wait3A_261] : memref<100352x16xf32, #tpu.memory_space<vmem_shared>> -> memref<100352x16xf32, #tpu.memory_space<vmem_shared>>
        tpu.wait_indirect_dma semaphore(%arg27 : memref<!tpu.dma_semaphore, #tpu.memory_space<semaphore_mem>>) src(%arg11 : memref<128x16xf32, #tpu.memory_space<vmem>>) dst(%dma_wait3A_262 : memref<100352x16xf32, #tpu.memory_space<vmem_shared>>)
        %lt3A_263 = arith.constant 6 : i32
        %lt3A_264 = arith.cmpi slt, %scan3A_97, %lt3A_263 : i32
        %convert_element_type3A_265 = arith.extui %lt3A_264 : i1 to i32
        %cond3A_266 = arith.constant 0 : i32
        %cond3A_267 = arith.cmpi ne, %convert_element_type3A_265, %cond3A_266 : i32
        scf.if %cond3A_267 {
          %add3A_344 = arith.constant 8 : i32
          %add3A_345 = arith.addi %add3A_256, %add3A_344 : i32
          %dma_start3A_346 = arith.constant 0 : i32
          %dma_start3A_347 = tpu.memref_slice %arg7[%add3A_345, %dma_start3A_346] : memref<56x128xi32, #tpu.memory_space<vmem>> -> memref<1x128xi32, #tpu.memory_space<vmem>>
          %dma_start3A_348 = tpu.memref_squeeze %dma_start3A_347 : memref<1x128xi32, #tpu.memory_space<vmem>> -> memref<128xi32, #tpu.memory_space<vmem>>
          %dma_start3A_349 = arith.constant 0 : i32
          %dma_start3A_350 = arith.constant 0 : i32
          %dma_start3A_351 = tpu.memref_slice %arg2[%dma_start3A_349, %dma_start3A_350] : memref<100352x16xf32, #tpu.memory_space<hbm>> -> memref<100352x16xf32, #tpu.memory_space<hbm>>
          tpu.enqueue_indirect_dma source(%dma_start3A_351 : memref<100352x16xf32, #tpu.memory_space<hbm>>) target(%arg11 : memref<128x16xf32, #tpu.memory_space<vmem>>) offsets(%dma_start3A_348 : memref<128xi32, #tpu.memory_space<vmem>>) semaphore(%arg19 : memref<!tpu.dma_semaphore, #tpu.memory_space<semaphore_mem>>)
        } else {
        }
        %mul3A_268 = arith.constant 8 : i32
        %mul3A_269 = arith.muli %scan3A_97, %mul3A_268 : i32
        %add3A_270 = arith.constant 3 : i32
        %add3A_271 = arith.addi %mul3A_269, %add3A_270 : i32
        %dma_wait3A_272 = arith.constant 0 : i32
        %dma_wait3A_273 = tpu.memref_slice %arg8[%add3A_271, %dma_wait3A_272] : memref<56x128xi32, #tpu.memory_space<vmem>> -> memref<1x128xi32, #tpu.memory_space<vmem>>
        %dma_wait3A_274 = tpu.memref_squeeze %dma_wait3A_273 : memref<1x128xi32, #tpu.memory_space<vmem>> -> memref<128xi32, #tpu.memory_space<vmem>>
        %dma_wait3A_275 = arith.constant 0 : i32
        %dma_wait3A_276 = arith.constant 0 : i32
        %dma_wait3A_277 = tpu.memref_slice %arg6[%dma_wait3A_275, %dma_wait3A_276] : memref<100352x16xf32, #tpu.memory_space<vmem_shared>> -> memref<100352x16xf32, #tpu.memory_space<vmem_shared>>
        tpu.wait_indirect_dma semaphore(%arg28 : memref<!tpu.dma_semaphore, #tpu.memory_space<semaphore_mem>>) src(%arg12 : memref<128x16xf32, #tpu.memory_space<vmem>>) dst(%dma_wait3A_277 : memref<100352x16xf32, #tpu.memory_space<vmem_shared>>)
        %lt3A_278 = arith.constant 6 : i32
        %lt3A_279 = arith.cmpi slt, %scan3A_97, %lt3A_278 : i32
        %convert_element_type3A_280 = arith.extui %lt3A_279 : i1 to i32
        %cond3A_281 = arith.constant 0 : i32
        %cond3A_282 = arith.cmpi ne, %convert_element_type3A_280, %cond3A_281 : i32
        scf.if %cond3A_282 {
          %add3A_344 = arith.constant 8 : i32
          %add3A_345 = arith.addi %add3A_271, %add3A_344 : i32
          %dma_start3A_346 = arith.constant 0 : i32
          %dma_start3A_347 = tpu.memref_slice %arg7[%add3A_345, %dma_start3A_346] : memref<56x128xi32, #tpu.memory_space<vmem>> -> memref<1x128xi32, #tpu.memory_space<vmem>>
          %dma_start3A_348 = tpu.memref_squeeze %dma_start3A_347 : memref<1x128xi32, #tpu.memory_space<vmem>> -> memref<128xi32, #tpu.memory_space<vmem>>
          %dma_start3A_349 = arith.constant 0 : i32
          %dma_start3A_350 = arith.constant 0 : i32
          %dma_start3A_351 = tpu.memref_slice %arg2[%dma_start3A_349, %dma_start3A_350] : memref<100352x16xf32, #tpu.memory_space<hbm>> -> memref<100352x16xf32, #tpu.memory_space<hbm>>
          tpu.enqueue_indirect_dma source(%dma_start3A_351 : memref<100352x16xf32, #tpu.memory_space<hbm>>) target(%arg12 : memref<128x16xf32, #tpu.memory_space<vmem>>) offsets(%dma_start3A_348 : memref<128xi32, #tpu.memory_space<vmem>>) semaphore(%arg20 : memref<!tpu.dma_semaphore, #tpu.memory_space<semaphore_mem>>)
        } else {
        }
        %mul3A_283 = arith.constant 8 : i32
        %mul3A_284 = arith.muli %scan3A_97, %mul3A_283 : i32
        %add3A_285 = arith.constant 4 : i32
        %add3A_286 = arith.addi %mul3A_284, %add3A_285 : i32
        %dma_wait3A_287 = arith.constant 0 : i32
        %dma_wait3A_288 = tpu.memref_slice %arg8[%add3A_286, %dma_wait3A_287] : memref<56x128xi32, #tpu.memory_space<vmem>> -> memref<1x128xi32, #tpu.memory_space<vmem>>
        %dma_wait3A_289 = tpu.memref_squeeze %dma_wait3A_288 : memref<1x128xi32, #tpu.memory_space<vmem>> -> memref<128xi32, #tpu.memory_space<vmem>>
        %dma_wait3A_290 = arith.constant 0 : i32
        %dma_wait3A_291 = arith.constant 0 : i32
        %dma_wait3A_292 = tpu.memref_slice %arg6[%dma_wait3A_290, %dma_wait3A_291] : memref<100352x16xf32, #tpu.memory_space<vmem_shared>> -> memref<100352x16xf32, #tpu.memory_space<vmem_shared>>
        tpu.wait_indirect_dma semaphore(%arg29 : memref<!tpu.dma_semaphore, #tpu.memory_space<semaphore_mem>>) src(%arg13 : memref<128x16xf32, #tpu.memory_space<vmem>>) dst(%dma_wait3A_292 : memref<100352x16xf32, #tpu.memory_space<vmem_shared>>)
        %lt3A_293 = arith.constant 6 : i32
        %lt3A_294 = arith.cmpi slt, %scan3A_97, %lt3A_293 : i32
        %convert_element_type3A_295 = arith.extui %lt3A_294 : i1 to i32
        %cond3A_296 = arith.constant 0 : i32
        %cond3A_297 = arith.cmpi ne, %convert_element_type3A_295, %cond3A_296 : i32
        scf.if %cond3A_297 {
          %add3A_344 = arith.constant 8 : i32
          %add3A_345 = arith.addi %add3A_286, %add3A_344 : i32
          %dma_start3A_346 = arith.constant 0 : i32
          %dma_start3A_347 = tpu.memref_slice %arg7[%add3A_345, %dma_start3A_346] : memref<56x128xi32, #tpu.memory_space<vmem>> -> memref<1x128xi32, #tpu.memory_space<vmem>>
          %dma_start3A_348 = tpu.memref_squeeze %dma_start3A_347 : memref<1x128xi32, #tpu.memory_space<vmem>> -> memref<128xi32, #tpu.memory_space<vmem>>
          %dma_start3A_349 = arith.constant 0 : i32
          %dma_start3A_350 = arith.constant 0 : i32
          %dma_start3A_351 = tpu.memref_slice %arg2[%dma_start3A_349, %dma_start3A_350] : memref<100352x16xf32, #tpu.memory_space<hbm>> -> memref<100352x16xf32, #tpu.memory_space<hbm>>
          tpu.enqueue_indirect_dma source(%dma_start3A_351 : memref<100352x16xf32, #tpu.memory_space<hbm>>) target(%arg13 : memref<128x16xf32, #tpu.memory_space<vmem>>) offsets(%dma_start3A_348 : memref<128xi32, #tpu.memory_space<vmem>>) semaphore(%arg21 : memref<!tpu.dma_semaphore, #tpu.memory_space<semaphore_mem>>)
        } else {
        }
        %mul3A_298 = arith.constant 8 : i32
        %mul3A_299 = arith.muli %scan3A_97, %mul3A_298 : i32
        %add3A_300 = arith.constant 5 : i32
        %add3A_301 = arith.addi %mul3A_299, %add3A_300 : i32
        %dma_wait3A_302 = arith.constant 0 : i32
        %dma_wait3A_303 = tpu.memref_slice %arg8[%add3A_301, %dma_wait3A_302] : memref<56x128xi32, #tpu.memory_space<vmem>> -> memref<1x128xi32, #tpu.memory_space<vmem>>
        %dma_wait3A_304 = tpu.memref_squeeze %dma_wait3A_303 : memref<1x128xi32, #tpu.memory_space<vmem>> -> memref<128xi32, #tpu.memory_space<vmem>>
        %dma_wait3A_305 = arith.constant 0 : i32
        %dma_wait3A_306 = arith.constant 0 : i32
        %dma_wait3A_307 = tpu.memref_slice %arg6[%dma_wait3A_305, %dma_wait3A_306] : memref<100352x16xf32, #tpu.memory_space<vmem_shared>> -> memref<100352x16xf32, #tpu.memory_space<vmem_shared>>
        tpu.wait_indirect_dma semaphore(%arg30 : memref<!tpu.dma_semaphore, #tpu.memory_space<semaphore_mem>>) src(%arg14 : memref<128x16xf32, #tpu.memory_space<vmem>>) dst(%dma_wait3A_307 : memref<100352x16xf32, #tpu.memory_space<vmem_shared>>)
        %lt3A_308 = arith.constant 6 : i32
        %lt3A_309 = arith.cmpi slt, %scan3A_97, %lt3A_308 : i32
        %convert_element_type3A_310 = arith.extui %lt3A_309 : i1 to i32
        %cond3A_311 = arith.constant 0 : i32
        %cond3A_312 = arith.cmpi ne, %convert_element_type3A_310, %cond3A_311 : i32
        scf.if %cond3A_312 {
          %add3A_344 = arith.constant 8 : i32
          %add3A_345 = arith.addi %add3A_301, %add3A_344 : i32
          %dma_start3A_346 = arith.constant 0 : i32
          %dma_start3A_347 = tpu.memref_slice %arg7[%add3A_345, %dma_start3A_346] : memref<56x128xi32, #tpu.memory_space<vmem>> -> memref<1x128xi32, #tpu.memory_space<vmem>>
          %dma_start3A_348 = tpu.memref_squeeze %dma_start3A_347 : memref<1x128xi32, #tpu.memory_space<vmem>> -> memref<128xi32, #tpu.memory_space<vmem>>
          %dma_start3A_349 = arith.constant 0 : i32
          %dma_start3A_350 = arith.constant 0 : i32
          %dma_start3A_351 = tpu.memref_slice %arg2[%dma_start3A_349, %dma_start3A_350] : memref<100352x16xf32, #tpu.memory_space<hbm>> -> memref<100352x16xf32, #tpu.memory_space<hbm>>
          tpu.enqueue_indirect_dma source(%dma_start3A_351 : memref<100352x16xf32, #tpu.memory_space<hbm>>) target(%arg14 : memref<128x16xf32, #tpu.memory_space<vmem>>) offsets(%dma_start3A_348 : memref<128xi32, #tpu.memory_space<vmem>>) semaphore(%arg22 : memref<!tpu.dma_semaphore, #tpu.memory_space<semaphore_mem>>)
        } else {
        }
        %mul3A_313 = arith.constant 8 : i32
        %mul3A_314 = arith.muli %scan3A_97, %mul3A_313 : i32
        %add3A_315 = arith.constant 6 : i32
        %add3A_316 = arith.addi %mul3A_314, %add3A_315 : i32
        %dma_wait3A_317 = arith.constant 0 : i32
        %dma_wait3A_318 = tpu.memref_slice %arg8[%add3A_316, %dma_wait3A_317] : memref<56x128xi32, #tpu.memory_space<vmem>> -> memref<1x128xi32, #tpu.memory_space<vmem>>
        %dma_wait3A_319 = tpu.memref_squeeze %dma_wait3A_318 : memref<1x128xi32, #tpu.memory_space<vmem>> -> memref<128xi32, #tpu.memory_space<vmem>>
        %dma_wait3A_320 = arith.constant 0 : i32
        %dma_wait3A_321 = arith.constant 0 : i32
        %dma_wait3A_322 = tpu.memref_slice %arg6[%dma_wait3A_320, %dma_wait3A_321] : memref<100352x16xf32, #tpu.memory_space<vmem_shared>> -> memref<100352x16xf32, #tpu.memory_space<vmem_shared>>
        tpu.wait_indirect_dma semaphore(%arg31 : memref<!tpu.dma_semaphore, #tpu.memory_space<semaphore_mem>>) src(%arg15 : memref<128x16xf32, #tpu.memory_space<vmem>>) dst(%dma_wait3A_322 : memref<100352x16xf32, #tpu.memory_space<vmem_shared>>)
        %lt3A_323 = arith.constant 6 : i32
        %lt3A_324 = arith.cmpi slt, %scan3A_97, %lt3A_323 : i32
        %convert_element_type3A_325 = arith.extui %lt3A_324 : i1 to i32
        %cond3A_326 = arith.constant 0 : i32
        %cond3A_327 = arith.cmpi ne, %convert_element_type3A_325, %cond3A_326 : i32
        scf.if %cond3A_327 {
          %add3A_344 = arith.constant 8 : i32
          %add3A_345 = arith.addi %add3A_316, %add3A_344 : i32
          %dma_start3A_346 = arith.constant 0 : i32
          %dma_start3A_347 = tpu.memref_slice %arg7[%add3A_345, %dma_start3A_346] : memref<56x128xi32, #tpu.memory_space<vmem>> -> memref<1x128xi32, #tpu.memory_space<vmem>>
          %dma_start3A_348 = tpu.memref_squeeze %dma_start3A_347 : memref<1x128xi32, #tpu.memory_space<vmem>> -> memref<128xi32, #tpu.memory_space<vmem>>
          %dma_start3A_349 = arith.constant 0 : i32
          %dma_start3A_350 = arith.constant 0 : i32
          %dma_start3A_351 = tpu.memref_slice %arg2[%dma_start3A_349, %dma_start3A_350] : memref<100352x16xf32, #tpu.memory_space<hbm>> -> memref<100352x16xf32, #tpu.memory_space<hbm>>
          tpu.enqueue_indirect_dma source(%dma_start3A_351 : memref<100352x16xf32, #tpu.memory_space<hbm>>) target(%arg15 : memref<128x16xf32, #tpu.memory_space<vmem>>) offsets(%dma_start3A_348 : memref<128xi32, #tpu.memory_space<vmem>>) semaphore(%arg23 : memref<!tpu.dma_semaphore, #tpu.memory_space<semaphore_mem>>)
        } else {
        }
        %mul3A_328 = arith.constant 8 : i32
        %mul3A_329 = arith.muli %scan3A_97, %mul3A_328 : i32
        %add3A_330 = arith.constant 7 : i32
        %add3A_331 = arith.addi %mul3A_329, %add3A_330 : i32
        %dma_wait3A_332 = arith.constant 0 : i32
        %dma_wait3A_333 = tpu.memref_slice %arg8[%add3A_331, %dma_wait3A_332] : memref<56x128xi32, #tpu.memory_space<vmem>> -> memref<1x128xi32, #tpu.memory_space<vmem>>
        %dma_wait3A_334 = tpu.memref_squeeze %dma_wait3A_333 : memref<1x128xi32, #tpu.memory_space<vmem>> -> memref<128xi32, #tpu.memory_space<vmem>>
        %dma_wait3A_335 = arith.constant 0 : i32
        %dma_wait3A_336 = arith.constant 0 : i32
        %dma_wait3A_337 = tpu.memref_slice %arg6[%dma_wait3A_335, %dma_wait3A_336] : memref<100352x16xf32, #tpu.memory_space<vmem_shared>> -> memref<100352x16xf32, #tpu.memory_space<vmem_shared>>
        tpu.wait_indirect_dma semaphore(%arg32 : memref<!tpu.dma_semaphore, #tpu.memory_space<semaphore_mem>>) src(%arg16 : memref<128x16xf32, #tpu.memory_space<vmem>>) dst(%dma_wait3A_337 : memref<100352x16xf32, #tpu.memory_space<vmem_shared>>)
        %lt3A_338 = arith.constant 6 : i32
        %lt3A_339 = arith.cmpi slt, %scan3A_97, %lt3A_338 : i32
        %convert_element_type3A_340 = arith.extui %lt3A_339 : i1 to i32
        %cond3A_341 = arith.constant 0 : i32
        %cond3A_342 = arith.cmpi ne, %convert_element_type3A_340, %cond3A_341 : i32
        scf.if %cond3A_342 {
          %add3A_344 = arith.constant 8 : i32
          %add3A_345 = arith.addi %add3A_331, %add3A_344 : i32
          %dma_start3A_346 = arith.constant 0 : i32
          %dma_start3A_347 = tpu.memref_slice %arg7[%add3A_345, %dma_start3A_346] : memref<56x128xi32, #tpu.memory_space<vmem>> -> memref<1x128xi32, #tpu.memory_space<vmem>>
          %dma_start3A_348 = tpu.memref_squeeze %dma_start3A_347 : memref<1x128xi32, #tpu.memory_space<vmem>> -> memref<128xi32, #tpu.memory_space<vmem>>
          %dma_start3A_349 = arith.constant 0 : i32
          %dma_start3A_350 = arith.constant 0 : i32
          %dma_start3A_351 = tpu.memref_slice %arg2[%dma_start3A_349, %dma_start3A_350] : memref<100352x16xf32, #tpu.memory_space<hbm>> -> memref<100352x16xf32, #tpu.memory_space<hbm>>
          tpu.enqueue_indirect_dma source(%dma_start3A_351 : memref<100352x16xf32, #tpu.memory_space<hbm>>) target(%arg16 : memref<128x16xf32, #tpu.memory_space<vmem>>) offsets(%dma_start3A_348 : memref<128xi32, #tpu.memory_space<vmem>>) semaphore(%arg24 : memref<!tpu.dma_semaphore, #tpu.memory_space<semaphore_mem>>)
        } else {
        }
        %scan3A_343 = arith.constant 0 : i32
        scf.yield %scan3A_343 : i32
      }
      %scan3A_95 = arith.constant 7 : i32
      %scan3A_96 = arith.constant 0 : i32
      scf.yield %scan3A_96 : i32
    }
    %scan3A_21 = arith.constant 14 : i32
    %barrier3A_22 = arith.constant 0 : index
    tpu.barrier barrier_id(%barrier3A_22)
    %mul3A_23 = arith.constant 6272 : i32
    %mul3A_24 = arith.muli %arg1, %mul3A_23 : i32
    %mul3A_25 = arith.constant 6272 : i32
    %mul3A_26 = arith.muli %arg1, %mul3A_25 : i32
    "tpu.region"() ({
      %run_scoped3A = tpu.sem_alloc : memref<!tpu.dma_semaphore, #tpu.memory_space<semaphore_mem>>
      %dma_start3A = arith.constant 0 : i32
      %dma_start3A_27 = tpu.memref_slice %arg5[%arg0, %mul3A_26, %dma_start3A] : memref<2x100352x16xf32, #tpu.memory_space<hbm>> -> memref<1x6272x16xf32, #tpu.memory_space<hbm>>
      %dma_start3A_28 = tpu.memref_squeeze %dma_start3A_27 : memref<1x6272x16xf32, #tpu.memory_space<hbm>> -> memref<6272x16xf32, #tpu.memory_space<hbm>>
      %dma_start3A_29 = arith.constant 0 : i32
      %dma_start3A_30 = tpu.memref_slice %arg6[%mul3A_24, %dma_start3A_29] : memref<100352x16xf32, #tpu.memory_space<vmem_shared>> -> memref<6272x16xf32, #tpu.memory_space<vmem_shared>>
      tpu.enqueue_dma source(%dma_start3A_30 : memref<6272x16xf32, #tpu.memory_space<vmem_shared>>) target(%dma_start3A_28 : memref<6272x16xf32, #tpu.memory_space<hbm>>) target_semaphore(%run_scoped3A : memref<!tpu.dma_semaphore, #tpu.memory_space<semaphore_mem>>)
      %dma_wait3A = arith.constant 0 : i32
      %dma_wait3A_31 = tpu.memref_slice %arg5[%arg0, %mul3A_26, %dma_wait3A] : memref<2x100352x16xf32, #tpu.memory_space<hbm>> -> memref<1x6272x16xf32, #tpu.memory_space<hbm>>
      %dma_wait3A_32 = tpu.memref_squeeze %dma_wait3A_31 : memref<1x6272x16xf32, #tpu.memory_space<hbm>> -> memref<6272x16xf32, #tpu.memory_space<hbm>>
      %dma_wait3A_33 = arith.constant 0 : i32
      %dma_wait3A_34 = tpu.memref_slice %arg6[%mul3A_24, %dma_wait3A_33] : memref<100352x16xf32, #tpu.memory_space<vmem_shared>> -> memref<6272x16xf32, #tpu.memory_space<vmem_shared>>
      tpu.wait_dma2 semaphore(%run_scoped3A : memref<!tpu.dma_semaphore, #tpu.memory_space<semaphore_mem>>) src(%dma_wait3A_34 : memref<6272x16xf32, #tpu.memory_space<vmem_shared>>) dst(%dma_wait3A_32 : memref<6272x16xf32, #tpu.memory_space<hbm>>)
      tpu.yield
    }) : () -> ()
    return
  }
}

#map = affine_map<(d0, d1) -> (0, 0)>
module attributes {stable_mosaic.version = 14 : i64} {
  func.func @_deg_body(%arg0: i32, %arg1: i32, %arg2: memref<25088x128xi32, #tpu.memory_space<hbm>>, %arg3: memref<2x100352xf32, #tpu.memory_space<hbm>>, %arg4: memref<100352xf32, #tpu.memory_space<vmem_shared>>, %arg5: memref<56x128xi32, #tpu.memory_space<vmem>>, %arg6: memref<6272xf32, #tpu.memory_space<vmem>>, %arg7: memref<128xf32, #tpu.memory_space<vmem>>, %arg8: memref<!tpu.dma_semaphore, #tpu.memory_space<semaphore_mem>>) attributes {dimension_semantics = [#tpu.dimension_semantics<core_parallel>, #tpu.dimension_semantics<subcore_parallel>], iteration_bounds = array<i64: 2, 16>, scalar_prefetch = 0 : i64, scratch_operands = 5 : i64, tpu.core_type = #tpu.core_type<sc_vector_subcore>, window_params = [{transform_indices = #map}, {transform_indices = #map}]} {
    %mul3A = arith.constant 2 : i32
    %mul3A_0 = arith.muli %arg1, %mul3A : i32
    %add3A = arith.addi %mul3A_0, %arg0 : i32
    %broadcast_in_dim3A = arith.constant 0.000000e+00 : f32
    %broadcast_in_dim3A_1 = vector.broadcast %broadcast_in_dim3A : f32 to vector<16xf32>
    %scan3A = arith.constant 0 : i32
    %scan3A_2 = arith.constant 0 : i32
    %scan3A_3 = arith.constant 392 : i32
    %scan3A_4 = arith.addi %scan3A_2, %scan3A_3 : i32
    %scan3A_5 = arith.constant 1 : i32
    %scan3A_6 = scf.for %scan3A_55 = %scan3A_2 to %scan3A_4 step %scan3A_5 iter_args(%scan3A_56 = %scan3A) -> (i32)  : i32 {
      %mul3A_57 = arith.constant 16 : i32
      %mul3A_58 = arith.muli %scan3A_55, %mul3A_57 : i32
      %swap3A_59 = arith.index_cast %mul3A_58 : i32 to index
      %swap3A_60 = tpu.vector_load %arg6[%swap3A_59] {strides = array<i32>} : memref<6272xf32, #tpu.memory_space<vmem>>, vector<16xf32>,
      %swap3A_61 = vector.shape_cast %swap3A_60 : vector<16xf32> to vector<16xf32>
      %swap3A_62 = vector.shape_cast %broadcast_in_dim3A_1 : vector<16xf32> to vector<16xf32>
      tpu.vector_store %arg6[%swap3A_59], %swap3A_62 {strides = array<i32>} : memref<6272xf32, #tpu.memory_space<vmem>>, vector<16xf32>,
      %scan3A_63 = arith.constant 0 : i32
      scf.yield %scan3A_63 : i32
    }
    %scan3A_7 = arith.constant 392 : i32
    %broadcast_in_dim3A_8 = arith.constant 1.000000e+00 : f32
    %broadcast_in_dim3A_9 = vector.broadcast %broadcast_in_dim3A_8 : f32 to vector<16xf32>
    %swap3A = arith.constant 0 : index
    %swap3A_10 = tpu.vector_load %arg7[%swap3A] {strides = array<i32>} : memref<128xf32, #tpu.memory_space<vmem>>, vector<16xf32>,
    %swap3A_11 = vector.shape_cast %swap3A_10 : vector<16xf32> to vector<16xf32>
    %swap3A_12 = vector.shape_cast %broadcast_in_dim3A_9 : vector<16xf32> to vector<16xf32>
    tpu.vector_store %arg7[%swap3A], %swap3A_12 {strides = array<i32>} : memref<128xf32, #tpu.memory_space<vmem>>, vector<16xf32>,
    %swap3A_13 = arith.constant 16 : index
    %swap3A_14 = tpu.vector_load %arg7[%swap3A_13] {strides = array<i32>} : memref<128xf32, #tpu.memory_space<vmem>>, vector<16xf32>,
    %swap3A_15 = vector.shape_cast %swap3A_14 : vector<16xf32> to vector<16xf32>
    %swap3A_16 = vector.shape_cast %broadcast_in_dim3A_9 : vector<16xf32> to vector<16xf32>
    tpu.vector_store %arg7[%swap3A_13], %swap3A_16 {strides = array<i32>} : memref<128xf32, #tpu.memory_space<vmem>>, vector<16xf32>,
    %swap3A_17 = arith.constant 32 : index
    %swap3A_18 = tpu.vector_load %arg7[%swap3A_17] {strides = array<i32>} : memref<128xf32, #tpu.memory_space<vmem>>, vector<16xf32>,
    %swap3A_19 = vector.shape_cast %swap3A_18 : vector<16xf32> to vector<16xf32>
    %swap3A_20 = vector.shape_cast %broadcast_in_dim3A_9 : vector<16xf32> to vector<16xf32>
    tpu.vector_store %arg7[%swap3A_17], %swap3A_20 {strides = array<i32>} : memref<128xf32, #tpu.memory_space<vmem>>, vector<16xf32>,
    %swap3A_21 = arith.constant 48 : index
    %swap3A_22 = tpu.vector_load %arg7[%swap3A_21] {strides = array<i32>} : memref<128xf32, #tpu.memory_space<vmem>>, vector<16xf32>,
    %swap3A_23 = vector.shape_cast %swap3A_22 : vector<16xf32> to vector<16xf32>
    %swap3A_24 = vector.shape_cast %broadcast_in_dim3A_9 : vector<16xf32> to vector<16xf32>
    tpu.vector_store %arg7[%swap3A_21], %swap3A_24 {strides = array<i32>} : memref<128xf32, #tpu.memory_space<vmem>>, vector<16xf32>,
    %swap3A_25 = arith.constant 64 : index
    %swap3A_26 = tpu.vector_load %arg7[%swap3A_25] {strides = array<i32>} : memref<128xf32, #tpu.memory_space<vmem>>, vector<16xf32>,
    %swap3A_27 = vector.shape_cast %swap3A_26 : vector<16xf32> to vector<16xf32>
    %swap3A_28 = vector.shape_cast %broadcast_in_dim3A_9 : vector<16xf32> to vector<16xf32>
    tpu.vector_store %arg7[%swap3A_25], %swap3A_28 {strides = array<i32>} : memref<128xf32, #tpu.memory_space<vmem>>, vector<16xf32>,
    %swap3A_29 = arith.constant 80 : index
    %swap3A_30 = tpu.vector_load %arg7[%swap3A_29] {strides = array<i32>} : memref<128xf32, #tpu.memory_space<vmem>>, vector<16xf32>,
    %swap3A_31 = vector.shape_cast %swap3A_30 : vector<16xf32> to vector<16xf32>
    %swap3A_32 = vector.shape_cast %broadcast_in_dim3A_9 : vector<16xf32> to vector<16xf32>
    tpu.vector_store %arg7[%swap3A_29], %swap3A_32 {strides = array<i32>} : memref<128xf32, #tpu.memory_space<vmem>>, vector<16xf32>,
    %swap3A_33 = arith.constant 96 : index
    %swap3A_34 = tpu.vector_load %arg7[%swap3A_33] {strides = array<i32>} : memref<128xf32, #tpu.memory_space<vmem>>, vector<16xf32>,
    %swap3A_35 = vector.shape_cast %swap3A_34 : vector<16xf32> to vector<16xf32>
    %swap3A_36 = vector.shape_cast %broadcast_in_dim3A_9 : vector<16xf32> to vector<16xf32>
    tpu.vector_store %arg7[%swap3A_33], %swap3A_36 {strides = array<i32>} : memref<128xf32, #tpu.memory_space<vmem>>, vector<16xf32>,
    %swap3A_37 = arith.constant 112 : index
    %swap3A_38 = tpu.vector_load %arg7[%swap3A_37] {strides = array<i32>} : memref<128xf32, #tpu.memory_space<vmem>>, vector<16xf32>,
    %swap3A_39 = vector.shape_cast %swap3A_38 : vector<16xf32> to vector<16xf32>
    %swap3A_40 = vector.shape_cast %broadcast_in_dim3A_9 : vector<16xf32> to vector<16xf32>
    tpu.vector_store %arg7[%swap3A_37], %swap3A_40 {strides = array<i32>} : memref<128xf32, #tpu.memory_space<vmem>>, vector<16xf32>,
    %mul3A_41 = arith.constant 6272 : i32
    %mul3A_42 = arith.muli %arg1, %mul3A_41 : i32
    "tpu.region"() ({
      %run_scoped3A = tpu.sem_alloc : memref<!tpu.dma_semaphore, #tpu.memory_space<semaphore_mem>>
      %dma_start3A = tpu.memref_slice %arg4[%mul3A_42] : memref<100352xf32, #tpu.memory_space<vmem_shared>> -> memref<6272xf32, #tpu.memory_space<vmem_shared>>
      %dma_start3A_55 = tpu.memref_slice %arg4[%mul3A_42] : memref<100352xf32, #tpu.memory_space<vmem_shared>> -> memref<6272xf32, #tpu.memory_space<vmem_shared>>
      tpu.enqueue_dma source(%arg6 : memref<6272xf32, #tpu.memory_space<vmem>>) target(%dma_start3A_55 : memref<6272xf32, #tpu.memory_space<vmem_shared>>) target_semaphore(%run_scoped3A : memref<!tpu.dma_semaphore, #tpu.memory_space<semaphore_mem>>)
      %dma_wait3A = tpu.memref_slice %arg4[%mul3A_42] : memref<100352xf32, #tpu.memory_space<vmem_shared>> -> memref<6272xf32, #tpu.memory_space<vmem_shared>>
      %dma_wait3A_56 = tpu.memref_slice %arg4[%mul3A_42] : memref<100352xf32, #tpu.memory_space<vmem_shared>> -> memref<6272xf32, #tpu.memory_space<vmem_shared>>
      tpu.wait_dma2 semaphore(%run_scoped3A : memref<!tpu.dma_semaphore, #tpu.memory_space<semaphore_mem>>) src(%arg6 : memref<6272xf32, #tpu.memory_space<vmem>>) dst(%dma_wait3A_56 : memref<6272xf32, #tpu.memory_space<vmem_shared>>)
      tpu.yield
    }) : () -> ()
    %barrier3A = arith.constant 0 : index
    tpu.barrier barrier_id(%barrier3A)
    %scan3A_43 = arith.constant 0 : i32
    %scan3A_44 = arith.constant 0 : i32
    %scan3A_45 = arith.constant 14 : i32
    %scan3A_46 = arith.addi %scan3A_44, %scan3A_45 : i32
    %scan3A_47 = arith.constant 1 : i32
    %scan3A_48 = scf.for %scan3A_55 = %scan3A_44 to %scan3A_46 step %scan3A_47 iter_args(%scan3A_56 = %scan3A_43) -> (i32)  : i32 {
      %mul3A_57 = arith.constant 784 : i32
      %mul3A_58 = arith.muli %add3A, %mul3A_57 : i32
      %mul3A_59 = arith.constant 56 : i32
      %mul3A_60 = arith.muli %scan3A_55, %mul3A_59 : i32
      %add3A_61 = arith.addi %mul3A_58, %mul3A_60 : i32
      "tpu.region"() ({
        %run_scoped3A = tpu.sem_alloc : memref<!tpu.dma_semaphore, #tpu.memory_space<semaphore_mem>>
        %dma_start3A = arith.constant 0 : i32
        %dma_start3A_117 = tpu.memref_slice %arg2[%add3A_61, %dma_start3A] : memref<25088x128xi32, #tpu.memory_space<hbm>> -> memref<56x128xi32, #tpu.memory_space<hbm>>
        %dma_start3A_118 = arith.constant 0 : i32
        %dma_start3A_119 = tpu.memref_slice %arg2[%add3A_61, %dma_start3A_118] : memref<25088x128xi32, #tpu.memory_space<hbm>> -> memref<56x128xi32, #tpu.memory_space<hbm>>
        tpu.enqueue_dma source(%dma_start3A_119 : memref<56x128xi32, #tpu.memory_space<hbm>>) target(%arg5 : memref<56x128xi32, #tpu.memory_space<vmem>>) target_semaphore(%run_scoped3A : memref<!tpu.dma_semaphore, #tpu.memory_space<semaphore_mem>>)
        %dma_wait3A_120 = arith.constant 0 : i32
        %dma_wait3A_121 = tpu.memref_slice %arg2[%add3A_61, %dma_wait3A_120] : memref<25088x128xi32, #tpu.memory_space<hbm>> -> memref<56x128xi32, #tpu.memory_space<hbm>>
        %dma_wait3A_122 = arith.constant 0 : i32
        %dma_wait3A_123 = tpu.memref_slice %arg2[%add3A_61, %dma_wait3A_122] : memref<25088x128xi32, #tpu.memory_space<hbm>> -> memref<56x128xi32, #tpu.memory_space<hbm>>
        tpu.wait_dma2 semaphore(%run_scoped3A : memref<!tpu.dma_semaphore, #tpu.memory_space<semaphore_mem>>) src(%dma_wait3A_123 : memref<56x128xi32, #tpu.memory_space<hbm>>) dst(%arg5 : memref<56x128xi32, #tpu.memory_space<vmem>>)
        tpu.yield
      }) : () -> ()
      %scan3A_62 = arith.constant 0 : i32
      %scan3A_63 = arith.constant 0 : i32
      %scan3A_64 = arith.constant 7 : i32
      %scan3A_65 = arith.addi %scan3A_63, %scan3A_64 : i32
      %scan3A_66 = arith.constant 1 : i32
      %scan3A_67 = scf.for %scan3A_117 = %scan3A_63 to %scan3A_65 step %scan3A_66 iter_args(%scan3A_118 = %scan3A_62) -> (i32)  : i32 {
        %gt3A = arith.constant 0 : i32
        %gt3A_119 = arith.cmpi sgt, %scan3A_117, %gt3A : i32
        %convert_element_type3A = arith.extui %gt3A_119 : i1 to i32
        %cond3A = arith.constant 0 : i32
        %cond3A_120 = arith.cmpi ne, %convert_element_type3A, %cond3A : i32
        scf.if %cond3A_120 {
          %dma_wait3A_193 = arith.constant 0 : i32
          %dma_wait3A_194 = arith.constant 0 : i32
          %dma_wait3A_195 = tpu.memref_slice %arg5[%dma_wait3A_193, %dma_wait3A_194] : memref<56x128xi32, #tpu.memory_space<vmem>> -> memref<1x128xi32, #tpu.memory_space<vmem>>
          %dma_wait3A_196 = tpu.memref_squeeze %dma_wait3A_195 : memref<1x128xi32, #tpu.memory_space<vmem>> -> memref<128xi32, #tpu.memory_space<vmem>>
          %dma_wait3A_197 = arith.constant 0 : i32
          %dma_wait3A_198 = tpu.memref_slice %arg4[%dma_wait3A_197] : memref<100352xf32, #tpu.memory_space<vmem_shared>> -> memref<100352xf32, #tpu.memory_space<vmem_shared>>
          tpu.wait_indirect_dma semaphore(%arg8 : memref<!tpu.dma_semaphore, #tpu.memory_space<semaphore_mem>>) src(%arg7 : memref<128xf32, #tpu.memory_space<vmem>>) dst(%dma_wait3A_198 : memref<100352xf32, #tpu.memory_space<vmem_shared>>)
          %dma_wait3A_199 = arith.constant 0 : i32
          %dma_wait3A_200 = arith.constant 0 : i32
          %dma_wait3A_201 = tpu.memref_slice %arg5[%dma_wait3A_199, %dma_wait3A_200] : memref<56x128xi32, #tpu.memory_space<vmem>> -> memref<1x128xi32, #tpu.memory_space<vmem>>
          %dma_wait3A_202 = tpu.memref_squeeze %dma_wait3A_201 : memref<1x128xi32, #tpu.memory_space<vmem>> -> memref<128xi32, #tpu.memory_space<vmem>>
          %dma_wait3A_203 = arith.constant 0 : i32
          %dma_wait3A_204 = tpu.memref_slice %arg4[%dma_wait3A_203] : memref<100352xf32, #tpu.memory_space<vmem_shared>> -> memref<100352xf32, #tpu.memory_space<vmem_shared>>
          tpu.wait_indirect_dma semaphore(%arg8 : memref<!tpu.dma_semaphore, #tpu.memory_space<semaphore_mem>>) src(%arg7 : memref<128xf32, #tpu.memory_space<vmem>>) dst(%dma_wait3A_204 : memref<100352xf32, #tpu.memory_space<vmem_shared>>)
          %dma_wait3A_205 = arith.constant 0 : i32
          %dma_wait3A_206 = arith.constant 0 : i32
          %dma_wait3A_207 = tpu.memref_slice %arg5[%dma_wait3A_205, %dma_wait3A_206] : memref<56x128xi32, #tpu.memory_space<vmem>> -> memref<1x128xi32, #tpu.memory_space<vmem>>
          %dma_wait3A_208 = tpu.memref_squeeze %dma_wait3A_207 : memref<1x128xi32, #tpu.memory_space<vmem>> -> memref<128xi32, #tpu.memory_space<vmem>>
          %dma_wait3A_209 = arith.constant 0 : i32
          %dma_wait3A_210 = tpu.memref_slice %arg4[%dma_wait3A_209] : memref<100352xf32, #tpu.memory_space<vmem_shared>> -> memref<100352xf32, #tpu.memory_space<vmem_shared>>
          tpu.wait_indirect_dma semaphore(%arg8 : memref<!tpu.dma_semaphore, #tpu.memory_space<semaphore_mem>>) src(%arg7 : memref<128xf32, #tpu.memory_space<vmem>>) dst(%dma_wait3A_210 : memref<100352xf32, #tpu.memory_space<vmem_shared>>)
          %dma_wait3A_211 = arith.constant 0 : i32
          %dma_wait3A_212 = arith.constant 0 : i32
          %dma_wait3A_213 = tpu.memref_slice %arg5[%dma_wait3A_211, %dma_wait3A_212] : memref<56x128xi32, #tpu.memory_space<vmem>> -> memref<1x128xi32, #tpu.memory_space<vmem>>
          %dma_wait3A_214 = tpu.memref_squeeze %dma_wait3A_213 : memref<1x128xi32, #tpu.memory_space<vmem>> -> memref<128xi32, #tpu.memory_space<vmem>>
          %dma_wait3A_215 = arith.constant 0 : i32
          %dma_wait3A_216 = tpu.memref_slice %arg4[%dma_wait3A_215] : memref<100352xf32, #tpu.memory_space<vmem_shared>> -> memref<100352xf32, #tpu.memory_space<vmem_shared>>
          tpu.wait_indirect_dma semaphore(%arg8 : memref<!tpu.dma_semaphore, #tpu.memory_space<semaphore_mem>>) src(%arg7 : memref<128xf32, #tpu.memory_space<vmem>>) dst(%dma_wait3A_216 : memref<100352xf32, #tpu.memory_space<vmem_shared>>)
          %dma_wait3A_217 = arith.constant 0 : i32
          %dma_wait3A_218 = arith.constant 0 : i32
          %dma_wait3A_219 = tpu.memref_slice %arg5[%dma_wait3A_217, %dma_wait3A_218] : memref<56x128xi32, #tpu.memory_space<vmem>> -> memref<1x128xi32, #tpu.memory_space<vmem>>
          %dma_wait3A_220 = tpu.memref_squeeze %dma_wait3A_219 : memref<1x128xi32, #tpu.memory_space<vmem>> -> memref<128xi32, #tpu.memory_space<vmem>>
          %dma_wait3A_221 = arith.constant 0 : i32
          %dma_wait3A_222 = tpu.memref_slice %arg4[%dma_wait3A_221] : memref<100352xf32, #tpu.memory_space<vmem_shared>> -> memref<100352xf32, #tpu.memory_space<vmem_shared>>
          tpu.wait_indirect_dma semaphore(%arg8 : memref<!tpu.dma_semaphore, #tpu.memory_space<semaphore_mem>>) src(%arg7 : memref<128xf32, #tpu.memory_space<vmem>>) dst(%dma_wait3A_222 : memref<100352xf32, #tpu.memory_space<vmem_shared>>)
          %dma_wait3A_223 = arith.constant 0 : i32
          %dma_wait3A_224 = arith.constant 0 : i32
          %dma_wait3A_225 = tpu.memref_slice %arg5[%dma_wait3A_223, %dma_wait3A_224] : memref<56x128xi32, #tpu.memory_space<vmem>> -> memref<1x128xi32, #tpu.memory_space<vmem>>
          %dma_wait3A_226 = tpu.memref_squeeze %dma_wait3A_225 : memref<1x128xi32, #tpu.memory_space<vmem>> -> memref<128xi32, #tpu.memory_space<vmem>>
          %dma_wait3A_227 = arith.constant 0 : i32
          %dma_wait3A_228 = tpu.memref_slice %arg4[%dma_wait3A_227] : memref<100352xf32, #tpu.memory_space<vmem_shared>> -> memref<100352xf32, #tpu.memory_space<vmem_shared>>
          tpu.wait_indirect_dma semaphore(%arg8 : memref<!tpu.dma_semaphore, #tpu.memory_space<semaphore_mem>>) src(%arg7 : memref<128xf32, #tpu.memory_space<vmem>>) dst(%dma_wait3A_228 : memref<100352xf32, #tpu.memory_space<vmem_shared>>)
          %dma_wait3A_229 = arith.constant 0 : i32
          %dma_wait3A_230 = arith.constant 0 : i32
          %dma_wait3A_231 = tpu.memref_slice %arg5[%dma_wait3A_229, %dma_wait3A_230] : memref<56x128xi32, #tpu.memory_space<vmem>> -> memref<1x128xi32, #tpu.memory_space<vmem>>
          %dma_wait3A_232 = tpu.memref_squeeze %dma_wait3A_231 : memref<1x128xi32, #tpu.memory_space<vmem>> -> memref<128xi32, #tpu.memory_space<vmem>>
          %dma_wait3A_233 = arith.constant 0 : i32
          %dma_wait3A_234 = tpu.memref_slice %arg4[%dma_wait3A_233] : memref<100352xf32, #tpu.memory_space<vmem_shared>> -> memref<100352xf32, #tpu.memory_space<vmem_shared>>
          tpu.wait_indirect_dma semaphore(%arg8 : memref<!tpu.dma_semaphore, #tpu.memory_space<semaphore_mem>>) src(%arg7 : memref<128xf32, #tpu.memory_space<vmem>>) dst(%dma_wait3A_234 : memref<100352xf32, #tpu.memory_space<vmem_shared>>)
          %dma_wait3A_235 = arith.constant 0 : i32
          %dma_wait3A_236 = arith.constant 0 : i32
          %dma_wait3A_237 = tpu.memref_slice %arg5[%dma_wait3A_235, %dma_wait3A_236] : memref<56x128xi32, #tpu.memory_space<vmem>> -> memref<1x128xi32, #tpu.memory_space<vmem>>
          %dma_wait3A_238 = tpu.memref_squeeze %dma_wait3A_237 : memref<1x128xi32, #tpu.memory_space<vmem>> -> memref<128xi32, #tpu.memory_space<vmem>>
          %dma_wait3A_239 = arith.constant 0 : i32
          %dma_wait3A_240 = tpu.memref_slice %arg4[%dma_wait3A_239] : memref<100352xf32, #tpu.memory_space<vmem_shared>> -> memref<100352xf32, #tpu.memory_space<vmem_shared>>
          tpu.wait_indirect_dma semaphore(%arg8 : memref<!tpu.dma_semaphore, #tpu.memory_space<semaphore_mem>>) src(%arg7 : memref<128xf32, #tpu.memory_space<vmem>>) dst(%dma_wait3A_240 : memref<100352xf32, #tpu.memory_space<vmem_shared>>)
        } else {
        }
        %mul3A_121 = arith.constant 8 : i32
        %mul3A_122 = arith.muli %scan3A_117, %mul3A_121 : i32
        %add3A_123 = arith.constant 0 : i32
        %add3A_124 = arith.addi %mul3A_122, %add3A_123 : i32
        %dma_start3A = arith.constant 0 : i32
        %dma_start3A_125 = tpu.memref_slice %arg5[%add3A_124, %dma_start3A] : memref<56x128xi32, #tpu.memory_space<vmem>> -> memref<1x128xi32, #tpu.memory_space<vmem>>
        %dma_start3A_126 = tpu.memref_squeeze %dma_start3A_125 : memref<1x128xi32, #tpu.memory_space<vmem>> -> memref<128xi32, #tpu.memory_space<vmem>>
        %dma_start3A_127 = arith.constant 0 : i32
        %dma_start3A_128 = tpu.memref_slice %arg4[%dma_start3A_127] : memref<100352xf32, #tpu.memory_space<vmem_shared>> -> memref<100352xf32, #tpu.memory_space<vmem_shared>>
        tpu.enqueue_indirect_dma source(%arg7 : memref<128xf32, #tpu.memory_space<vmem>>) target(%dma_start3A_128 : memref<100352xf32, #tpu.memory_space<vmem_shared>>) offsets(%dma_start3A_126 : memref<128xi32, #tpu.memory_space<vmem>>) semaphore(%arg8 : memref<!tpu.dma_semaphore, #tpu.memory_space<semaphore_mem>>) {add = true}
        %mul3A_129 = arith.constant 8 : i32
        %mul3A_130 = arith.muli %scan3A_117, %mul3A_129 : i32
        %add3A_131 = arith.constant 1 : i32
        %add3A_132 = arith.addi %mul3A_130, %add3A_131 : i32
        %dma_start3A_133 = arith.constant 0 : i32
        %dma_start3A_134 = tpu.memref_slice %arg5[%add3A_132, %dma_start3A_133] : memref<56x128xi32, #tpu.memory_space<vmem>> -> memref<1x128xi32, #tpu.memory_space<vmem>>
        %dma_start3A_135 = tpu.memref_squeeze %dma_start3A_134 : memref<1x128xi32, #tpu.memory_space<vmem>> -> memref<128xi32, #tpu.memory_space<vmem>>
        %dma_start3A_136 = arith.constant 0 : i32
        %dma_start3A_137 = tpu.memref_slice %arg4[%dma_start3A_136] : memref<100352xf32, #tpu.memory_space<vmem_shared>> -> memref<100352xf32, #tpu.memory_space<vmem_shared>>
        tpu.enqueue_indirect_dma source(%arg7 : memref<128xf32, #tpu.memory_space<vmem>>) target(%dma_start3A_137 : memref<100352xf32, #tpu.memory_space<vmem_shared>>) offsets(%dma_start3A_135 : memref<128xi32, #tpu.memory_space<vmem>>) semaphore(%arg8 : memref<!tpu.dma_semaphore, #tpu.memory_space<semaphore_mem>>) {add = true}
        %mul3A_138 = arith.constant 8 : i32
        %mul3A_139 = arith.muli %scan3A_117, %mul3A_138 : i32
        %add3A_140 = arith.constant 2 : i32
        %add3A_141 = arith.addi %mul3A_139, %add3A_140 : i32
        %dma_start3A_142 = arith.constant 0 : i32
        %dma_start3A_143 = tpu.memref_slice %arg5[%add3A_141, %dma_start3A_142] : memref<56x128xi32, #tpu.memory_space<vmem>> -> memref<1x128xi32, #tpu.memory_space<vmem>>
        %dma_start3A_144 = tpu.memref_squeeze %dma_start3A_143 : memref<1x128xi32, #tpu.memory_space<vmem>> -> memref<128xi32, #tpu.memory_space<vmem>>
        %dma_start3A_145 = arith.constant 0 : i32
        %dma_start3A_146 = tpu.memref_slice %arg4[%dma_start3A_145] : memref<100352xf32, #tpu.memory_space<vmem_shared>> -> memref<100352xf32, #tpu.memory_space<vmem_shared>>
        tpu.enqueue_indirect_dma source(%arg7 : memref<128xf32, #tpu.memory_space<vmem>>) target(%dma_start3A_146 : memref<100352xf32, #tpu.memory_space<vmem_shared>>) offsets(%dma_start3A_144 : memref<128xi32, #tpu.memory_space<vmem>>) semaphore(%arg8 : memref<!tpu.dma_semaphore, #tpu.memory_space<semaphore_mem>>) {add = true}
        %mul3A_147 = arith.constant 8 : i32
        %mul3A_148 = arith.muli %scan3A_117, %mul3A_147 : i32
        %add3A_149 = arith.constant 3 : i32
        %add3A_150 = arith.addi %mul3A_148, %add3A_149 : i32
        %dma_start3A_151 = arith.constant 0 : i32
        %dma_start3A_152 = tpu.memref_slice %arg5[%add3A_150, %dma_start3A_151] : memref<56x128xi32, #tpu.memory_space<vmem>> -> memref<1x128xi32, #tpu.memory_space<vmem>>
        %dma_start3A_153 = tpu.memref_squeeze %dma_start3A_152 : memref<1x128xi32, #tpu.memory_space<vmem>> -> memref<128xi32, #tpu.memory_space<vmem>>
        %dma_start3A_154 = arith.constant 0 : i32
        %dma_start3A_155 = tpu.memref_slice %arg4[%dma_start3A_154] : memref<100352xf32, #tpu.memory_space<vmem_shared>> -> memref<100352xf32, #tpu.memory_space<vmem_shared>>
        tpu.enqueue_indirect_dma source(%arg7 : memref<128xf32, #tpu.memory_space<vmem>>) target(%dma_start3A_155 : memref<100352xf32, #tpu.memory_space<vmem_shared>>) offsets(%dma_start3A_153 : memref<128xi32, #tpu.memory_space<vmem>>) semaphore(%arg8 : memref<!tpu.dma_semaphore, #tpu.memory_space<semaphore_mem>>) {add = true}
        %mul3A_156 = arith.constant 8 : i32
        %mul3A_157 = arith.muli %scan3A_117, %mul3A_156 : i32
        %add3A_158 = arith.constant 4 : i32
        %add3A_159 = arith.addi %mul3A_157, %add3A_158 : i32
        %dma_start3A_160 = arith.constant 0 : i32
        %dma_start3A_161 = tpu.memref_slice %arg5[%add3A_159, %dma_start3A_160] : memref<56x128xi32, #tpu.memory_space<vmem>> -> memref<1x128xi32, #tpu.memory_space<vmem>>
        %dma_start3A_162 = tpu.memref_squeeze %dma_start3A_161 : memref<1x128xi32, #tpu.memory_space<vmem>> -> memref<128xi32, #tpu.memory_space<vmem>>
        %dma_start3A_163 = arith.constant 0 : i32
        %dma_start3A_164 = tpu.memref_slice %arg4[%dma_start3A_163] : memref<100352xf32, #tpu.memory_space<vmem_shared>> -> memref<100352xf32, #tpu.memory_space<vmem_shared>>
        tpu.enqueue_indirect_dma source(%arg7 : memref<128xf32, #tpu.memory_space<vmem>>) target(%dma_start3A_164 : memref<100352xf32, #tpu.memory_space<vmem_shared>>) offsets(%dma_start3A_162 : memref<128xi32, #tpu.memory_space<vmem>>) semaphore(%arg8 : memref<!tpu.dma_semaphore, #tpu.memory_space<semaphore_mem>>) {add = true}
        %mul3A_165 = arith.constant 8 : i32
        %mul3A_166 = arith.muli %scan3A_117, %mul3A_165 : i32
        %add3A_167 = arith.constant 5 : i32
        %add3A_168 = arith.addi %mul3A_166, %add3A_167 : i32
        %dma_start3A_169 = arith.constant 0 : i32
        %dma_start3A_170 = tpu.memref_slice %arg5[%add3A_168, %dma_start3A_169] : memref<56x128xi32, #tpu.memory_space<vmem>> -> memref<1x128xi32, #tpu.memory_space<vmem>>
        %dma_start3A_171 = tpu.memref_squeeze %dma_start3A_170 : memref<1x128xi32, #tpu.memory_space<vmem>> -> memref<128xi32, #tpu.memory_space<vmem>>
        %dma_start3A_172 = arith.constant 0 : i32
        %dma_start3A_173 = tpu.memref_slice %arg4[%dma_start3A_172] : memref<100352xf32, #tpu.memory_space<vmem_shared>> -> memref<100352xf32, #tpu.memory_space<vmem_shared>>
        tpu.enqueue_indirect_dma source(%arg7 : memref<128xf32, #tpu.memory_space<vmem>>) target(%dma_start3A_173 : memref<100352xf32, #tpu.memory_space<vmem_shared>>) offsets(%dma_start3A_171 : memref<128xi32, #tpu.memory_space<vmem>>) semaphore(%arg8 : memref<!tpu.dma_semaphore, #tpu.memory_space<semaphore_mem>>) {add = true}
        %mul3A_174 = arith.constant 8 : i32
        %mul3A_175 = arith.muli %scan3A_117, %mul3A_174 : i32
        %add3A_176 = arith.constant 6 : i32
        %add3A_177 = arith.addi %mul3A_175, %add3A_176 : i32
        %dma_start3A_178 = arith.constant 0 : i32
        %dma_start3A_179 = tpu.memref_slice %arg5[%add3A_177, %dma_start3A_178] : memref<56x128xi32, #tpu.memory_space<vmem>> -> memref<1x128xi32, #tpu.memory_space<vmem>>
        %dma_start3A_180 = tpu.memref_squeeze %dma_start3A_179 : memref<1x128xi32, #tpu.memory_space<vmem>> -> memref<128xi32, #tpu.memory_space<vmem>>
        %dma_start3A_181 = arith.constant 0 : i32
        %dma_start3A_182 = tpu.memref_slice %arg4[%dma_start3A_181] : memref<100352xf32, #tpu.memory_space<vmem_shared>> -> memref<100352xf32, #tpu.memory_space<vmem_shared>>
        tpu.enqueue_indirect_dma source(%arg7 : memref<128xf32, #tpu.memory_space<vmem>>) target(%dma_start3A_182 : memref<100352xf32, #tpu.memory_space<vmem_shared>>) offsets(%dma_start3A_180 : memref<128xi32, #tpu.memory_space<vmem>>) semaphore(%arg8 : memref<!tpu.dma_semaphore, #tpu.memory_space<semaphore_mem>>) {add = true}
        %mul3A_183 = arith.constant 8 : i32
        %mul3A_184 = arith.muli %scan3A_117, %mul3A_183 : i32
        %add3A_185 = arith.constant 7 : i32
        %add3A_186 = arith.addi %mul3A_184, %add3A_185 : i32
        %dma_start3A_187 = arith.constant 0 : i32
        %dma_start3A_188 = tpu.memref_slice %arg5[%add3A_186, %dma_start3A_187] : memref<56x128xi32, #tpu.memory_space<vmem>> -> memref<1x128xi32, #tpu.memory_space<vmem>>
        %dma_start3A_189 = tpu.memref_squeeze %dma_start3A_188 : memref<1x128xi32, #tpu.memory_space<vmem>> -> memref<128xi32, #tpu.memory_space<vmem>>
        %dma_start3A_190 = arith.constant 0 : i32
        %dma_start3A_191 = tpu.memref_slice %arg4[%dma_start3A_190] : memref<100352xf32, #tpu.memory_space<vmem_shared>> -> memref<100352xf32, #tpu.memory_space<vmem_shared>>
        tpu.enqueue_indirect_dma source(%arg7 : memref<128xf32, #tpu.memory_space<vmem>>) target(%dma_start3A_191 : memref<100352xf32, #tpu.memory_space<vmem_shared>>) offsets(%dma_start3A_189 : memref<128xi32, #tpu.memory_space<vmem>>) semaphore(%arg8 : memref<!tpu.dma_semaphore, #tpu.memory_space<semaphore_mem>>) {add = true}
        %scan3A_192 = arith.constant 0 : i32
        scf.yield %scan3A_192 : i32
      }
      %scan3A_68 = arith.constant 7 : i32
      %dma_wait3A = arith.constant 0 : i32
      %dma_wait3A_69 = arith.constant 0 : i32
      %dma_wait3A_70 = tpu.memref_slice %arg5[%dma_wait3A, %dma_wait3A_69] : memref<56x128xi32, #tpu.memory_space<vmem>> -> memref<1x128xi32, #tpu.memory_space<vmem>>
      %dma_wait3A_71 = tpu.memref_squeeze %dma_wait3A_70 : memref<1x128xi32, #tpu.memory_space<vmem>> -> memref<128xi32, #tpu.memory_space<vmem>>
      %dma_wait3A_72 = arith.constant 0 : i32
      %dma_wait3A_73 = tpu.memref_slice %arg4[%dma_wait3A_72] : memref<100352xf32, #tpu.memory_space<vmem_shared>> -> memref<100352xf32, #tpu.memory_space<vmem_shared>>
      tpu.wait_indirect_dma semaphore(%arg8 : memref<!tpu.dma_semaphore, #tpu.memory_space<semaphore_mem>>) src(%arg7 : memref<128xf32, #tpu.memory_space<vmem>>) dst(%dma_wait3A_73 : memref<100352xf32, #tpu.memory_space<vmem_shared>>)
      %dma_wait3A_74 = arith.constant 0 : i32
      %dma_wait3A_75 = arith.constant 0 : i32
      %dma_wait3A_76 = tpu.memref_slice %arg5[%dma_wait3A_74, %dma_wait3A_75] : memref<56x128xi32, #tpu.memory_space<vmem>> -> memref<1x128xi32, #tpu.memory_space<vmem>>
      %dma_wait3A_77 = tpu.memref_squeeze %dma_wait3A_76 : memref<1x128xi32, #tpu.memory_space<vmem>> -> memref<128xi32, #tpu.memory_space<vmem>>
      %dma_wait3A_78 = arith.constant 0 : i32
      %dma_wait3A_79 = tpu.memref_slice %arg4[%dma_wait3A_78] : memref<100352xf32, #tpu.memory_space<vmem_shared>> -> memref<100352xf32, #tpu.memory_space<vmem_shared>>
      tpu.wait_indirect_dma semaphore(%arg8 : memref<!tpu.dma_semaphore, #tpu.memory_space<semaphore_mem>>) src(%arg7 : memref<128xf32, #tpu.memory_space<vmem>>) dst(%dma_wait3A_79 : memref<100352xf32, #tpu.memory_space<vmem_shared>>)
      %dma_wait3A_80 = arith.constant 0 : i32
      %dma_wait3A_81 = arith.constant 0 : i32
      %dma_wait3A_82 = tpu.memref_slice %arg5[%dma_wait3A_80, %dma_wait3A_81] : memref<56x128xi32, #tpu.memory_space<vmem>> -> memref<1x128xi32, #tpu.memory_space<vmem>>
      %dma_wait3A_83 = tpu.memref_squeeze %dma_wait3A_82 : memref<1x128xi32, #tpu.memory_space<vmem>> -> memref<128xi32, #tpu.memory_space<vmem>>
      %dma_wait3A_84 = arith.constant 0 : i32
      %dma_wait3A_85 = tpu.memref_slice %arg4[%dma_wait3A_84] : memref<100352xf32, #tpu.memory_space<vmem_shared>> -> memref<100352xf32, #tpu.memory_space<vmem_shared>>
      tpu.wait_indirect_dma semaphore(%arg8 : memref<!tpu.dma_semaphore, #tpu.memory_space<semaphore_mem>>) src(%arg7 : memref<128xf32, #tpu.memory_space<vmem>>) dst(%dma_wait3A_85 : memref<100352xf32, #tpu.memory_space<vmem_shared>>)
      %dma_wait3A_86 = arith.constant 0 : i32
      %dma_wait3A_87 = arith.constant 0 : i32
      %dma_wait3A_88 = tpu.memref_slice %arg5[%dma_wait3A_86, %dma_wait3A_87] : memref<56x128xi32, #tpu.memory_space<vmem>> -> memref<1x128xi32, #tpu.memory_space<vmem>>
      %dma_wait3A_89 = tpu.memref_squeeze %dma_wait3A_88 : memref<1x128xi32, #tpu.memory_space<vmem>> -> memref<128xi32, #tpu.memory_space<vmem>>
      %dma_wait3A_90 = arith.constant 0 : i32
      %dma_wait3A_91 = tpu.memref_slice %arg4[%dma_wait3A_90] : memref<100352xf32, #tpu.memory_space<vmem_shared>> -> memref<100352xf32, #tpu.memory_space<vmem_shared>>
      tpu.wait_indirect_dma semaphore(%arg8 : memref<!tpu.dma_semaphore, #tpu.memory_space<semaphore_mem>>) src(%arg7 : memref<128xf32, #tpu.memory_space<vmem>>) dst(%dma_wait3A_91 : memref<100352xf32, #tpu.memory_space<vmem_shared>>)
      %dma_wait3A_92 = arith.constant 0 : i32
      %dma_wait3A_93 = arith.constant 0 : i32
      %dma_wait3A_94 = tpu.memref_slice %arg5[%dma_wait3A_92, %dma_wait3A_93] : memref<56x128xi32, #tpu.memory_space<vmem>> -> memref<1x128xi32, #tpu.memory_space<vmem>>
      %dma_wait3A_95 = tpu.memref_squeeze %dma_wait3A_94 : memref<1x128xi32, #tpu.memory_space<vmem>> -> memref<128xi32, #tpu.memory_space<vmem>>
      %dma_wait3A_96 = arith.constant 0 : i32
      %dma_wait3A_97 = tpu.memref_slice %arg4[%dma_wait3A_96] : memref<100352xf32, #tpu.memory_space<vmem_shared>> -> memref<100352xf32, #tpu.memory_space<vmem_shared>>
      tpu.wait_indirect_dma semaphore(%arg8 : memref<!tpu.dma_semaphore, #tpu.memory_space<semaphore_mem>>) src(%arg7 : memref<128xf32, #tpu.memory_space<vmem>>) dst(%dma_wait3A_97 : memref<100352xf32, #tpu.memory_space<vmem_shared>>)
      %dma_wait3A_98 = arith.constant 0 : i32
      %dma_wait3A_99 = arith.constant 0 : i32
      %dma_wait3A_100 = tpu.memref_slice %arg5[%dma_wait3A_98, %dma_wait3A_99] : memref<56x128xi32, #tpu.memory_space<vmem>> -> memref<1x128xi32, #tpu.memory_space<vmem>>
      %dma_wait3A_101 = tpu.memref_squeeze %dma_wait3A_100 : memref<1x128xi32, #tpu.memory_space<vmem>> -> memref<128xi32, #tpu.memory_space<vmem>>
      %dma_wait3A_102 = arith.constant 0 : i32
      %dma_wait3A_103 = tpu.memref_slice %arg4[%dma_wait3A_102] : memref<100352xf32, #tpu.memory_space<vmem_shared>> -> memref<100352xf32, #tpu.memory_space<vmem_shared>>
      tpu.wait_indirect_dma semaphore(%arg8 : memref<!tpu.dma_semaphore, #tpu.memory_space<semaphore_mem>>) src(%arg7 : memref<128xf32, #tpu.memory_space<vmem>>) dst(%dma_wait3A_103 : memref<100352xf32, #tpu.memory_space<vmem_shared>>)
      %dma_wait3A_104 = arith.constant 0 : i32
      %dma_wait3A_105 = arith.constant 0 : i32
      %dma_wait3A_106 = tpu.memref_slice %arg5[%dma_wait3A_104, %dma_wait3A_105] : memref<56x128xi32, #tpu.memory_space<vmem>> -> memref<1x128xi32, #tpu.memory_space<vmem>>
      %dma_wait3A_107 = tpu.memref_squeeze %dma_wait3A_106 : memref<1x128xi32, #tpu.memory_space<vmem>> -> memref<128xi32, #tpu.memory_space<vmem>>
      %dma_wait3A_108 = arith.constant 0 : i32
      %dma_wait3A_109 = tpu.memref_slice %arg4[%dma_wait3A_108] : memref<100352xf32, #tpu.memory_space<vmem_shared>> -> memref<100352xf32, #tpu.memory_space<vmem_shared>>
      tpu.wait_indirect_dma semaphore(%arg8 : memref<!tpu.dma_semaphore, #tpu.memory_space<semaphore_mem>>) src(%arg7 : memref<128xf32, #tpu.memory_space<vmem>>) dst(%dma_wait3A_109 : memref<100352xf32, #tpu.memory_space<vmem_shared>>)
      %dma_wait3A_110 = arith.constant 0 : i32
      %dma_wait3A_111 = arith.constant 0 : i32
      %dma_wait3A_112 = tpu.memref_slice %arg5[%dma_wait3A_110, %dma_wait3A_111] : memref<56x128xi32, #tpu.memory_space<vmem>> -> memref<1x128xi32, #tpu.memory_space<vmem>>
      %dma_wait3A_113 = tpu.memref_squeeze %dma_wait3A_112 : memref<1x128xi32, #tpu.memory_space<vmem>> -> memref<128xi32, #tpu.memory_space<vmem>>
      %dma_wait3A_114 = arith.constant 0 : i32
      %dma_wait3A_115 = tpu.memref_slice %arg4[%dma_wait3A_114] : memref<100352xf32, #tpu.memory_space<vmem_shared>> -> memref<100352xf32, #tpu.memory_space<vmem_shared>>
      tpu.wait_indirect_dma semaphore(%arg8 : memref<!tpu.dma_semaphore, #tpu.memory_space<semaphore_mem>>) src(%arg7 : memref<128xf32, #tpu.memory_space<vmem>>) dst(%dma_wait3A_115 : memref<100352xf32, #tpu.memory_space<vmem_shared>>)
      %scan3A_116 = arith.constant 0 : i32
      scf.yield %scan3A_116 : i32
    }
    %scan3A_49 = arith.constant 14 : i32
    %barrier3A_50 = arith.constant 0 : index
    tpu.barrier barrier_id(%barrier3A_50)
    %mul3A_51 = arith.constant 6272 : i32
    %mul3A_52 = arith.muli %arg1, %mul3A_51 : i32
    %mul3A_53 = arith.constant 6272 : i32
    %mul3A_54 = arith.muli %arg1, %mul3A_53 : i32
    "tpu.region"() ({
      %run_scoped3A = tpu.sem_alloc : memref<!tpu.dma_semaphore, #tpu.memory_space<semaphore_mem>>
      %dma_start3A = tpu.memref_slice %arg3[%arg0, %mul3A_54] : memref<2x100352xf32, #tpu.memory_space<hbm>> -> memref<1x6272xf32, #tpu.memory_space<hbm>>
      %dma_start3A_55 = tpu.memref_squeeze %dma_start3A : memref<1x6272xf32, #tpu.memory_space<hbm>> -> memref<6272xf32, #tpu.memory_space<hbm>>
      %dma_start3A_56 = tpu.memref_slice %arg4[%mul3A_52] : memref<100352xf32, #tpu.memory_space<vmem_shared>> -> memref<6272xf32, #tpu.memory_space<vmem_shared>>
      tpu.enqueue_dma source(%dma_start3A_56 : memref<6272xf32, #tpu.memory_space<vmem_shared>>) target(%dma_start3A_55 : memref<6272xf32, #tpu.memory_space<hbm>>) target_semaphore(%run_scoped3A : memref<!tpu.dma_semaphore, #tpu.memory_space<semaphore_mem>>)
      %dma_wait3A = tpu.memref_slice %arg3[%arg0, %mul3A_54] : memref<2x100352xf32, #tpu.memory_space<hbm>> -> memref<1x6272xf32, #tpu.memory_space<hbm>>
      %dma_wait3A_57 = tpu.memref_squeeze %dma_wait3A : memref<1x6272xf32, #tpu.memory_space<hbm>> -> memref<6272xf32, #tpu.memory_space<hbm>>
      %dma_wait3A_58 = tpu.memref_slice %arg4[%mul3A_52] : memref<100352xf32, #tpu.memory_space<vmem_shared>> -> memref<6272xf32, #tpu.memory_space<vmem_shared>>
      tpu.wait_dma2 semaphore(%run_scoped3A : memref<!tpu.dma_semaphore, #tpu.memory_space<semaphore_mem>>) src(%dma_wait3A_58 : memref<6272xf32, #tpu.memory_space<vmem_shared>>) dst(%dma_wait3A_57 : memref<6272xf32, #tpu.memory_space<hbm>>)
      tpu.yield
    }) : () -> ()
    return
  }
}

#map = affine_map<(d0, d1) -> (0, 0)>
#map1 = affine_map<(d0, d1) -> (0, 0, 0)>
module attributes {stable_mosaic.version = 14 : i64} {
  func.func @_segsum16_body(%arg0: i32, %arg1: i32, %arg2: memref<100352x16xf32, #tpu.memory_space<hbm>>, %arg3: memref<25088x128xi32, #tpu.memory_space<hbm>>, %arg4: memref<25088x128xi32, #tpu.memory_space<hbm>>, %arg5: memref<2x100352x16xf32, #tpu.memory_space<hbm>>, %arg6: memref<100352x16xf32, #tpu.memory_space<vmem_shared>>, %arg7: memref<56x128xi32, #tpu.memory_space<vmem>>, %arg8: memref<56x128xi32, #tpu.memory_space<vmem>>, %arg9: memref<128x16xf32, #tpu.memory_space<vmem>>, %arg10: memref<128x16xf32, #tpu.memory_space<vmem>>, %arg11: memref<128x16xf32, #tpu.memory_space<vmem>>, %arg12: memref<128x16xf32, #tpu.memory_space<vmem>>, %arg13: memref<128x16xf32, #tpu.memory_space<vmem>>, %arg14: memref<128x16xf32, #tpu.memory_space<vmem>>, %arg15: memref<128x16xf32, #tpu.memory_space<vmem>>, %arg16: memref<128x16xf32, #tpu.memory_space<vmem>>, %arg17: memref<!tpu.dma_semaphore, #tpu.memory_space<semaphore_mem>>, %arg18: memref<!tpu.dma_semaphore, #tpu.memory_space<semaphore_mem>>, %arg19: memref<!tpu.dma_semaphore, #tpu.memory_space<semaphore_mem>>, %arg20: memref<!tpu.dma_semaphore, #tpu.memory_space<semaphore_mem>>, %arg21: memref<!tpu.dma_semaphore, #tpu.memory_space<semaphore_mem>>, %arg22: memref<!tpu.dma_semaphore, #tpu.memory_space<semaphore_mem>>, %arg23: memref<!tpu.dma_semaphore, #tpu.memory_space<semaphore_mem>>, %arg24: memref<!tpu.dma_semaphore, #tpu.memory_space<semaphore_mem>>, %arg25: memref<!tpu.dma_semaphore, #tpu.memory_space<semaphore_mem>>, %arg26: memref<!tpu.dma_semaphore, #tpu.memory_space<semaphore_mem>>, %arg27: memref<!tpu.dma_semaphore, #tpu.memory_space<semaphore_mem>>, %arg28: memref<!tpu.dma_semaphore, #tpu.memory_space<semaphore_mem>>, %arg29: memref<!tpu.dma_semaphore, #tpu.memory_space<semaphore_mem>>, %arg30: memref<!tpu.dma_semaphore, #tpu.memory_space<semaphore_mem>>, %arg31: memref<!tpu.dma_semaphore, #tpu.memory_space<semaphore_mem>>, %arg32: memref<!tpu.dma_semaphore, #tpu.memory_space<semaphore_mem>>) attributes {dimension_semantics = [#tpu.dimension_semantics<core_parallel>, #tpu.dimension_semantics<subcore_parallel>], iteration_bounds = array<i64: 2, 16>, scalar_prefetch = 0 : i64, scratch_operands = 27 : i64, tpu.core_type = #tpu.core_type<sc_vector_subcore>, window_params = [{transform_indices = #map}, {transform_indices = #map}, {transform_indices = #map}, {transform_indices = #map1}]} {
    %broadcast_in_dim3A = arith.constant 0.000000e+00 : f32
    %broadcast_in_dim3A_0 = vector.broadcast %broadcast_in_dim3A : f32 to vector<16xf32>
    %scan3A = arith.constant 0 : i32
    %scan3A_1 = arith.constant 0 : i32
    %scan3A_2 = arith.constant 128 : i32
    %scan3A_3 = arith.addi %scan3A_1, %scan3A_2 : i32
    %scan3A_4 = arith.constant 1 : i32
    %scan3A_5 = scf.for %scan3A_27 = %scan3A_1 to %scan3A_3 step %scan3A_4 iter_args(%scan3A_28 = %scan3A) -> (i32)  : i32 {
      %swap3A = arith.index_cast %scan3A_27 : i32 to index
      %swap3A_29 = arith.constant 0 : index
      %swap3A_30 = tpu.vector_load %arg9[%swap3A, %swap3A_29] {strides = array<i32>} : memref<128x16xf32, #tpu.memory_space<vmem>>, vector<1x16xf32>,
      %swap3A_31 = vector.shape_cast %swap3A_30 : vector<1x16xf32> to vector<16xf32>
      %swap3A_32 = vector.shape_cast %broadcast_in_dim3A_0 : vector<16xf32> to vector<1x16xf32>
      tpu.vector_store %arg9[%swap3A, %swap3A_29], %swap3A_32 {strides = array<i32>} : memref<128x16xf32, #tpu.memory_space<vmem>>, vector<1x16xf32>,
      %scan3A_33 = arith.constant 0 : i32
      scf.yield %scan3A_33 : i32
    }
    %scan3A_6 = arith.constant 128 : i32
    %scan3A_7 = arith.constant 0 : i32
    %scan3A_8 = arith.constant 0 : i32
    %scan3A_9 = arith.constant 49 : i32
    %scan3A_10 = arith.addi %scan3A_8, %scan3A_9 : i32
    %scan3A_11 = arith.constant 1 : i32
    %scan3A_12 = scf.for %scan3A_27 = %scan3A_8 to %scan3A_10 step %scan3A_11 iter_args(%scan3A_28 = %scan3A_7) -> (i32)  : i32 {
      %mul3A_29 = arith.constant 6272 : i32
      %mul3A_30 = arith.muli %arg1, %mul3A_29 : i32
      %mul3A_31 = arith.constant 128 : i32
      %mul3A_32 = arith.muli %scan3A_27, %mul3A_31 : i32
      %add3A_33 = arith.addi %mul3A_30, %mul3A_32 : i32
      "tpu.region"() ({
        %run_scoped3A = tpu.sem_alloc : memref<!tpu.dma_semaphore, #tpu.memory_space<semaphore_mem>>
        %dma_start3A = arith.constant 0 : i32
        %dma_start3A_35 = tpu.memref_slice %arg6[%add3A_33, %dma_start3A] : memref<100352x16xf32, #tpu.memory_space<vmem_shared>> -> memref<128x16xf32, #tpu.memory_space<vmem_shared>>
        %dma_start3A_36 = arith.constant 0 : i32
        %dma_start3A_37 = tpu.memref_slice %arg6[%add3A_33, %dma_start3A_36] : memref<100352x16xf32, #tpu.memory_space<vmem_shared>> -> memref<128x16xf32, #tpu.memory_space<vmem_shared>>
        tpu.enqueue_dma source(%arg9 : memref<128x16xf32, #tpu.memory_space<vmem>>) target(%dma_start3A_37 : memref<128x16xf32, #tpu.memory_space<vmem_shared>>) target_semaphore(%run_scoped3A : memref<!tpu.dma_semaphore, #tpu.memory_space<semaphore_mem>>)
        %dma_wait3A = arith.constant 0 : i32
        %dma_wait3A_38 = tpu.memref_slice %arg6[%add3A_33, %dma_wait3A] : memref<100352x16xf32, #tpu.memory_space<vmem_shared>> -> memref<128x16xf32, #tpu.memory_space<vmem_shared>>
        %dma_wait3A_39 = arith.constant 0 : i32
        %dma_wait3A_40 = tpu.memref_slice %arg6[%add3A_33, %dma_wait3A_39] : memref<100352x16xf32, #tpu.memory_space<vmem_shared>> -> memref<128x16xf32, #tpu.memory_space<vmem_shared>>
        tpu.wait_dma2 semaphore(%run_scoped3A : memref<!tpu.dma_semaphore, #tpu.memory_space<semaphore_mem>>) src(%arg9 : memref<128x16xf32, #tpu.memory_space<vmem>>) dst(%dma_wait3A_40 : memref<128x16xf32, #tpu.memory_space<vmem_shared>>)
        tpu.yield
      }) : () -> ()
      %scan3A_34 = arith.constant 0 : i32
      scf.yield %scan3A_34 : i32
    }
    %scan3A_13 = arith.constant 49 : i32
    %barrier3A = arith.constant 0 : index
    tpu.barrier barrier_id(%barrier3A)
    %mul3A = arith.constant 2 : i32
    %mul3A_14 = arith.muli %arg1, %mul3A : i32
    %add3A = arith.addi %mul3A_14, %arg0 : i32
    %scan3A_15 = arith.constant 0 : i32
    %scan3A_16 = arith.constant 0 : i32
    %scan3A_17 = arith.constant 14 : i32
    %scan3A_18 = arith.addi %scan3A_16, %scan3A_17 : i32
    %scan3A_19 = arith.constant 1 : i32
    %scan3A_20 = scf.for %scan3A_27 = %scan3A_16 to %scan3A_18 step %scan3A_19 iter_args(%scan3A_28 = %scan3A_15) -> (i32)  : i32 {
      %mul3A_29 = arith.constant 784 : i32
      %mul3A_30 = arith.muli %add3A, %mul3A_29 : i32
      %mul3A_31 = arith.constant 56 : i32
      %mul3A_32 = arith.muli %scan3A_27, %mul3A_31 : i32
      %add3A_33 = arith.addi %mul3A_30, %mul3A_32 : i32
      "tpu.region"() ({
        %run_scoped3A = tpu.sem_alloc : memref<!tpu.dma_semaphore, #tpu.memory_space<semaphore_mem>>
        %dma_start3A_97 = arith.constant 0 : i32
        %dma_start3A_98 = tpu.memref_slice %arg3[%add3A_33, %dma_start3A_97] : memref<25088x128xi32, #tpu.memory_space<hbm>> -> memref<56x128xi32, #tpu.memory_space<hbm>>
        %dma_start3A_99 = arith.constant 0 : i32
        %dma_start3A_100 = tpu.memref_slice %arg3[%add3A_33, %dma_start3A_99] : memref<25088x128xi32, #tpu.memory_space<hbm>> -> memref<56x128xi32, #tpu.memory_space<hbm>>
        tpu.enqueue_dma source(%dma_start3A_100 : memref<56x128xi32, #tpu.memory_space<hbm>>) target(%arg7 : memref<56x128xi32, #tpu.memory_space<vmem>>) target_semaphore(%run_scoped3A : memref<!tpu.dma_semaphore, #tpu.memory_space<semaphore_mem>>)
        %dma_wait3A = arith.constant 0 : i32
        %dma_wait3A_101 = tpu.memref_slice %arg3[%add3A_33, %dma_wait3A] : memref<25088x128xi32, #tpu.memory_space<hbm>> -> memref<56x128xi32, #tpu.memory_space<hbm>>
        %dma_wait3A_102 = arith.constant 0 : i32
        %dma_wait3A_103 = tpu.memref_slice %arg3[%add3A_33, %dma_wait3A_102] : memref<25088x128xi32, #tpu.memory_space<hbm>> -> memref<56x128xi32, #tpu.memory_space<hbm>>
        tpu.wait_dma2 semaphore(%run_scoped3A : memref<!tpu.dma_semaphore, #tpu.memory_space<semaphore_mem>>) src(%dma_wait3A_103 : memref<56x128xi32, #tpu.memory_space<hbm>>) dst(%arg7 : memref<56x128xi32, #tpu.memory_space<vmem>>)
        tpu.yield
      }) : () -> ()
      "tpu.region"() ({
        %run_scoped3A = tpu.sem_alloc : memref<!tpu.dma_semaphore, #tpu.memory_space<semaphore_mem>>
        %dma_start3A_97 = arith.constant 0 : i32
        %dma_start3A_98 = tpu.memref_slice %arg4[%add3A_33, %dma_start3A_97] : memref<25088x128xi32, #tpu.memory_space<hbm>> -> memref<56x128xi32, #tpu.memory_space<hbm>>
        %dma_start3A_99 = arith.constant 0 : i32
        %dma_start3A_100 = tpu.memref_slice %arg4[%add3A_33, %dma_start3A_99] : memref<25088x128xi32, #tpu.memory_space<hbm>> -> memref<56x128xi32, #tpu.memory_space<hbm>>
        tpu.enqueue_dma source(%dma_start3A_100 : memref<56x128xi32, #tpu.memory_space<hbm>>) target(%arg8 : memref<56x128xi32, #tpu.memory_space<vmem>>) target_semaphore(%run_scoped3A : memref<!tpu.dma_semaphore, #tpu.memory_space<semaphore_mem>>)
        %dma_wait3A = arith.constant 0 : i32
        %dma_wait3A_101 = tpu.memref_slice %arg4[%add3A_33, %dma_wait3A] : memref<25088x128xi32, #tpu.memory_space<hbm>> -> memref<56x128xi32, #tpu.memory_space<hbm>>
        %dma_wait3A_102 = arith.constant 0 : i32
        %dma_wait3A_103 = tpu.memref_slice %arg4[%add3A_33, %dma_wait3A_102] : memref<25088x128xi32, #tpu.memory_space<hbm>> -> memref<56x128xi32, #tpu.memory_space<hbm>>
        tpu.wait_dma2 semaphore(%run_scoped3A : memref<!tpu.dma_semaphore, #tpu.memory_space<semaphore_mem>>) src(%dma_wait3A_103 : memref<56x128xi32, #tpu.memory_space<hbm>>) dst(%arg8 : memref<56x128xi32, #tpu.memory_space<vmem>>)
        tpu.yield
      }) : () -> ()
      %dma_start3A = arith.constant 0 : i32
      %dma_start3A_34 = arith.constant 0 : i32
      %dma_start3A_35 = tpu.memref_slice %arg7[%dma_start3A, %dma_start3A_34] : memref<56x128xi32, #tpu.memory_space<vmem>> -> memref<1x128xi32, #tpu.memory_space<vmem>>
      %dma_start3A_36 = tpu.memref_squeeze %dma_start3A_35 : memref<1x128xi32, #tpu.memory_space<vmem>> -> memref<128xi32, #tpu.memory_space<vmem>>
      %dma_start3A_37 = arith.constant 0 : i32
      %dma_start3A_38 = arith.constant 0 : i32
      %dma_start3A_39 = tpu.memref_slice %arg2[%dma_start3A_37, %dma_start3A_38] : memref<100352x16xf32, #tpu.memory_space<hbm>> -> memref<100352x16xf32, #tpu.memory_space<hbm>>
      tpu.enqueue_indirect_dma source(%dma_start3A_39 : memref<100352x16xf32, #tpu.memory_space<hbm>>) target(%arg9 : memref<128x16xf32, #tpu.memory_space<vmem>>) offsets(%dma_start3A_36 : memref<128xi32, #tpu.memory_space<vmem>>) semaphore(%arg17 : memref<!tpu.dma_semaphore, #tpu.memory_space<semaphore_mem>>)
      %dma_start3A_40 = arith.constant 1 : i32
      %dma_start3A_41 = arith.constant 0 : i32
      %dma_start3A_42 = tpu.memref_slice %arg7[%dma_start3A_40, %dma_start3A_41] : memref<56x128xi32, #tpu.memory_space<vmem>> -> memref<1x128xi32, #tpu.memory_space<vmem>>
      %dma_start3A_43 = tpu.memref_squeeze %dma_start3A_42 : memref<1x128xi32, #tpu.memory_space<vmem>> -> memref<128xi32, #tpu.memory_space<vmem>>
      %dma_start3A_44 = arith.constant 0 : i32
      %dma_start3A_45 = arith.constant 0 : i32
      %dma_start3A_46 = tpu.memref_slice %arg2[%dma_start3A_44, %dma_start3A_45] : memref<100352x16xf32, #tpu.memory_space<hbm>> -> memref<100352x16xf32, #tpu.memory_space<hbm>>
      tpu.enqueue_indirect_dma source(%dma_start3A_46 : memref<100352x16xf32, #tpu.memory_space<hbm>>) target(%arg10 : memref<128x16xf32, #tpu.memory_space<vmem>>) offsets(%dma_start3A_43 : memref<128xi32, #tpu.memory_space<vmem>>) semaphore(%arg18 : memref<!tpu.dma_semaphore, #tpu.memory_space<semaphore_mem>>)
      %dma_start3A_47 = arith.constant 2 : i32
      %dma_start3A_48 = arith.constant 0 : i32
      %dma_start3A_49 = tpu.memref_slice %arg7[%dma_start3A_47, %dma_start3A_48] : memref<56x128xi32, #tpu.memory_space<vmem>> -> memref<1x128xi32, #tpu.memory_space<vmem>>
      %dma_start3A_50 = tpu.memref_squeeze %dma_start3A_49 : memref<1x128xi32, #tpu.memory_space<vmem>> -> memref<128xi32, #tpu.memory_space<vmem>>
      %dma_start3A_51 = arith.constant 0 : i32
      %dma_start3A_52 = arith.constant 0 : i32
      %dma_start3A_53 = tpu.memref_slice %arg2[%dma_start3A_51, %dma_start3A_52] : memref<100352x16xf32, #tpu.memory_space<hbm>> -> memref<100352x16xf32, #tpu.memory_space<hbm>>
      tpu.enqueue_indirect_dma source(%dma_start3A_53 : memref<100352x16xf32, #tpu.memory_space<hbm>>) target(%arg11 : memref<128x16xf32, #tpu.memory_space<vmem>>) offsets(%dma_start3A_50 : memref<128xi32, #tpu.memory_space<vmem>>) semaphore(%arg19 : memref<!tpu.dma_semaphore, #tpu.memory_space<semaphore_mem>>)
      %dma_start3A_54 = arith.constant 3 : i32
      %dma_start3A_55 = arith.constant 0 : i32
      %dma_start3A_56 = tpu.memref_slice %arg7[%dma_start3A_54, %dma_start3A_55] : memref<56x128xi32, #tpu.memory_space<vmem>> -> memref<1x128xi32, #tpu.memory_space<vmem>>
      %dma_start3A_57 = tpu.memref_squeeze %dma_start3A_56 : memref<1x128xi32, #tpu.memory_space<vmem>> -> memref<128xi32, #tpu.memory_space<vmem>>
      %dma_start3A_58 = arith.constant 0 : i32
      %dma_start3A_59 = arith.constant 0 : i32
      %dma_start3A_60 = tpu.memref_slice %arg2[%dma_start3A_58, %dma_start3A_59] : memref<100352x16xf32, #tpu.memory_space<hbm>> -> memref<100352x16xf32, #tpu.memory_space<hbm>>
      tpu.enqueue_indirect_dma source(%dma_start3A_60 : memref<100352x16xf32, #tpu.memory_space<hbm>>) target(%arg12 : memref<128x16xf32, #tpu.memory_space<vmem>>) offsets(%dma_start3A_57 : memref<128xi32, #tpu.memory_space<vmem>>) semaphore(%arg20 : memref<!tpu.dma_semaphore, #tpu.memory_space<semaphore_mem>>)
      %dma_start3A_61 = arith.constant 4 : i32
      %dma_start3A_62 = arith.constant 0 : i32
      %dma_start3A_63 = tpu.memref_slice %arg7[%dma_start3A_61, %dma_start3A_62] : memref<56x128xi32, #tpu.memory_space<vmem>> -> memref<1x128xi32, #tpu.memory_space<vmem>>
      %dma_start3A_64 = tpu.memref_squeeze %dma_start3A_63 : memref<1x128xi32, #tpu.memory_space<vmem>> -> memref<128xi32, #tpu.memory_space<vmem>>
      %dma_start3A_65 = arith.constant 0 : i32
      %dma_start3A_66 = arith.constant 0 : i32
      %dma_start3A_67 = tpu.memref_slice %arg2[%dma_start3A_65, %dma_start3A_66] : memref<100352x16xf32, #tpu.memory_space<hbm>> -> memref<100352x16xf32, #tpu.memory_space<hbm>>
      tpu.enqueue_indirect_dma source(%dma_start3A_67 : memref<100352x16xf32, #tpu.memory_space<hbm>>) target(%arg13 : memref<128x16xf32, #tpu.memory_space<vmem>>) offsets(%dma_start3A_64 : memref<128xi32, #tpu.memory_space<vmem>>) semaphore(%arg21 : memref<!tpu.dma_semaphore, #tpu.memory_space<semaphore_mem>>)
      %dma_start3A_68 = arith.constant 5 : i32
      %dma_start3A_69 = arith.constant 0 : i32
      %dma_start3A_70 = tpu.memref_slice %arg7[%dma_start3A_68, %dma_start3A_69] : memref<56x128xi32, #tpu.memory_space<vmem>> -> memref<1x128xi32, #tpu.memory_space<vmem>>
      %dma_start3A_71 = tpu.memref_squeeze %dma_start3A_70 : memref<1x128xi32, #tpu.memory_space<vmem>> -> memref<128xi32, #tpu.memory_space<vmem>>
      %dma_start3A_72 = arith.constant 0 : i32
      %dma_start3A_73 = arith.constant 0 : i32
      %dma_start3A_74 = tpu.memref_slice %arg2[%dma_start3A_72, %dma_start3A_73] : memref<100352x16xf32, #tpu.memory_space<hbm>> -> memref<100352x16xf32, #tpu.memory_space<hbm>>
      tpu.enqueue_indirect_dma source(%dma_start3A_74 : memref<100352x16xf32, #tpu.memory_space<hbm>>) target(%arg14 : memref<128x16xf32, #tpu.memory_space<vmem>>) offsets(%dma_start3A_71 : memref<128xi32, #tpu.memory_space<vmem>>) semaphore(%arg22 : memref<!tpu.dma_semaphore, #tpu.memory_space<semaphore_mem>>)
      %dma_start3A_75 = arith.constant 6 : i32
      %dma_start3A_76 = arith.constant 0 : i32
      %dma_start3A_77 = tpu.memref_slice %arg7[%dma_start3A_75, %dma_start3A_76] : memref<56x128xi32, #tpu.memory_space<vmem>> -> memref<1x128xi32, #tpu.memory_space<vmem>>
      %dma_start3A_78 = tpu.memref_squeeze %dma_start3A_77 : memref<1x128xi32, #tpu.memory_space<vmem>> -> memref<128xi32, #tpu.memory_space<vmem>>
      %dma_start3A_79 = arith.constant 0 : i32
      %dma_start3A_80 = arith.constant 0 : i32
      %dma_start3A_81 = tpu.memref_slice %arg2[%dma_start3A_79, %dma_start3A_80] : memref<100352x16xf32, #tpu.memory_space<hbm>> -> memref<100352x16xf32, #tpu.memory_space<hbm>>
      tpu.enqueue_indirect_dma source(%dma_start3A_81 : memref<100352x16xf32, #tpu.memory_space<hbm>>) target(%arg15 : memref<128x16xf32, #tpu.memory_space<vmem>>) offsets(%dma_start3A_78 : memref<128xi32, #tpu.memory_space<vmem>>) semaphore(%arg23 : memref<!tpu.dma_semaphore, #tpu.memory_space<semaphore_mem>>)
      %dma_start3A_82 = arith.constant 7 : i32
      %dma_start3A_83 = arith.constant 0 : i32
      %dma_start3A_84 = tpu.memref_slice %arg7[%dma_start3A_82, %dma_start3A_83] : memref<56x128xi32, #tpu.memory_space<vmem>> -> memref<1x128xi32, #tpu.memory_space<vmem>>
      %dma_start3A_85 = tpu.memref_squeeze %dma_start3A_84 : memref<1x128xi32, #tpu.memory_space<vmem>> -> memref<128xi32, #tpu.memory_space<vmem>>
      %dma_start3A_86 = arith.constant 0 : i32
      %dma_start3A_87 = arith.constant 0 : i32
      %dma_start3A_88 = tpu.memref_slice %arg2[%dma_start3A_86, %dma_start3A_87] : memref<100352x16xf32, #tpu.memory_space<hbm>> -> memref<100352x16xf32, #tpu.memory_space<hbm>>
      tpu.enqueue_indirect_dma source(%dma_start3A_88 : memref<100352x16xf32, #tpu.memory_space<hbm>>) target(%arg16 : memref<128x16xf32, #tpu.memory_space<vmem>>) offsets(%dma_start3A_85 : memref<128xi32, #tpu.memory_space<vmem>>) semaphore(%arg24 : memref<!tpu.dma_semaphore, #tpu.memory_space<semaphore_mem>>)
      %scan3A_89 = arith.constant 0 : i32
      %scan3A_90 = arith.constant 0 : i32
      %scan3A_91 = arith.constant 7 : i32
      %scan3A_92 = arith.addi %scan3A_90, %scan3A_91 : i32
      %scan3A_93 = arith.constant 1 : i32
      %scan3A_94 = scf.for %scan3A_97 = %scan3A_90 to %scan3A_92 step %scan3A_93 iter_args(%scan3A_98 = %scan3A_89) -> (i32)  : i32 {
        %mul3A_99 = arith.constant 8 : i32
        %mul3A_100 = arith.muli %scan3A_97, %mul3A_99 : i32
        %add3A_101 = arith.constant 0 : i32
        %add3A_102 = arith.addi %mul3A_100, %add3A_101 : i32
        %dma_wait3A = arith.constant 0 : i32
        %dma_wait3A_103 = tpu.memref_slice %arg7[%add3A_102, %dma_wait3A] : memref<56x128xi32, #tpu.memory_space<vmem>> -> memref<1x128xi32, #tpu.memory_space<vmem>>
        %dma_wait3A_104 = tpu.memref_squeeze %dma_wait3A_103 : memref<1x128xi32, #tpu.memory_space<vmem>> -> memref<128xi32, #tpu.memory_space<vmem>>
        %dma_wait3A_105 = arith.constant 0 : i32
        %dma_wait3A_106 = arith.constant 0 : i32
        %dma_wait3A_107 = tpu.memref_slice %arg2[%dma_wait3A_105, %dma_wait3A_106] : memref<100352x16xf32, #tpu.memory_space<hbm>> -> memref<100352x16xf32, #tpu.memory_space<hbm>>
        tpu.wait_indirect_dma semaphore(%arg17 : memref<!tpu.dma_semaphore, #tpu.memory_space<semaphore_mem>>) src(%dma_wait3A_107 : memref<100352x16xf32, #tpu.memory_space<hbm>>) dst(%arg9 : memref<128x16xf32, #tpu.memory_space<vmem>>)
        %dma_start3A_108 = arith.constant 0 : i32
        %dma_start3A_109 = tpu.memref_slice %arg8[%add3A_102, %dma_start3A_108] : memref<56x128xi32, #tpu.memory_space<vmem>> -> memref<1x128xi32, #tpu.memory_space<vmem>>
        %dma_start3A_110 = tpu.memref_squeeze %dma_start3A_109 : memref<1x128xi32, #tpu.memory_space<vmem>> -> memref<128xi32, #tpu.memory_space<vmem>>
        %dma_start3A_111 = arith.constant 0 : i32
        %dma_start3A_112 = arith.constant 0 : i32
        %dma_start3A_113 = tpu.memref_slice %arg6[%dma_start3A_111, %dma_start3A_112] : memref<100352x16xf32, #tpu.memory_space<vmem_shared>> -> memref<100352x16xf32, #tpu.memory_space<vmem_shared>>
        tpu.enqueue_indirect_dma source(%arg9 : memref<128x16xf32, #tpu.memory_space<vmem>>) target(%dma_start3A_113 : memref<100352x16xf32, #tpu.memory_space<vmem_shared>>) offsets(%dma_start3A_110 : memref<128xi32, #tpu.memory_space<vmem>>) semaphore(%arg25 : memref<!tpu.dma_semaphore, #tpu.memory_space<semaphore_mem>>) {add = true}
        %mul3A_114 = arith.constant 8 : i32
        %mul3A_115 = arith.muli %scan3A_97, %mul3A_114 : i32
        %add3A_116 = arith.constant 1 : i32
        %add3A_117 = arith.addi %mul3A_115, %add3A_116 : i32
        %dma_wait3A_118 = arith.constant 0 : i32
        %dma_wait3A_119 = tpu.memref_slice %arg7[%add3A_117, %dma_wait3A_118] : memref<56x128xi32, #tpu.memory_space<vmem>> -> memref<1x128xi32, #tpu.memory_space<vmem>>
        %dma_wait3A_120 = tpu.memref_squeeze %dma_wait3A_119 : memref<1x128xi32, #tpu.memory_space<vmem>> -> memref<128xi32, #tpu.memory_space<vmem>>
        %dma_wait3A_121 = arith.constant 0 : i32
        %dma_wait3A_122 = arith.constant 0 : i32
        %dma_wait3A_123 = tpu.memref_slice %arg2[%dma_wait3A_121, %dma_wait3A_122] : memref<100352x16xf32, #tpu.memory_space<hbm>> -> memref<100352x16xf32, #tpu.memory_space<hbm>>
        tpu.wait_indirect_dma semaphore(%arg18 : memref<!tpu.dma_semaphore, #tpu.memory_space<semaphore_mem>>) src(%dma_wait3A_123 : memref<100352x16xf32, #tpu.memory_space<hbm>>) dst(%arg10 : memref<128x16xf32, #tpu.memory_space<vmem>>)
        %dma_start3A_124 = arith.constant 0 : i32
        %dma_start3A_125 = tpu.memref_slice %arg8[%add3A_117, %dma_start3A_124] : memref<56x128xi32, #tpu.memory_space<vmem>> -> memref<1x128xi32, #tpu.memory_space<vmem>>
        %dma_start3A_126 = tpu.memref_squeeze %dma_start3A_125 : memref<1x128xi32, #tpu.memory_space<vmem>> -> memref<128xi32, #tpu.memory_space<vmem>>
        %dma_start3A_127 = arith.constant 0 : i32
        %dma_start3A_128 = arith.constant 0 : i32
        %dma_start3A_129 = tpu.memref_slice %arg6[%dma_start3A_127, %dma_start3A_128] : memref<100352x16xf32, #tpu.memory_space<vmem_shared>> -> memref<100352x16xf32, #tpu.memory_space<vmem_shared>>
        tpu.enqueue_indirect_dma source(%arg10 : memref<128x16xf32, #tpu.memory_space<vmem>>) target(%dma_start3A_129 : memref<100352x16xf32, #tpu.memory_space<vmem_shared>>) offsets(%dma_start3A_126 : memref<128xi32, #tpu.memory_space<vmem>>) semaphore(%arg26 : memref<!tpu.dma_semaphore, #tpu.memory_space<semaphore_mem>>) {add = true}
        %mul3A_130 = arith.constant 8 : i32
        %mul3A_131 = arith.muli %scan3A_97, %mul3A_130 : i32
        %add3A_132 = arith.constant 2 : i32
        %add3A_133 = arith.addi %mul3A_131, %add3A_132 : i32
        %dma_wait3A_134 = arith.constant 0 : i32
        %dma_wait3A_135 = tpu.memref_slice %arg7[%add3A_133, %dma_wait3A_134] : memref<56x128xi32, #tpu.memory_space<vmem>> -> memref<1x128xi32, #tpu.memory_space<vmem>>
        %dma_wait3A_136 = tpu.memref_squeeze %dma_wait3A_135 : memref<1x128xi32, #tpu.memory_space<vmem>> -> memref<128xi32, #tpu.memory_space<vmem>>
        %dma_wait3A_137 = arith.constant 0 : i32
        %dma_wait3A_138 = arith.constant 0 : i32
        %dma_wait3A_139 = tpu.memref_slice %arg2[%dma_wait3A_137, %dma_wait3A_138] : memref<100352x16xf32, #tpu.memory_space<hbm>> -> memref<100352x16xf32, #tpu.memory_space<hbm>>
        tpu.wait_indirect_dma semaphore(%arg19 : memref<!tpu.dma_semaphore, #tpu.memory_space<semaphore_mem>>) src(%dma_wait3A_139 : memref<100352x16xf32, #tpu.memory_space<hbm>>) dst(%arg11 : memref<128x16xf32, #tpu.memory_space<vmem>>)
        %dma_start3A_140 = arith.constant 0 : i32
        %dma_start3A_141 = tpu.memref_slice %arg8[%add3A_133, %dma_start3A_140] : memref<56x128xi32, #tpu.memory_space<vmem>> -> memref<1x128xi32, #tpu.memory_space<vmem>>
        %dma_start3A_142 = tpu.memref_squeeze %dma_start3A_141 : memref<1x128xi32, #tpu.memory_space<vmem>> -> memref<128xi32, #tpu.memory_space<vmem>>
        %dma_start3A_143 = arith.constant 0 : i32
        %dma_start3A_144 = arith.constant 0 : i32
        %dma_start3A_145 = tpu.memref_slice %arg6[%dma_start3A_143, %dma_start3A_144] : memref<100352x16xf32, #tpu.memory_space<vmem_shared>> -> memref<100352x16xf32, #tpu.memory_space<vmem_shared>>
        tpu.enqueue_indirect_dma source(%arg11 : memref<128x16xf32, #tpu.memory_space<vmem>>) target(%dma_start3A_145 : memref<100352x16xf32, #tpu.memory_space<vmem_shared>>) offsets(%dma_start3A_142 : memref<128xi32, #tpu.memory_space<vmem>>) semaphore(%arg27 : memref<!tpu.dma_semaphore, #tpu.memory_space<semaphore_mem>>) {add = true}
        %mul3A_146 = arith.constant 8 : i32
        %mul3A_147 = arith.muli %scan3A_97, %mul3A_146 : i32
        %add3A_148 = arith.constant 3 : i32
        %add3A_149 = arith.addi %mul3A_147, %add3A_148 : i32
        %dma_wait3A_150 = arith.constant 0 : i32
        %dma_wait3A_151 = tpu.memref_slice %arg7[%add3A_149, %dma_wait3A_150] : memref<56x128xi32, #tpu.memory_space<vmem>> -> memref<1x128xi32, #tpu.memory_space<vmem>>
        %dma_wait3A_152 = tpu.memref_squeeze %dma_wait3A_151 : memref<1x128xi32, #tpu.memory_space<vmem>> -> memref<128xi32, #tpu.memory_space<vmem>>
        %dma_wait3A_153 = arith.constant 0 : i32
        %dma_wait3A_154 = arith.constant 0 : i32
        %dma_wait3A_155 = tpu.memref_slice %arg2[%dma_wait3A_153, %dma_wait3A_154] : memref<100352x16xf32, #tpu.memory_space<hbm>> -> memref<100352x16xf32, #tpu.memory_space<hbm>>
        tpu.wait_indirect_dma semaphore(%arg20 : memref<!tpu.dma_semaphore, #tpu.memory_space<semaphore_mem>>) src(%dma_wait3A_155 : memref<100352x16xf32, #tpu.memory_space<hbm>>) dst(%arg12 : memref<128x16xf32, #tpu.memory_space<vmem>>)
        %dma_start3A_156 = arith.constant 0 : i32
        %dma_start3A_157 = tpu.memref_slice %arg8[%add3A_149, %dma_start3A_156] : memref<56x128xi32, #tpu.memory_space<vmem>> -> memref<1x128xi32, #tpu.memory_space<vmem>>
        %dma_start3A_158 = tpu.memref_squeeze %dma_start3A_157 : memref<1x128xi32, #tpu.memory_space<vmem>> -> memref<128xi32, #tpu.memory_space<vmem>>
        %dma_start3A_159 = arith.constant 0 : i32
        %dma_start3A_160 = arith.constant 0 : i32
        %dma_start3A_161 = tpu.memref_slice %arg6[%dma_start3A_159, %dma_start3A_160] : memref<100352x16xf32, #tpu.memory_space<vmem_shared>> -> memref<100352x16xf32, #tpu.memory_space<vmem_shared>>
        tpu.enqueue_indirect_dma source(%arg12 : memref<128x16xf32, #tpu.memory_space<vmem>>) target(%dma_start3A_161 : memref<100352x16xf32, #tpu.memory_space<vmem_shared>>) offsets(%dma_start3A_158 : memref<128xi32, #tpu.memory_space<vmem>>) semaphore(%arg28 : memref<!tpu.dma_semaphore, #tpu.memory_space<semaphore_mem>>) {add = true}
        %mul3A_162 = arith.constant 8 : i32
        %mul3A_163 = arith.muli %scan3A_97, %mul3A_162 : i32
        %add3A_164 = arith.constant 4 : i32
        %add3A_165 = arith.addi %mul3A_163, %add3A_164 : i32
        %dma_wait3A_166 = arith.constant 0 : i32
        %dma_wait3A_167 = tpu.memref_slice %arg7[%add3A_165, %dma_wait3A_166] : memref<56x128xi32, #tpu.memory_space<vmem>> -> memref<1x128xi32, #tpu.memory_space<vmem>>
        %dma_wait3A_168 = tpu.memref_squeeze %dma_wait3A_167 : memref<1x128xi32, #tpu.memory_space<vmem>> -> memref<128xi32, #tpu.memory_space<vmem>>
        %dma_wait3A_169 = arith.constant 0 : i32
        %dma_wait3A_170 = arith.constant 0 : i32
        %dma_wait3A_171 = tpu.memref_slice %arg2[%dma_wait3A_169, %dma_wait3A_170] : memref<100352x16xf32, #tpu.memory_space<hbm>> -> memref<100352x16xf32, #tpu.memory_space<hbm>>
        tpu.wait_indirect_dma semaphore(%arg21 : memref<!tpu.dma_semaphore, #tpu.memory_space<semaphore_mem>>) src(%dma_wait3A_171 : memref<100352x16xf32, #tpu.memory_space<hbm>>) dst(%arg13 : memref<128x16xf32, #tpu.memory_space<vmem>>)
        %dma_start3A_172 = arith.constant 0 : i32
        %dma_start3A_173 = tpu.memref_slice %arg8[%add3A_165, %dma_start3A_172] : memref<56x128xi32, #tpu.memory_space<vmem>> -> memref<1x128xi32, #tpu.memory_space<vmem>>
        %dma_start3A_174 = tpu.memref_squeeze %dma_start3A_173 : memref<1x128xi32, #tpu.memory_space<vmem>> -> memref<128xi32, #tpu.memory_space<vmem>>
        %dma_start3A_175 = arith.constant 0 : i32
        %dma_start3A_176 = arith.constant 0 : i32
        %dma_start3A_177 = tpu.memref_slice %arg6[%dma_start3A_175, %dma_start3A_176] : memref<100352x16xf32, #tpu.memory_space<vmem_shared>> -> memref<100352x16xf32, #tpu.memory_space<vmem_shared>>
        tpu.enqueue_indirect_dma source(%arg13 : memref<128x16xf32, #tpu.memory_space<vmem>>) target(%dma_start3A_177 : memref<100352x16xf32, #tpu.memory_space<vmem_shared>>) offsets(%dma_start3A_174 : memref<128xi32, #tpu.memory_space<vmem>>) semaphore(%arg29 : memref<!tpu.dma_semaphore, #tpu.memory_space<semaphore_mem>>) {add = true}
        %mul3A_178 = arith.constant 8 : i32
        %mul3A_179 = arith.muli %scan3A_97, %mul3A_178 : i32
        %add3A_180 = arith.constant 5 : i32
        %add3A_181 = arith.addi %mul3A_179, %add3A_180 : i32
        %dma_wait3A_182 = arith.constant 0 : i32
        %dma_wait3A_183 = tpu.memref_slice %arg7[%add3A_181, %dma_wait3A_182] : memref<56x128xi32, #tpu.memory_space<vmem>> -> memref<1x128xi32, #tpu.memory_space<vmem>>
        %dma_wait3A_184 = tpu.memref_squeeze %dma_wait3A_183 : memref<1x128xi32, #tpu.memory_space<vmem>> -> memref<128xi32, #tpu.memory_space<vmem>>
        %dma_wait3A_185 = arith.constant 0 : i32
        %dma_wait3A_186 = arith.constant 0 : i32
        %dma_wait3A_187 = tpu.memref_slice %arg2[%dma_wait3A_185, %dma_wait3A_186] : memref<100352x16xf32, #tpu.memory_space<hbm>> -> memref<100352x16xf32, #tpu.memory_space<hbm>>
        tpu.wait_indirect_dma semaphore(%arg22 : memref<!tpu.dma_semaphore, #tpu.memory_space<semaphore_mem>>) src(%dma_wait3A_187 : memref<100352x16xf32, #tpu.memory_space<hbm>>) dst(%arg14 : memref<128x16xf32, #tpu.memory_space<vmem>>)
        %dma_start3A_188 = arith.constant 0 : i32
        %dma_start3A_189 = tpu.memref_slice %arg8[%add3A_181, %dma_start3A_188] : memref<56x128xi32, #tpu.memory_space<vmem>> -> memref<1x128xi32, #tpu.memory_space<vmem>>
        %dma_start3A_190 = tpu.memref_squeeze %dma_start3A_189 : memref<1x128xi32, #tpu.memory_space<vmem>> -> memref<128xi32, #tpu.memory_space<vmem>>
        %dma_start3A_191 = arith.constant 0 : i32
        %dma_start3A_192 = arith.constant 0 : i32
        %dma_start3A_193 = tpu.memref_slice %arg6[%dma_start3A_191, %dma_start3A_192] : memref<100352x16xf32, #tpu.memory_space<vmem_shared>> -> memref<100352x16xf32, #tpu.memory_space<vmem_shared>>
        tpu.enqueue_indirect_dma source(%arg14 : memref<128x16xf32, #tpu.memory_space<vmem>>) target(%dma_start3A_193 : memref<100352x16xf32, #tpu.memory_space<vmem_shared>>) offsets(%dma_start3A_190 : memref<128xi32, #tpu.memory_space<vmem>>) semaphore(%arg30 : memref<!tpu.dma_semaphore, #tpu.memory_space<semaphore_mem>>) {add = true}
        %mul3A_194 = arith.constant 8 : i32
        %mul3A_195 = arith.muli %scan3A_97, %mul3A_194 : i32
        %add3A_196 = arith.constant 6 : i32
        %add3A_197 = arith.addi %mul3A_195, %add3A_196 : i32
        %dma_wait3A_198 = arith.constant 0 : i32
        %dma_wait3A_199 = tpu.memref_slice %arg7[%add3A_197, %dma_wait3A_198] : memref<56x128xi32, #tpu.memory_space<vmem>> -> memref<1x128xi32, #tpu.memory_space<vmem>>
        %dma_wait3A_200 = tpu.memref_squeeze %dma_wait3A_199 : memref<1x128xi32, #tpu.memory_space<vmem>> -> memref<128xi32, #tpu.memory_space<vmem>>
        %dma_wait3A_201 = arith.constant 0 : i32
        %dma_wait3A_202 = arith.constant 0 : i32
        %dma_wait3A_203 = tpu.memref_slice %arg2[%dma_wait3A_201, %dma_wait3A_202] : memref<100352x16xf32, #tpu.memory_space<hbm>> -> memref<100352x16xf32, #tpu.memory_space<hbm>>
        tpu.wait_indirect_dma semaphore(%arg23 : memref<!tpu.dma_semaphore, #tpu.memory_space<semaphore_mem>>) src(%dma_wait3A_203 : memref<100352x16xf32, #tpu.memory_space<hbm>>) dst(%arg15 : memref<128x16xf32, #tpu.memory_space<vmem>>)
        %dma_start3A_204 = arith.constant 0 : i32
        %dma_start3A_205 = tpu.memref_slice %arg8[%add3A_197, %dma_start3A_204] : memref<56x128xi32, #tpu.memory_space<vmem>> -> memref<1x128xi32, #tpu.memory_space<vmem>>
        %dma_start3A_206 = tpu.memref_squeeze %dma_start3A_205 : memref<1x128xi32, #tpu.memory_space<vmem>> -> memref<128xi32, #tpu.memory_space<vmem>>
        %dma_start3A_207 = arith.constant 0 : i32
        %dma_start3A_208 = arith.constant 0 : i32
        %dma_start3A_209 = tpu.memref_slice %arg6[%dma_start3A_207, %dma_start3A_208] : memref<100352x16xf32, #tpu.memory_space<vmem_shared>> -> memref<100352x16xf32, #tpu.memory_space<vmem_shared>>
        tpu.enqueue_indirect_dma source(%arg15 : memref<128x16xf32, #tpu.memory_space<vmem>>) target(%dma_start3A_209 : memref<100352x16xf32, #tpu.memory_space<vmem_shared>>) offsets(%dma_start3A_206 : memref<128xi32, #tpu.memory_space<vmem>>) semaphore(%arg31 : memref<!tpu.dma_semaphore, #tpu.memory_space<semaphore_mem>>) {add = true}
        %mul3A_210 = arith.constant 8 : i32
        %mul3A_211 = arith.muli %scan3A_97, %mul3A_210 : i32
        %add3A_212 = arith.constant 7 : i32
        %add3A_213 = arith.addi %mul3A_211, %add3A_212 : i32
        %dma_wait3A_214 = arith.constant 0 : i32
        %dma_wait3A_215 = tpu.memref_slice %arg7[%add3A_213, %dma_wait3A_214] : memref<56x128xi32, #tpu.memory_space<vmem>> -> memref<1x128xi32, #tpu.memory_space<vmem>>
        %dma_wait3A_216 = tpu.memref_squeeze %dma_wait3A_215 : memref<1x128xi32, #tpu.memory_space<vmem>> -> memref<128xi32, #tpu.memory_space<vmem>>
        %dma_wait3A_217 = arith.constant 0 : i32
        %dma_wait3A_218 = arith.constant 0 : i32
        %dma_wait3A_219 = tpu.memref_slice %arg2[%dma_wait3A_217, %dma_wait3A_218] : memref<100352x16xf32, #tpu.memory_space<hbm>> -> memref<100352x16xf32, #tpu.memory_space<hbm>>
        tpu.wait_indirect_dma semaphore(%arg24 : memref<!tpu.dma_semaphore, #tpu.memory_space<semaphore_mem>>) src(%dma_wait3A_219 : memref<100352x16xf32, #tpu.memory_space<hbm>>) dst(%arg16 : memref<128x16xf32, #tpu.memory_space<vmem>>)
        %dma_start3A_220 = arith.constant 0 : i32
        %dma_start3A_221 = tpu.memref_slice %arg8[%add3A_213, %dma_start3A_220] : memref<56x128xi32, #tpu.memory_space<vmem>> -> memref<1x128xi32, #tpu.memory_space<vmem>>
        %dma_start3A_222 = tpu.memref_squeeze %dma_start3A_221 : memref<1x128xi32, #tpu.memory_space<vmem>> -> memref<128xi32, #tpu.memory_space<vmem>>
        %dma_start3A_223 = arith.constant 0 : i32
        %dma_start3A_224 = arith.constant 0 : i32
        %dma_start3A_225 = tpu.memref_slice %arg6[%dma_start3A_223, %dma_start3A_224] : memref<100352x16xf32, #tpu.memory_space<vmem_shared>> -> memref<100352x16xf32, #tpu.memory_space<vmem_shared>>
        tpu.enqueue_indirect_dma source(%arg16 : memref<128x16xf32, #tpu.memory_space<vmem>>) target(%dma_start3A_225 : memref<100352x16xf32, #tpu.memory_space<vmem_shared>>) offsets(%dma_start3A_222 : memref<128xi32, #tpu.memory_space<vmem>>) semaphore(%arg32 : memref<!tpu.dma_semaphore, #tpu.memory_space<semaphore_mem>>) {add = true}
        %mul3A_226 = arith.constant 8 : i32
        %mul3A_227 = arith.muli %scan3A_97, %mul3A_226 : i32
        %add3A_228 = arith.constant 0 : i32
        %add3A_229 = arith.addi %mul3A_227, %add3A_228 : i32
        %dma_wait3A_230 = arith.constant 0 : i32
        %dma_wait3A_231 = tpu.memref_slice %arg8[%add3A_229, %dma_wait3A_230] : memref<56x128xi32, #tpu.memory_space<vmem>> -> memref<1x128xi32, #tpu.memory_space<vmem>>
        %dma_wait3A_232 = tpu.memref_squeeze %dma_wait3A_231 : memref<1x128xi32, #tpu.memory_space<vmem>> -> memref<128xi32, #tpu.memory_space<vmem>>
        %dma_wait3A_233 = arith.constant 0 : i32
        %dma_wait3A_234 = arith.constant 0 : i32
        %dma_wait3A_235 = tpu.memref_slice %arg6[%dma_wait3A_233, %dma_wait3A_234] : memref<100352x16xf32, #tpu.memory_space<vmem_shared>> -> memref<100352x16xf32, #tpu.memory_space<vmem_shared>>
        tpu.wait_indirect_dma semaphore(%arg25 : memref<!tpu.dma_semaphore, #tpu.memory_space<semaphore_mem>>) src(%arg9 : memref<128x16xf32, #tpu.memory_space<vmem>>) dst(%dma_wait3A_235 : memref<100352x16xf32, #tpu.memory_space<vmem_shared>>)
        %lt3A = arith.constant 6 : i32
        %lt3A_236 = arith.cmpi slt, %scan3A_97, %lt3A : i32
        %convert_element_type3A = arith.extui %lt3A_236 : i1 to i32
        %cond3A = arith.constant 0 : i32
        %cond3A_237 = arith.cmpi ne, %convert_element_type3A, %cond3A : i32
        scf.if %cond3A_237 {
          %add3A_344 = arith.constant 8 : i32
          %add3A_345 = arith.addi %add3A_229, %add3A_344 : i32
          %dma_start3A_346 = arith.constant 0 : i32
          %dma_start3A_347 = tpu.memref_slice %arg7[%add3A_345, %dma_start3A_346] : memref<56x128xi32, #tpu.memory_space<vmem>> -> memref<1x128xi32, #tpu.memory_space<vmem>>
          %dma_start3A_348 = tpu.memref_squeeze %dma_start3A_347 : memref<1x128xi32, #tpu.memory_space<vmem>> -> memref<128xi32, #tpu.memory_space<vmem>>
          %dma_start3A_349 = arith.constant 0 : i32
          %dma_start3A_350 = arith.constant 0 : i32
          %dma_start3A_351 = tpu.memref_slice %arg2[%dma_start3A_349, %dma_start3A_350] : memref<100352x16xf32, #tpu.memory_space<hbm>> -> memref<100352x16xf32, #tpu.memory_space<hbm>>
          tpu.enqueue_indirect_dma source(%dma_start3A_351 : memref<100352x16xf32, #tpu.memory_space<hbm>>) target(%arg9 : memref<128x16xf32, #tpu.memory_space<vmem>>) offsets(%dma_start3A_348 : memref<128xi32, #tpu.memory_space<vmem>>) semaphore(%arg17 : memref<!tpu.dma_semaphore, #tpu.memory_space<semaphore_mem>>)
        } else {
        }
        %mul3A_238 = arith.constant 8 : i32
        %mul3A_239 = arith.muli %scan3A_97, %mul3A_238 : i32
        %add3A_240 = arith.constant 1 : i32
        %add3A_241 = arith.addi %mul3A_239, %add3A_240 : i32
        %dma_wait3A_242 = arith.constant 0 : i32
        %dma_wait3A_243 = tpu.memref_slice %arg8[%add3A_241, %dma_wait3A_242] : memref<56x128xi32, #tpu.memory_space<vmem>> -> memref<1x128xi32, #tpu.memory_space<vmem>>
        %dma_wait3A_244 = tpu.memref_squeeze %dma_wait3A_243 : memref<1x128xi32, #tpu.memory_space<vmem>> -> memref<128xi32, #tpu.memory_space<vmem>>
        %dma_wait3A_245 = arith.constant 0 : i32
        %dma_wait3A_246 = arith.constant 0 : i32
        %dma_wait3A_247 = tpu.memref_slice %arg6[%dma_wait3A_245, %dma_wait3A_246] : memref<100352x16xf32, #tpu.memory_space<vmem_shared>> -> memref<100352x16xf32, #tpu.memory_space<vmem_shared>>
        tpu.wait_indirect_dma semaphore(%arg26 : memref<!tpu.dma_semaphore, #tpu.memory_space<semaphore_mem>>) src(%arg10 : memref<128x16xf32, #tpu.memory_space<vmem>>) dst(%dma_wait3A_247 : memref<100352x16xf32, #tpu.memory_space<vmem_shared>>)
        %lt3A_248 = arith.constant 6 : i32
        %lt3A_249 = arith.cmpi slt, %scan3A_97, %lt3A_248 : i32
        %convert_element_type3A_250 = arith.extui %lt3A_249 : i1 to i32
        %cond3A_251 = arith.constant 0 : i32
        %cond3A_252 = arith.cmpi ne, %convert_element_type3A_250, %cond3A_251 : i32
        scf.if %cond3A_252 {
          %add3A_344 = arith.constant 8 : i32
          %add3A_345 = arith.addi %add3A_241, %add3A_344 : i32
          %dma_start3A_346 = arith.constant 0 : i32
          %dma_start3A_347 = tpu.memref_slice %arg7[%add3A_345, %dma_start3A_346] : memref<56x128xi32, #tpu.memory_space<vmem>> -> memref<1x128xi32, #tpu.memory_space<vmem>>
          %dma_start3A_348 = tpu.memref_squeeze %dma_start3A_347 : memref<1x128xi32, #tpu.memory_space<vmem>> -> memref<128xi32, #tpu.memory_space<vmem>>
          %dma_start3A_349 = arith.constant 0 : i32
          %dma_start3A_350 = arith.constant 0 : i32
          %dma_start3A_351 = tpu.memref_slice %arg2[%dma_start3A_349, %dma_start3A_350] : memref<100352x16xf32, #tpu.memory_space<hbm>> -> memref<100352x16xf32, #tpu.memory_space<hbm>>
          tpu.enqueue_indirect_dma source(%dma_start3A_351 : memref<100352x16xf32, #tpu.memory_space<hbm>>) target(%arg10 : memref<128x16xf32, #tpu.memory_space<vmem>>) offsets(%dma_start3A_348 : memref<128xi32, #tpu.memory_space<vmem>>) semaphore(%arg18 : memref<!tpu.dma_semaphore, #tpu.memory_space<semaphore_mem>>)
        } else {
        }
        %mul3A_253 = arith.constant 8 : i32
        %mul3A_254 = arith.muli %scan3A_97, %mul3A_253 : i32
        %add3A_255 = arith.constant 2 : i32
        %add3A_256 = arith.addi %mul3A_254, %add3A_255 : i32
        %dma_wait3A_257 = arith.constant 0 : i32
        %dma_wait3A_258 = tpu.memref_slice %arg8[%add3A_256, %dma_wait3A_257] : memref<56x128xi32, #tpu.memory_space<vmem>> -> memref<1x128xi32, #tpu.memory_space<vmem>>
        %dma_wait3A_259 = tpu.memref_squeeze %dma_wait3A_258 : memref<1x128xi32, #tpu.memory_space<vmem>> -> memref<128xi32, #tpu.memory_space<vmem>>
        %dma_wait3A_260 = arith.constant 0 : i32
        %dma_wait3A_261 = arith.constant 0 : i32
        %dma_wait3A_262 = tpu.memref_slice %arg6[%dma_wait3A_260, %dma_wait3A_261] : memref<100352x16xf32, #tpu.memory_space<vmem_shared>> -> memref<100352x16xf32, #tpu.memory_space<vmem_shared>>
        tpu.wait_indirect_dma semaphore(%arg27 : memref<!tpu.dma_semaphore, #tpu.memory_space<semaphore_mem>>) src(%arg11 : memref<128x16xf32, #tpu.memory_space<vmem>>) dst(%dma_wait3A_262 : memref<100352x16xf32, #tpu.memory_space<vmem_shared>>)
        %lt3A_263 = arith.constant 6 : i32
        %lt3A_264 = arith.cmpi slt, %scan3A_97, %lt3A_263 : i32
        %convert_element_type3A_265 = arith.extui %lt3A_264 : i1 to i32
        %cond3A_266 = arith.constant 0 : i32
        %cond3A_267 = arith.cmpi ne, %convert_element_type3A_265, %cond3A_266 : i32
        scf.if %cond3A_267 {
          %add3A_344 = arith.constant 8 : i32
          %add3A_345 = arith.addi %add3A_256, %add3A_344 : i32
          %dma_start3A_346 = arith.constant 0 : i32
          %dma_start3A_347 = tpu.memref_slice %arg7[%add3A_345, %dma_start3A_346] : memref<56x128xi32, #tpu.memory_space<vmem>> -> memref<1x128xi32, #tpu.memory_space<vmem>>
          %dma_start3A_348 = tpu.memref_squeeze %dma_start3A_347 : memref<1x128xi32, #tpu.memory_space<vmem>> -> memref<128xi32, #tpu.memory_space<vmem>>
          %dma_start3A_349 = arith.constant 0 : i32
          %dma_start3A_350 = arith.constant 0 : i32
          %dma_start3A_351 = tpu.memref_slice %arg2[%dma_start3A_349, %dma_start3A_350] : memref<100352x16xf32, #tpu.memory_space<hbm>> -> memref<100352x16xf32, #tpu.memory_space<hbm>>
          tpu.enqueue_indirect_dma source(%dma_start3A_351 : memref<100352x16xf32, #tpu.memory_space<hbm>>) target(%arg11 : memref<128x16xf32, #tpu.memory_space<vmem>>) offsets(%dma_start3A_348 : memref<128xi32, #tpu.memory_space<vmem>>) semaphore(%arg19 : memref<!tpu.dma_semaphore, #tpu.memory_space<semaphore_mem>>)
        } else {
        }
        %mul3A_268 = arith.constant 8 : i32
        %mul3A_269 = arith.muli %scan3A_97, %mul3A_268 : i32
        %add3A_270 = arith.constant 3 : i32
        %add3A_271 = arith.addi %mul3A_269, %add3A_270 : i32
        %dma_wait3A_272 = arith.constant 0 : i32
        %dma_wait3A_273 = tpu.memref_slice %arg8[%add3A_271, %dma_wait3A_272] : memref<56x128xi32, #tpu.memory_space<vmem>> -> memref<1x128xi32, #tpu.memory_space<vmem>>
        %dma_wait3A_274 = tpu.memref_squeeze %dma_wait3A_273 : memref<1x128xi32, #tpu.memory_space<vmem>> -> memref<128xi32, #tpu.memory_space<vmem>>
        %dma_wait3A_275 = arith.constant 0 : i32
        %dma_wait3A_276 = arith.constant 0 : i32
        %dma_wait3A_277 = tpu.memref_slice %arg6[%dma_wait3A_275, %dma_wait3A_276] : memref<100352x16xf32, #tpu.memory_space<vmem_shared>> -> memref<100352x16xf32, #tpu.memory_space<vmem_shared>>
        tpu.wait_indirect_dma semaphore(%arg28 : memref<!tpu.dma_semaphore, #tpu.memory_space<semaphore_mem>>) src(%arg12 : memref<128x16xf32, #tpu.memory_space<vmem>>) dst(%dma_wait3A_277 : memref<100352x16xf32, #tpu.memory_space<vmem_shared>>)
        %lt3A_278 = arith.constant 6 : i32
        %lt3A_279 = arith.cmpi slt, %scan3A_97, %lt3A_278 : i32
        %convert_element_type3A_280 = arith.extui %lt3A_279 : i1 to i32
        %cond3A_281 = arith.constant 0 : i32
        %cond3A_282 = arith.cmpi ne, %convert_element_type3A_280, %cond3A_281 : i32
        scf.if %cond3A_282 {
          %add3A_344 = arith.constant 8 : i32
          %add3A_345 = arith.addi %add3A_271, %add3A_344 : i32
          %dma_start3A_346 = arith.constant 0 : i32
          %dma_start3A_347 = tpu.memref_slice %arg7[%add3A_345, %dma_start3A_346] : memref<56x128xi32, #tpu.memory_space<vmem>> -> memref<1x128xi32, #tpu.memory_space<vmem>>
          %dma_start3A_348 = tpu.memref_squeeze %dma_start3A_347 : memref<1x128xi32, #tpu.memory_space<vmem>> -> memref<128xi32, #tpu.memory_space<vmem>>
          %dma_start3A_349 = arith.constant 0 : i32
          %dma_start3A_350 = arith.constant 0 : i32
          %dma_start3A_351 = tpu.memref_slice %arg2[%dma_start3A_349, %dma_start3A_350] : memref<100352x16xf32, #tpu.memory_space<hbm>> -> memref<100352x16xf32, #tpu.memory_space<hbm>>
          tpu.enqueue_indirect_dma source(%dma_start3A_351 : memref<100352x16xf32, #tpu.memory_space<hbm>>) target(%arg12 : memref<128x16xf32, #tpu.memory_space<vmem>>) offsets(%dma_start3A_348 : memref<128xi32, #tpu.memory_space<vmem>>) semaphore(%arg20 : memref<!tpu.dma_semaphore, #tpu.memory_space<semaphore_mem>>)
        } else {
        }
        %mul3A_283 = arith.constant 8 : i32
        %mul3A_284 = arith.muli %scan3A_97, %mul3A_283 : i32
        %add3A_285 = arith.constant 4 : i32
        %add3A_286 = arith.addi %mul3A_284, %add3A_285 : i32
        %dma_wait3A_287 = arith.constant 0 : i32
        %dma_wait3A_288 = tpu.memref_slice %arg8[%add3A_286, %dma_wait3A_287] : memref<56x128xi32, #tpu.memory_space<vmem>> -> memref<1x128xi32, #tpu.memory_space<vmem>>
        %dma_wait3A_289 = tpu.memref_squeeze %dma_wait3A_288 : memref<1x128xi32, #tpu.memory_space<vmem>> -> memref<128xi32, #tpu.memory_space<vmem>>
        %dma_wait3A_290 = arith.constant 0 : i32
        %dma_wait3A_291 = arith.constant 0 : i32
        %dma_wait3A_292 = tpu.memref_slice %arg6[%dma_wait3A_290, %dma_wait3A_291] : memref<100352x16xf32, #tpu.memory_space<vmem_shared>> -> memref<100352x16xf32, #tpu.memory_space<vmem_shared>>
        tpu.wait_indirect_dma semaphore(%arg29 : memref<!tpu.dma_semaphore, #tpu.memory_space<semaphore_mem>>) src(%arg13 : memref<128x16xf32, #tpu.memory_space<vmem>>) dst(%dma_wait3A_292 : memref<100352x16xf32, #tpu.memory_space<vmem_shared>>)
        %lt3A_293 = arith.constant 6 : i32
        %lt3A_294 = arith.cmpi slt, %scan3A_97, %lt3A_293 : i32
        %convert_element_type3A_295 = arith.extui %lt3A_294 : i1 to i32
        %cond3A_296 = arith.constant 0 : i32
        %cond3A_297 = arith.cmpi ne, %convert_element_type3A_295, %cond3A_296 : i32
        scf.if %cond3A_297 {
          %add3A_344 = arith.constant 8 : i32
          %add3A_345 = arith.addi %add3A_286, %add3A_344 : i32
          %dma_start3A_346 = arith.constant 0 : i32
          %dma_start3A_347 = tpu.memref_slice %arg7[%add3A_345, %dma_start3A_346] : memref<56x128xi32, #tpu.memory_space<vmem>> -> memref<1x128xi32, #tpu.memory_space<vmem>>
          %dma_start3A_348 = tpu.memref_squeeze %dma_start3A_347 : memref<1x128xi32, #tpu.memory_space<vmem>> -> memref<128xi32, #tpu.memory_space<vmem>>
          %dma_start3A_349 = arith.constant 0 : i32
          %dma_start3A_350 = arith.constant 0 : i32
          %dma_start3A_351 = tpu.memref_slice %arg2[%dma_start3A_349, %dma_start3A_350] : memref<100352x16xf32, #tpu.memory_space<hbm>> -> memref<100352x16xf32, #tpu.memory_space<hbm>>
          tpu.enqueue_indirect_dma source(%dma_start3A_351 : memref<100352x16xf32, #tpu.memory_space<hbm>>) target(%arg13 : memref<128x16xf32, #tpu.memory_space<vmem>>) offsets(%dma_start3A_348 : memref<128xi32, #tpu.memory_space<vmem>>) semaphore(%arg21 : memref<!tpu.dma_semaphore, #tpu.memory_space<semaphore_mem>>)
        } else {
        }
        %mul3A_298 = arith.constant 8 : i32
        %mul3A_299 = arith.muli %scan3A_97, %mul3A_298 : i32
        %add3A_300 = arith.constant 5 : i32
        %add3A_301 = arith.addi %mul3A_299, %add3A_300 : i32
        %dma_wait3A_302 = arith.constant 0 : i32
        %dma_wait3A_303 = tpu.memref_slice %arg8[%add3A_301, %dma_wait3A_302] : memref<56x128xi32, #tpu.memory_space<vmem>> -> memref<1x128xi32, #tpu.memory_space<vmem>>
        %dma_wait3A_304 = tpu.memref_squeeze %dma_wait3A_303 : memref<1x128xi32, #tpu.memory_space<vmem>> -> memref<128xi32, #tpu.memory_space<vmem>>
        %dma_wait3A_305 = arith.constant 0 : i32
        %dma_wait3A_306 = arith.constant 0 : i32
        %dma_wait3A_307 = tpu.memref_slice %arg6[%dma_wait3A_305, %dma_wait3A_306] : memref<100352x16xf32, #tpu.memory_space<vmem_shared>> -> memref<100352x16xf32, #tpu.memory_space<vmem_shared>>
        tpu.wait_indirect_dma semaphore(%arg30 : memref<!tpu.dma_semaphore, #tpu.memory_space<semaphore_mem>>) src(%arg14 : memref<128x16xf32, #tpu.memory_space<vmem>>) dst(%dma_wait3A_307 : memref<100352x16xf32, #tpu.memory_space<vmem_shared>>)
        %lt3A_308 = arith.constant 6 : i32
        %lt3A_309 = arith.cmpi slt, %scan3A_97, %lt3A_308 : i32
        %convert_element_type3A_310 = arith.extui %lt3A_309 : i1 to i32
        %cond3A_311 = arith.constant 0 : i32
        %cond3A_312 = arith.cmpi ne, %convert_element_type3A_310, %cond3A_311 : i32
        scf.if %cond3A_312 {
          %add3A_344 = arith.constant 8 : i32
          %add3A_345 = arith.addi %add3A_301, %add3A_344 : i32
          %dma_start3A_346 = arith.constant 0 : i32
          %dma_start3A_347 = tpu.memref_slice %arg7[%add3A_345, %dma_start3A_346] : memref<56x128xi32, #tpu.memory_space<vmem>> -> memref<1x128xi32, #tpu.memory_space<vmem>>
          %dma_start3A_348 = tpu.memref_squeeze %dma_start3A_347 : memref<1x128xi32, #tpu.memory_space<vmem>> -> memref<128xi32, #tpu.memory_space<vmem>>
          %dma_start3A_349 = arith.constant 0 : i32
          %dma_start3A_350 = arith.constant 0 : i32
          %dma_start3A_351 = tpu.memref_slice %arg2[%dma_start3A_349, %dma_start3A_350] : memref<100352x16xf32, #tpu.memory_space<hbm>> -> memref<100352x16xf32, #tpu.memory_space<hbm>>
          tpu.enqueue_indirect_dma source(%dma_start3A_351 : memref<100352x16xf32, #tpu.memory_space<hbm>>) target(%arg14 : memref<128x16xf32, #tpu.memory_space<vmem>>) offsets(%dma_start3A_348 : memref<128xi32, #tpu.memory_space<vmem>>) semaphore(%arg22 : memref<!tpu.dma_semaphore, #tpu.memory_space<semaphore_mem>>)
        } else {
        }
        %mul3A_313 = arith.constant 8 : i32
        %mul3A_314 = arith.muli %scan3A_97, %mul3A_313 : i32
        %add3A_315 = arith.constant 6 : i32
        %add3A_316 = arith.addi %mul3A_314, %add3A_315 : i32
        %dma_wait3A_317 = arith.constant 0 : i32
        %dma_wait3A_318 = tpu.memref_slice %arg8[%add3A_316, %dma_wait3A_317] : memref<56x128xi32, #tpu.memory_space<vmem>> -> memref<1x128xi32, #tpu.memory_space<vmem>>
        %dma_wait3A_319 = tpu.memref_squeeze %dma_wait3A_318 : memref<1x128xi32, #tpu.memory_space<vmem>> -> memref<128xi32, #tpu.memory_space<vmem>>
        %dma_wait3A_320 = arith.constant 0 : i32
        %dma_wait3A_321 = arith.constant 0 : i32
        %dma_wait3A_322 = tpu.memref_slice %arg6[%dma_wait3A_320, %dma_wait3A_321] : memref<100352x16xf32, #tpu.memory_space<vmem_shared>> -> memref<100352x16xf32, #tpu.memory_space<vmem_shared>>
        tpu.wait_indirect_dma semaphore(%arg31 : memref<!tpu.dma_semaphore, #tpu.memory_space<semaphore_mem>>) src(%arg15 : memref<128x16xf32, #tpu.memory_space<vmem>>) dst(%dma_wait3A_322 : memref<100352x16xf32, #tpu.memory_space<vmem_shared>>)
        %lt3A_323 = arith.constant 6 : i32
        %lt3A_324 = arith.cmpi slt, %scan3A_97, %lt3A_323 : i32
        %convert_element_type3A_325 = arith.extui %lt3A_324 : i1 to i32
        %cond3A_326 = arith.constant 0 : i32
        %cond3A_327 = arith.cmpi ne, %convert_element_type3A_325, %cond3A_326 : i32
        scf.if %cond3A_327 {
          %add3A_344 = arith.constant 8 : i32
          %add3A_345 = arith.addi %add3A_316, %add3A_344 : i32
          %dma_start3A_346 = arith.constant 0 : i32
          %dma_start3A_347 = tpu.memref_slice %arg7[%add3A_345, %dma_start3A_346] : memref<56x128xi32, #tpu.memory_space<vmem>> -> memref<1x128xi32, #tpu.memory_space<vmem>>
          %dma_start3A_348 = tpu.memref_squeeze %dma_start3A_347 : memref<1x128xi32, #tpu.memory_space<vmem>> -> memref<128xi32, #tpu.memory_space<vmem>>
          %dma_start3A_349 = arith.constant 0 : i32
          %dma_start3A_350 = arith.constant 0 : i32
          %dma_start3A_351 = tpu.memref_slice %arg2[%dma_start3A_349, %dma_start3A_350] : memref<100352x16xf32, #tpu.memory_space<hbm>> -> memref<100352x16xf32, #tpu.memory_space<hbm>>
          tpu.enqueue_indirect_dma source(%dma_start3A_351 : memref<100352x16xf32, #tpu.memory_space<hbm>>) target(%arg15 : memref<128x16xf32, #tpu.memory_space<vmem>>) offsets(%dma_start3A_348 : memref<128xi32, #tpu.memory_space<vmem>>) semaphore(%arg23 : memref<!tpu.dma_semaphore, #tpu.memory_space<semaphore_mem>>)
        } else {
        }
        %mul3A_328 = arith.constant 8 : i32
        %mul3A_329 = arith.muli %scan3A_97, %mul3A_328 : i32
        %add3A_330 = arith.constant 7 : i32
        %add3A_331 = arith.addi %mul3A_329, %add3A_330 : i32
        %dma_wait3A_332 = arith.constant 0 : i32
        %dma_wait3A_333 = tpu.memref_slice %arg8[%add3A_331, %dma_wait3A_332] : memref<56x128xi32, #tpu.memory_space<vmem>> -> memref<1x128xi32, #tpu.memory_space<vmem>>
        %dma_wait3A_334 = tpu.memref_squeeze %dma_wait3A_333 : memref<1x128xi32, #tpu.memory_space<vmem>> -> memref<128xi32, #tpu.memory_space<vmem>>
        %dma_wait3A_335 = arith.constant 0 : i32
        %dma_wait3A_336 = arith.constant 0 : i32
        %dma_wait3A_337 = tpu.memref_slice %arg6[%dma_wait3A_335, %dma_wait3A_336] : memref<100352x16xf32, #tpu.memory_space<vmem_shared>> -> memref<100352x16xf32, #tpu.memory_space<vmem_shared>>
        tpu.wait_indirect_dma semaphore(%arg32 : memref<!tpu.dma_semaphore, #tpu.memory_space<semaphore_mem>>) src(%arg16 : memref<128x16xf32, #tpu.memory_space<vmem>>) dst(%dma_wait3A_337 : memref<100352x16xf32, #tpu.memory_space<vmem_shared>>)
        %lt3A_338 = arith.constant 6 : i32
        %lt3A_339 = arith.cmpi slt, %scan3A_97, %lt3A_338 : i32
        %convert_element_type3A_340 = arith.extui %lt3A_339 : i1 to i32
        %cond3A_341 = arith.constant 0 : i32
        %cond3A_342 = arith.cmpi ne, %convert_element_type3A_340, %cond3A_341 : i32
        scf.if %cond3A_342 {
          %add3A_344 = arith.constant 8 : i32
          %add3A_345 = arith.addi %add3A_331, %add3A_344 : i32
          %dma_start3A_346 = arith.constant 0 : i32
          %dma_start3A_347 = tpu.memref_slice %arg7[%add3A_345, %dma_start3A_346] : memref<56x128xi32, #tpu.memory_space<vmem>> -> memref<1x128xi32, #tpu.memory_space<vmem>>
          %dma_start3A_348 = tpu.memref_squeeze %dma_start3A_347 : memref<1x128xi32, #tpu.memory_space<vmem>> -> memref<128xi32, #tpu.memory_space<vmem>>
          %dma_start3A_349 = arith.constant 0 : i32
          %dma_start3A_350 = arith.constant 0 : i32
          %dma_start3A_351 = tpu.memref_slice %arg2[%dma_start3A_349, %dma_start3A_350] : memref<100352x16xf32, #tpu.memory_space<hbm>> -> memref<100352x16xf32, #tpu.memory_space<hbm>>
          tpu.enqueue_indirect_dma source(%dma_start3A_351 : memref<100352x16xf32, #tpu.memory_space<hbm>>) target(%arg16 : memref<128x16xf32, #tpu.memory_space<vmem>>) offsets(%dma_start3A_348 : memref<128xi32, #tpu.memory_space<vmem>>) semaphore(%arg24 : memref<!tpu.dma_semaphore, #tpu.memory_space<semaphore_mem>>)
        } else {
        }
        %scan3A_343 = arith.constant 0 : i32
        scf.yield %scan3A_343 : i32
      }
      %scan3A_95 = arith.constant 7 : i32
      %scan3A_96 = arith.constant 0 : i32
      scf.yield %scan3A_96 : i32
    }
    %scan3A_21 = arith.constant 14 : i32
    %barrier3A_22 = arith.constant 0 : index
    tpu.barrier barrier_id(%barrier3A_22)
    %mul3A_23 = arith.constant 6272 : i32
    %mul3A_24 = arith.muli %arg1, %mul3A_23 : i32
    %mul3A_25 = arith.constant 6272 : i32
    %mul3A_26 = arith.muli %arg1, %mul3A_25 : i32
    "tpu.region"() ({
      %run_scoped3A = tpu.sem_alloc : memref<!tpu.dma_semaphore, #tpu.memory_space<semaphore_mem>>
      %dma_start3A = arith.constant 0 : i32
      %dma_start3A_27 = tpu.memref_slice %arg5[%arg0, %mul3A_26, %dma_start3A] : memref<2x100352x16xf32, #tpu.memory_space<hbm>> -> memref<1x6272x16xf32, #tpu.memory_space<hbm>>
      %dma_start3A_28 = tpu.memref_squeeze %dma_start3A_27 : memref<1x6272x16xf32, #tpu.memory_space<hbm>> -> memref<6272x16xf32, #tpu.memory_space<hbm>>
      %dma_start3A_29 = arith.constant 0 : i32
      %dma_start3A_30 = tpu.memref_slice %arg6[%mul3A_24, %dma_start3A_29] : memref<100352x16xf32, #tpu.memory_space<vmem_shared>> -> memref<6272x16xf32, #tpu.memory_space<vmem_shared>>
      tpu.enqueue_dma source(%dma_start3A_30 : memref<6272x16xf32, #tpu.memory_space<vmem_shared>>) target(%dma_start3A_28 : memref<6272x16xf32, #tpu.memory_space<hbm>>) target_semaphore(%run_scoped3A : memref<!tpu.dma_semaphore, #tpu.memory_space<semaphore_mem>>)
      %dma_wait3A = arith.constant 0 : i32
      %dma_wait3A_31 = tpu.memref_slice %arg5[%arg0, %mul3A_26, %dma_wait3A] : memref<2x100352x16xf32, #tpu.memory_space<hbm>> -> memref<1x6272x16xf32, #tpu.memory_space<hbm>>
      %dma_wait3A_32 = tpu.memref_squeeze %dma_wait3A_31 : memref<1x6272x16xf32, #tpu.memory_space<hbm>> -> memref<6272x16xf32, #tpu.memory_space<hbm>>
      %dma_wait3A_33 = arith.constant 0 : i32
      %dma_wait3A_34 = tpu.memref_slice %arg6[%mul3A_24, %dma_wait3A_33] : memref<100352x16xf32, #tpu.memory_space<vmem_shared>> -> memref<6272x16xf32, #tpu.memory_space<vmem_shared>>
      tpu.wait_dma2 semaphore(%run_scoped3A : memref<!tpu.dma_semaphore, #tpu.memory_space<semaphore_mem>>) src(%dma_wait3A_34 : memref<6272x16xf32, #tpu.memory_space<vmem_shared>>) dst(%dma_wait3A_32 : memref<6272x16xf32, #tpu.memory_space<hbm>>)
      tpu.yield
    }) : () -> ()
    return
  }
}

module attributes {stable_mosaic.version = 14 : i64} {
  func.func @_tc_d_body(%arg0: memref<2x784x128xf32, #tpu.memory_space<vmem>>, %arg1: memref<784x128xf32, #tpu.memory_space<vmem>>) attributes {dimension_semantics = [], scalar_prefetch = 0 : i64, scratch_operands = 0 : i64, tpu.core_type = #tpu.core_type<tc>} {
    %get3A = arith.constant 0 : index
    %get3A_0 = arith.constant 0 : index
    %get3A_1 = arith.constant 0 : index
    %get3A_2 = vector.load %arg0[%get3A, %get3A_0, %get3A_1] : memref<2x784x128xf32, #tpu.memory_space<vmem>>, vector<1x784x128xf32>
    %get3A_3 = vector.shape_cast %get3A_2 : vector<1x784x128xf32> to vector<784x128xf32>
    %get3A_4 = arith.constant 1 : index
    %get3A_5 = arith.constant 0 : index
    %get3A_6 = arith.constant 0 : index
    %get3A_7 = vector.load %arg0[%get3A_4, %get3A_5, %get3A_6] : memref<2x784x128xf32, #tpu.memory_space<vmem>>, vector<1x784x128xf32>
    %get3A_8 = vector.shape_cast %get3A_7 : vector<1x784x128xf32> to vector<784x128xf32>
    %add3A = arith.addf %get3A_3, %get3A_8 : vector<784x128xf32>
    %add3A_9 = arith.constant 1.000000e+00 : f32
    %add3A_10 = vector.broadcast %add3A_9 : f32 to vector<784x128xf32>
    %add3A_11 = arith.addf %add3A, %add3A_10 : vector<784x128xf32>
    %rsqrt3A = math.rsqrt %add3A_11 : vector<784x128xf32>
    %swap3A = arith.constant 0 : index
    %swap3A_12 = arith.constant 0 : index
    %swap3A_13 = vector.load %arg1[%swap3A, %swap3A_12] : memref<784x128xf32, #tpu.memory_space<vmem>>, vector<784x128xf32>
    tpu.vector_store %arg1[%swap3A, %swap3A_12], %rsqrt3A {strides = array<i32>} : memref<784x128xf32, #tpu.memory_space<vmem>>, vector<784x128xf32>,
    return
  }
}

module attributes {stable_mosaic.version = 14 : i64} {
  func.func @_tc_y_body(%arg0: i32, %arg1: memref<1568x128xf32, #tpu.memory_space<vmem>>, %arg2: memref<1568x128xf32, #tpu.memory_space<vmem>>, %arg3: memref<1568x128xf32, #tpu.memory_space<vmem>>) attributes {dimension_semantics = [#tpu.dimension_semantics<arbitrary>], iteration_bounds = array<i64: 8>, scalar_prefetch = 0 : i64, scratch_operands = 0 : i64, tpu.core_type = #tpu.core_type<tc>, window_params = [{transform_indices = @transform_0, window_bounds = array<i64: 1568, 128>}, {transform_indices = @transform_1, window_bounds = array<i64: 1568, 128>}, {transform_indices = @transform_2, window_bounds = array<i64: 1568, 128>}]} {
    %get3A = arith.constant 0 : index
    %get3A_0 = arith.constant 0 : index
    %get3A_1 = vector.load %arg1[%get3A, %get3A_0] : memref<1568x128xf32, #tpu.memory_space<vmem>>, vector<1568x128xf32>
    %get3A_2 = arith.constant 0 : index
    %get3A_3 = arith.constant 0 : index
    %get3A_4 = vector.load %arg2[%get3A_2, %get3A_3] : memref<1568x128xf32, #tpu.memory_space<vmem>>, vector<1568x128xf32>
    %mul3A = arith.mulf %get3A_1, %get3A_4 : vector<1568x128xf32>
    %swap3A = arith.constant 0 : index
    %swap3A_5 = arith.constant 0 : index
    %swap3A_6 = vector.load %arg3[%swap3A, %swap3A_5] : memref<1568x128xf32, #tpu.memory_space<vmem>>, vector<1568x128xf32>
    tpu.vector_store %arg3[%swap3A, %swap3A_5], %mul3A {strides = array<i32>} : memref<1568x128xf32, #tpu.memory_space<vmem>>, vector<1568x128xf32>,
    return
  }
  func.func @transform_0(%arg0: i32) -> (i32, i32) {
    %c0_i32 = arith.constant 0 : i32
    %c0_i32_0 = arith.constant 0 : i32
    return %arg0, %c0_i32 : i32, i32
  }
  func.func @transform_1(%arg0: i32) -> (i32, i32) {
    %c0_i32 = arith.constant 0 : i32
    %c0_i32_0 = arith.constant 0 : i32
    return %arg0, %c0_i32 : i32, i32
  }
  func.func @transform_2(%arg0: i32) -> (i32, i32) {
    %c0_i32 = arith.constant 0 : i32
    %c0_i32_0 = arith.constant 0 : i32
    return %arg0, %c0_i32 : i32, i32
  }
}

module attributes {stable_mosaic.version = 14 : i64} {
  func.func @_tc_dense_body(%arg0: i32, %arg1: memref<2x1568x128xf32, #tpu.memory_space<vmem>>, %arg2: memref<1568x128xf32, #tpu.memory_space<vmem>>, %arg3: memref<1568x128xf32, #tpu.memory_space<vmem>>, %arg4: memref<128x256xf32, #tpu.memory_space<vmem>>, %arg5: memref<256xf32, #tpu.memory_space<vmem>>, %arg6: memref<256x128xf32, #tpu.memory_space<vmem>>, %arg7: memref<1568x128xf32, #tpu.memory_space<vmem>>, %arg8: memref<1568x128xf32, #tpu.memory_space<vmem>>) attributes {dimension_semantics = [#tpu.dimension_semantics<arbitrary>], iteration_bounds = array<i64: 8>, scalar_prefetch = 0 : i64, scratch_operands = 0 : i64, tpu.core_type = #tpu.core_type<tc>, window_params = [{transform_indices = @transform_0, window_bounds = array<i64: 2, 1568, 128>}, {transform_indices = @transform_1, window_bounds = array<i64: 1568, 128>}, {transform_indices = @transform_2, window_bounds = array<i64: 1568, 128>}, {pipeline_mode = #tpu.pipeline_mode<synchronous>, transform_indices = @transform_3, window_bounds = array<i64: 128, 256>}, {pipeline_mode = #tpu.pipeline_mode<synchronous>, transform_indices = @transform_4, window_bounds = array<i64: 256>}, {pipeline_mode = #tpu.pipeline_mode<synchronous>, transform_indices = @transform_5, window_bounds = array<i64: 256, 128>}, {transform_indices = @transform_6, window_bounds = array<i64: 1568, 128>}, {transform_indices = @transform_7, window_bounds = array<i64: 1568, 128>}]} {
    %get3A = arith.constant 0 : index
    %get3A_0 = arith.constant 0 : index
    %get3A_1 = vector.load %arg3[%get3A, %get3A_0] : memref<1568x128xf32, #tpu.memory_space<vmem>>, vector<1568x128xf32>
    %get3A_2 = arith.constant 0 : index
    %get3A_3 = arith.constant 0 : index
    %get3A_4 = arith.constant 0 : index
    %get3A_5 = vector.load %arg1[%get3A_2, %get3A_3, %get3A_4] : memref<2x1568x128xf32, #tpu.memory_space<vmem>>, vector<1x1568x128xf32>
    %get3A_6 = vector.shape_cast %get3A_5 : vector<1x1568x128xf32> to vector<1568x128xf32>
    %get3A_7 = arith.constant 1 : index
    %get3A_8 = arith.constant 0 : index
    %get3A_9 = arith.constant 0 : index
    %get3A_10 = vector.load %arg1[%get3A_7, %get3A_8, %get3A_9] : memref<2x1568x128xf32, #tpu.memory_space<vmem>>, vector<1x1568x128xf32>
    %get3A_11 = vector.shape_cast %get3A_10 : vector<1x1568x128xf32> to vector<1568x128xf32>
    %add3A = arith.addf %get3A_6, %get3A_11 : vector<1568x128xf32>
    %get3A_12 = arith.constant 0 : index
    %get3A_13 = arith.constant 0 : index
    %get3A_14 = vector.load %arg2[%get3A_12, %get3A_13] : memref<1568x128xf32, #tpu.memory_space<vmem>>, vector<1568x128xf32>
    %add3A_15 = arith.addf %add3A, %get3A_14 : vector<1568x128xf32>
    %mul3A = arith.mulf %get3A_1, %add3A_15 : vector<1568x128xf32>
    %get3A_16 = arith.constant 0 : index
    %get3A_17 = arith.constant 0 : index
    %get3A_18 = vector.load %arg4[%get3A_16, %get3A_17] : memref<128x256xf32, #tpu.memory_space<vmem>>, vector<128x256xf32>
    %dot_general3A = arith.constant dense<0.000000e+00> : vector<1568x256xf32>
    %dot_general3A_19 = tpu.matmul %mul3A, %get3A_18, %dot_general3A {dimension_numbers = #tpu.dot_dimension_numbers<[1], [0], [0], [1], [0, 0, 1, 1], [], []>, transpose_lhs_hint = false} : vector<1568x128xf32>, vector<128x256xf32>, vector<1568x256xf32> -> vector<1568x256xf32>
    %get3A_20 = arith.constant 0 : index
    %get3A_21 = vector.load %arg5[%get3A_20] : memref<256xf32, #tpu.memory_space<vmem>>, vector<256xf32>
    %broadcast_in_dim3A = vector.shape_cast %get3A_21 : vector<256xf32> to vector<1x256xf32>
    %add3A_22 = vector.broadcast %broadcast_in_dim3A : vector<1x256xf32> to vector<1568x256xf32>
    %add3A_23 = arith.addf %dot_general3A_19, %add3A_22 : vector<1568x256xf32>
    %max3A = arith.constant 0.000000e+00 : f32
    %max3A_24 = vector.broadcast %max3A : f32 to vector<1568x256xf32>
    %max3A_25 = arith.maximumf %add3A_23, %max3A_24 : vector<1568x256xf32>
    %get3A_26 = arith.constant 0 : index
    %get3A_27 = arith.constant 0 : index
    %get3A_28 = vector.load %arg6[%get3A_26, %get3A_27] : memref<256x128xf32, #tpu.memory_space<vmem>>, vector<256x128xf32>
    %dot_general3A_29 = arith.constant dense<0.000000e+00> : vector<1568x128xf32>
    %dot_general3A_30 = tpu.matmul %max3A_25, %get3A_28, %dot_general3A_29 {dimension_numbers = #tpu.dot_dimension_numbers<[1], [0], [0], [1], [0, 0, 1, 1], [], []>, transpose_lhs_hint = false} : vector<1568x256xf32>, vector<256x128xf32>, vector<1568x128xf32> -> vector<1568x128xf32>
    %swap3A = arith.constant 0 : index
    %swap3A_31 = arith.constant 0 : index
    %swap3A_32 = vector.load %arg7[%swap3A, %swap3A_31] : memref<1568x128xf32, #tpu.memory_space<vmem>>, vector<1568x128xf32>
    tpu.vector_store %arg7[%swap3A, %swap3A_31], %dot_general3A_30 {strides = array<i32>} : memref<1568x128xf32, #tpu.memory_space<vmem>>, vector<1568x128xf32>,
    %get3A_33 = arith.constant 0 : index
    %get3A_34 = arith.constant 0 : index
    %get3A_35 = vector.load %arg3[%get3A_33, %get3A_34] : memref<1568x128xf32, #tpu.memory_space<vmem>>, vector<1568x128xf32>
    %mul3A_36 = arith.mulf %get3A_35, %dot_general3A_30 : vector<1568x128xf32>
    %swap3A_37 = arith.constant 0 : index
    %swap3A_38 = arith.constant 0 : index
    %swap3A_39 = vector.load %arg8[%swap3A_37, %swap3A_38] : memref<1568x128xf32, #tpu.memory_space<vmem>>, vector<1568x128xf32>
    tpu.vector_store %arg8[%swap3A_37, %swap3A_38], %mul3A_36 {strides = array<i32>} : memref<1568x128xf32, #tpu.memory_space<vmem>>, vector<1568x128xf32>,
    return
  }
  func.func @transform_0(%arg0: i32) -> (i32, i32, i32) {
    %c0_i32 = arith.constant 0 : i32
    %c0_i32_0 = arith.constant 0 : i32
    %c0_i32_1 = arith.constant 0 : i32
    return %c0_i32, %arg0, %c0_i32_0 : i32, i32, i32
  }
  func.func @transform_1(%arg0: i32) -> (i32, i32) {
    %c0_i32 = arith.constant 0 : i32
    %c0_i32_0 = arith.constant 0 : i32
    return %arg0, %c0_i32 : i32, i32
  }
  func.func @transform_2(%arg0: i32) -> (i32, i32) {
    %c0_i32 = arith.constant 0 : i32
    %c0_i32_0 = arith.constant 0 : i32
    return %arg0, %c0_i32 : i32, i32
  }
  func.func @transform_3(%arg0: i32) -> (i32, i32) {
    %c0_i32 = arith.constant 0 : i32
    %c0_i32_0 = arith.constant 0 : i32
    %c0_i32_1 = arith.constant 0 : i32
    return %c0_i32, %c0_i32_0 : i32, i32
  }
  func.func @transform_4(%arg0: i32) -> i32 {
    %c0_i32 = arith.constant 0 : i32
    %c0_i32_0 = arith.constant 0 : i32
    return %c0_i32 : i32
  }
  func.func @transform_5(%arg0: i32) -> (i32, i32) {
    %c0_i32 = arith.constant 0 : i32
    %c0_i32_0 = arith.constant 0 : i32
    %c0_i32_1 = arith.constant 0 : i32
    return %c0_i32, %c0_i32_0 : i32, i32
  }
  func.func @transform_6(%arg0: i32) -> (i32, i32) {
    %c0_i32 = arith.constant 0 : i32
    %c0_i32_0 = arith.constant 0 : i32
    return %arg0, %c0_i32 : i32, i32
  }
  func.func @transform_7(%arg0: i32) -> (i32, i32) {
    %c0_i32 = arith.constant 0 : i32
    %c0_i32_0 = arith.constant 0 : i32
    return %arg0, %c0_i32 : i32, i32
  }
}

module attributes {stable_mosaic.version = 14 : i64} {
  func.func @_tc_final_body(%arg0: i32, %arg1: memref<2x1568x128xf32, #tpu.memory_space<vmem>>, %arg2: memref<1568x128xf32, #tpu.memory_space<vmem>>, %arg3: memref<1568x128xf32, #tpu.memory_space<vmem>>, %arg4: memref<128xf32, #tpu.memory_space<vmem>>, %arg5: memref<1568x128xf32, #tpu.memory_space<vmem>>) attributes {dimension_semantics = [#tpu.dimension_semantics<arbitrary>], iteration_bounds = array<i64: 8>, scalar_prefetch = 0 : i64, scratch_operands = 0 : i64, tpu.core_type = #tpu.core_type<tc>, window_params = [{transform_indices = @transform_0, window_bounds = array<i64: 2, 1568, 128>}, {transform_indices = @transform_1, window_bounds = array<i64: 1568, 128>}, {transform_indices = @transform_2, window_bounds = array<i64: 1568, 128>}, {pipeline_mode = #tpu.pipeline_mode<synchronous>, transform_indices = @transform_3, window_bounds = array<i64: 128>}, {transform_indices = @transform_4, window_bounds = array<i64: 1568, 128>}]} {
    %get3A = arith.constant 0 : index
    %get3A_0 = arith.constant 0 : index
    %get3A_1 = vector.load %arg3[%get3A, %get3A_0] : memref<1568x128xf32, #tpu.memory_space<vmem>>, vector<1568x128xf32>
    %get3A_2 = arith.constant 0 : index
    %get3A_3 = arith.constant 0 : index
    %get3A_4 = arith.constant 0 : index
    %get3A_5 = vector.load %arg1[%get3A_2, %get3A_3, %get3A_4] : memref<2x1568x128xf32, #tpu.memory_space<vmem>>, vector<1x1568x128xf32>
    %get3A_6 = vector.shape_cast %get3A_5 : vector<1x1568x128xf32> to vector<1568x128xf32>
    %get3A_7 = arith.constant 1 : index
    %get3A_8 = arith.constant 0 : index
    %get3A_9 = arith.constant 0 : index
    %get3A_10 = vector.load %arg1[%get3A_7, %get3A_8, %get3A_9] : memref<2x1568x128xf32, #tpu.memory_space<vmem>>, vector<1x1568x128xf32>
    %get3A_11 = vector.shape_cast %get3A_10 : vector<1x1568x128xf32> to vector<1568x128xf32>
    %add3A = arith.addf %get3A_6, %get3A_11 : vector<1568x128xf32>
    %mul3A = arith.mulf %get3A_1, %add3A : vector<1568x128xf32>
    %mul3A_12 = arith.mulf %get3A_1, %get3A_1 : vector<1568x128xf32>
    %get3A_13 = arith.constant 0 : index
    %get3A_14 = arith.constant 0 : index
    %get3A_15 = vector.load %arg2[%get3A_13, %get3A_14] : memref<1568x128xf32, #tpu.memory_space<vmem>>, vector<1568x128xf32>
    %mul3A_16 = arith.mulf %mul3A_12, %get3A_15 : vector<1568x128xf32>
    %add3A_17 = arith.addf %mul3A, %mul3A_16 : vector<1568x128xf32>
    %get3A_18 = arith.constant 0 : index
    %get3A_19 = vector.load %arg4[%get3A_18] : memref<128xf32, #tpu.memory_space<vmem>>, vector<128xf32>
    %broadcast_in_dim3A = vector.shape_cast %get3A_19 : vector<128xf32> to vector<1x128xf32>
    %add3A_20 = vector.broadcast %broadcast_in_dim3A : vector<1x128xf32> to vector<1568x128xf32>
    %add3A_21 = arith.addf %add3A_17, %add3A_20 : vector<1568x128xf32>
    %swap3A = arith.constant 0 : index
    %swap3A_22 = arith.constant 0 : index
    %swap3A_23 = vector.load %arg5[%swap3A, %swap3A_22] : memref<1568x128xf32, #tpu.memory_space<vmem>>, vector<1568x128xf32>
    tpu.vector_store %arg5[%swap3A, %swap3A_22], %add3A_21 {strides = array<i32>} : memref<1568x128xf32, #tpu.memory_space<vmem>>, vector<1568x128xf32>,
    return
  }
  func.func @transform_0(%arg0: i32) -> (i32, i32, i32) {
    %c0_i32 = arith.constant 0 : i32
    %c0_i32_0 = arith.constant 0 : i32
    %c0_i32_1 = arith.constant 0 : i32
    return %c0_i32, %arg0, %c0_i32_0 : i32, i32, i32
  }
  func.func @transform_1(%arg0: i32) -> (i32, i32) {
    %c0_i32 = arith.constant 0 : i32
    %c0_i32_0 = arith.constant 0 : i32
    return %arg0, %c0_i32 : i32, i32
  }
  func.func @transform_2(%arg0: i32) -> (i32, i32) {
    %c0_i32 = arith.constant 0 : i32
    %c0_i32_0 = arith.constant 0 : i32
    return %arg0, %c0_i32 : i32, i32
  }
  func.func @transform_3(%arg0: i32) -> i32 {
    %c0_i32 = arith.constant 0 : i32
    %c0_i32_0 = arith.constant 0 : i32
    return %c0_i32 : i32
  }
  func.func @transform_4(%arg0: i32) -> (i32, i32) {
    %c0_i32 = arith.constant 0 : i32
    %c0_i32_0 = arith.constant 0 : i32
    return %arg0, %c0_i32 : i32, i32
  }
}

</mosaic_0001>

<sc_bundles>
// kernel: kernel.12.cloned.1.call-start
scs
__scs_entry_jumppad:
0x0: {  	(pc) =	sbr.rel $0x88, $3  }
0x1: {  	(tag) =	ssettag $0x0;
	lr =	simm.s32 $0x1  }
0x2: {  	[smem:$0x3F9B] =	sst lr;
	_ =	strace $0xD0000000  }
0x3: {  	_ = 	snop  }
0x4: {  	_ = 	snop  }
0x5: {  	_ = 	snop  }
0x6: {  	_ = 	snop  }
0x7: {  	_ = 	snop  }
__scs_overlays_trampoline_lowered:
0x8: {  	[smem:$0x3FAA] =	sst s0  }
0x9: {  	[smem:$0x3FAB] =	sst s1  }
0xa: {  	[smem:$0x3FAC] =	sst s2  }
0xb: {  	[smem:$0x3FAD] =	sst s3  }
0xc: {  	[smem:$0x3FAE] =	sst s4  }
0xd: {  	[smem:$0x3FAF] =	sst s5  }
0xe: {  	[smem:$0x3FB0] =	sst s6  }
0xf: {  	[smem:$0x3FB1] =	sst s7  }
0x10: {  	[smem:$0x3FB2] =	sst s8  }
0x11: {  	[smem:$0x3FB3] =	sst s9;
	s0 =	simm.s32 @!p0 $0x0  }
0x12: {  	s1 =	sld [smem:$0x3F99];
	s0 =	simm.s32 @p0 $0x1  }
0x13: {  	[smem:$0x3FB4] =	sst s0;
	s0 =	simm.s32 @!p1 $0x0  }
0x14: {  	s2 =	sld [smem:$0x3F98];
	s0 =	simm.s32 @p1 $0x1  }
0x15: {  	[smem:$0x3FB5] =	sst s0;
	s0 =	simm.s32 @!p2 $0x0  }
0x16: {  	s3 =	sld [smem:$0x3FDB];
	s0 =	simm.s32 @p2 $0x1  }
0x17: {  	s4 =	simm.s32 $0x1BF5;
	[smem:$0x3FB7] =	sst s0  }
0x18: {  	s0 =	sld [smem:$0x3F9A];
	_ =	swait.ge [sflag:s4], $0x0  }
0x19: {  	s7 =	sld [smem:$0x3F9B]  }
0x1a: {  	s8 =	sadd.s32 $0xFFFFE003, lr  }
0x1b: {  	s9 =	sadd.s32 $0xFFFFFEF7, lr;
	s5 =	simm.s32 $0xFFFFFFFF;
	p2 =	slt.u32 s8, $0xFFFFF086  }
0x1c: {  	p1 =	slt.u32 s9, $0xF7A;
	s5 =	simm.s32 @!p2 $0x0  }
0x1d: {  	s5 =	simm.s32 @p1 $0x1;
	p0 =	seq.s32 s7, s2  }
0x1e: {  	s7 =	smul.u32 @!p0 $0xF7A, s2;
	p2 =	seq.s32 @!p0 s5, $0x0  }
0x1f: {  	s9 =	smul.u32 $0xF7A, s1;
	s8 =	simm.s32 @!p0 $0x1BF5;
	p2 =	por !p2, p0  }
0x20: {  	[sflag:s8] =	ssyncset.s32 @!p0 $0xFFFFF086;
	s6 =	sadd.s32 @!p0 s3, s7;
	s7 =	simm.s32 @!p0 $0x108  }
0x21: {  	s3 =	sadd.s32 s3, s9;
	s6 =	sadd.s32 @!p0 $0x88, s6;
	s7 =	simm.s32 @p2 $0x1082  }
0x22: {  	[simem:s7], [sflag:s8] =	dma.local @!p0 [hbm:s6], $0xF7A  }
0x23: {  	s9 =	sor.u32 $0xD0000000, s2;
	s6 =	simm.s32 $0x108;
	_ =	swait.ge @!p0 [sflag:s8], $0x0  }
0x24: {  	s3 =	sadd.s32 $0x88, s3;
	s6 =	simm.s32 @!p1 $0x1082;
	[sflag:s4] =	ssyncset.s32 $0xFFFFF086  }
0x25: {  	[simem:s6], [sflag:s4] =	dma.local [hbm:s3], $0xF7A  }
0x26: {  	[smem:$0x3F9B] =	sst s1;
	(tag) =	ssettag s2;
	_ =	strace s9  }
0x27: {  	s1 =	sld [smem:$0x3FAB]  }
0x28: {  	s2 =	sld [smem:$0x3FAC]  }
0x29: {  	s4 =	sld [smem:$0x3FAE]  }
0x2a: {  	p0 =	seq.s32 s5, $0x0;
	s5 =	sld [smem:$0x3FAF]  }
0x2b: {  	s6 =	sld [smem:$0x3FB0]  }
0x2c: {  	s7 =	sld [smem:$0x3FB1]  }
0x2d: {  	s3 =	simm.s32 $0x108;
	s8 =	sld [smem:$0x3FB2]  }
0x2e: {  	s3 =	simm.s32 @!p0 $0x1082;
	s9 =	sld [smem:$0x3FB3]  }
0x2f: {  	lr =	sadd.s32 s0, s3;
	s0 =	sld [smem:$0x3FAA]  }
0x30: {  	s3 =	sld [smem:$0x3FAD]  }
0x31: {  	[smem:$0x3FB6] =	sst s10  }
0x32: {  	s10 =	sld [smem:$0x3FB4];
	_ =	sdelay $0x3  }
0x33: {  	p0 =	seq.s32 s10, $0x1;
	s10 =	sld [smem:$0x3FB6];
	_ =	sdelay $0x3  }
0x34: {  	[smem:$0x3FB6] =	sst s10  }
0x35: {  	s10 =	sld [smem:$0x3FB5];
	_ =	sdelay $0x3  }
0x36: {  	p1 =	seq.s32 s10, $0x1;
	s10 =	sld [smem:$0x3FB6];
	_ =	sdelay $0x3  }
0x37: {  	[smem:$0x3FB6] =	sst s10  }
0x38: {  	s10 =	sld [smem:$0x3FB7]  }
0x39: {  	_ = 	snop;
	(pc) =	sbr.ind lr, $3  }
0x3a: {  	_ = 	snop  }
0x3b: {  	_ = 	snop  }
0x3c: {  	p2 =	seq.s32 s10, $0x1;
	s10 =	sld [smem:$0x3FB6]  }
0x3d: {  	_ =	shalt  }
0x3e: {  	_ =	shalt  }
0x3f: {  	_ =	shalt  }
0x40: {  	_ =	shalt  }
0x41: {  	_ =	shalt  }
0x42: {  	_ =	shalt  }
0x43: {  	_ =	shalt  }
0x44: {  	_ =	shalt  }
0x45: {  	_ =	shalt  }
0x46: {  	_ =	shalt  }
0x47: {  	_ =	shalt  }
0x48: {  	_ =	shalt  }
0x49: {  	_ =	shalt  }
0x4a: {  	_ =	shalt  }
0x4b: {  	_ =	shalt  }
0x4c: {  	_ =	shalt  }
0x4d: {  	_ =	shalt  }
0x4e: {  	_ =	shalt  }
0x4f: {  	_ =	shalt  }
0x50: {  	_ =	shalt  }
0x51: {  	_ =	shalt  }
0x52: {  	_ =	shalt  }
0x53: {  	_ =	shalt  }
0x54: {  	_ =	shalt  }
0x55: {  	_ =	shalt  }
0x56: {  	_ =	shalt  }
0x57: {  	_ =	shalt  }
0x58: {  	_ =	shalt  }
0x59: {  	_ =	shalt  }
0x5a: {  	_ =	shalt  }
0x5b: {  	_ =	shalt  }
0x5c: {  	_ =	shalt  }
0x5d: {  	_ =	shalt  }
0x5e: {  	_ =	shalt  }
0x5f: {  	_ =	shalt  }
0x60: {  	_ =	shalt  }
0x61: {  	_ =	shalt  }
0x62: {  	_ =	shalt  }
0x63: {  	_ =	shalt  }
0x64: {  	_ =	shalt  }
0x65: {  	_ =	shalt  }
0x66: {  	_ =	shalt  }
0x67: {  	_ =	shalt  }
0x68: {  	_ =	shalt  }
0x69: {  	_ =	shalt  }
0x6a: {  	_ =	shalt  }
0x6b: {  	_ =	shalt  }
0x6c: {  	_ =	shalt  }
0x6d: {  	_ =	shalt  }
0x6e: {  	_ =	shalt  }
0x6f: {  	_ =	shalt  }
0x70: {  	_ =	shalt  }
0x71: {  	_ =	shalt  }
0x72: {  	_ =	shalt  }
0x73: {  	_ =	shalt  }
0x74: {  	_ =	shalt  }
0x75: {  	_ =	shalt  }
0x76: {  	_ =	shalt  }
0x77: {  	_ =	shalt  }
0x78: {  	_ =	shalt  }
0x79: {  	_ =	shalt  }
0x7a: {  	_ =	shalt  }
0x7b: {  	_ =	shalt  }
0x7c: {  	_ =	shalt  }
0x7d: {  	_ =	shalt  }
0x7e: {  	_ =	shalt  }
0x7f: {  	_ =	shalt  }
0x80: {  	_ =	shalt  }
0x81: {  	_ =	shalt  }
0x82: {  	_ =	shalt  }
0x83: {  	_ =	shalt  }
0x84: {  	_ =	shalt  }
0x85: {  	_ =	shalt  }
0x86: {  	_ =	shalt  }
0x87: {  	_ =	shalt  }
.Lfunc_end0:
.L_simem_size_0:
called_computation.1_lowered:
.L_overlay_start_0:
0x88: {  	s2 =	sld [smem:$0x3FD9]  }
0x89: {  	s3 =	sld [smem:$0x3FFE];
	_ =	sdelay $0x1  }
0x8a: {  	s1 =	srdreg.scid  }
0x8b: {  	s0 =	sand.u32 $0x1, s1  }
0x8c: {  	s16 =	sshll.u32 s0, $0xA;
	s2 =	sadd.s32 s3, s2  }
0x8d: {  	s2 =	sadd.s32 s2, s16  }
0x8e: {  	[smem:$0x3FC2] =	sst s2  }
0x8f: {  	_ = 	snop  }
0x90: {  	(tm) =	ssettm $0x1  }
0x91: {  	s17 =	sld [smem:$0x3FFB];
	_ =	sdelay $0x3  }
0x92: {  	_ =	strace s17  }
0x93: {  	s2 =	sld [smem:$0x3FFC];
	_ =	sdelay $0x3  }
0x94: {  	_ =	strace s2  }
0x95: {  	s2 =	sld [smem:$0x3FFD];
	_ =	sdelay $0x3  }
0x96: {  	_ =	strace s2  }
0x97: {  	_ =	strace $0x8FFFFFFF  }
0x98: {  	s18 =	sld [smem:$0x3FDB];
	_ =	sdelay $0x1  }
0x99: {  	s19 =	simm.s32 $_scs_section_size  }
0x9a: {  	s4 =	simm.s32 $_size__tile_overlayer_lowered;
	s5 =	simm.s32 $_tile_overlayer_lowered  }
0x9b: {  	s22 =	simm.s32 $0x1BFF;
	s21 =	sshll.u32 s5, $0x1;
	s2 =	sadd.s32 s19, s18  }
0x9c: {  	s6 =	simm.s32 $0x0;
	s20 =	sshll.u32 s4, $0x1;
	s4 =	sadd.s32 s21, s2  }
0x9d: {  	[timem:s6], [sflag:s22] =	dma.local [hbm:s4], s20  }
0x9e: {  	_ =	swait.ge [sflag:s22], s20  }
0x9f: {  	s3 =	ssub.s32 $0x0, s20;
	[sflag:s22] =	ssyncset.done $0x0  }
0xa0: {  	[sflag:s22] =	ssyncadd.s32 s3;
	_ =	sdelay $0x1  }
0xa1: {  	s23 =	simm.s32 $0x1B8B  }
0xa2: {  	_ =	swait.ge [sflag:s23], $0x1  }
0xa3: {  	[sflag:s23] =	ssyncset.done $0x0  }
0xa4: {  	s25 =	simm.s32 $0x1B8E;
	s24 =	sld [smem:$0x3FFE];
	[sflag:s23] =	ssyncadd.s32 $0xFFFFFFFF  }
0xa5: {  	s26 =	simm.s32 $execute0_lowered;
	[smem:$0x3FD2] =	sst s25  }
0xa6: {  	s4 =	sshll.u32 s26, $0x1;
	_ =	strace $0x80000049;
	[dreg:$0x1] =	wrdreg $0xFFFFFFFF  }
0xa7: {  	s28 =	simm.s32 $_size_execute0_lowered;
	s2 =	sadd.s32 s2, s4;
	[dreg:$0x0] =	wrdreg $0x0  }
0xa8: {  	s4 =	sshll.u32 s28, $0x1;
	[dreg:$0x2] =	wrdreg s2  }
0xa9: {  	[dreg:$0x3] =	wrdreg s4  }
0xaa: {  	[dreg:$0x4] =	wrdreg $0xC0  }
0xab: {  	_ =	task [dreg:s6], $0x5FFFF  }
0xac: {  	[dreg:$0x1] =	wrdreg $0xFFFFFFFF  }
0xad: {  	[dreg:$0x0] =	wrdreg $0x60  }
0xae: {  	[dreg:$0x2] =	wrdreg s24  }
0xaf: {  	[dreg:$0x3] =	wrdreg $0x0  }
0xb0: {  	[dreg:$0x4] =	wrdreg $0x9  }
0xb1: {  	_ =	task.clear_ibuf [dreg:s6], $0x5FFFF;
	_ =	strace $0x90000049  }
0xb2: {  	s29 =	simm.s32 $0x9;
	_ =	strace $0x8000004B  }
0xb3: {  	_ =	swait.ge [sflag:s29], $0x1  }
0xb4: {  	[sflag:s29] =	ssyncadd.s32 $0xFFFFFFFF  }
0xb5: {  	_ =	strace $0x9000004B  }
0xb6: {  	_ =	sfence  }
0xb7: {  	s30 =	sld [smem:$0x0];
	_ =	sdelay $0x2  }
0xb8: {  	s31 =	sshll.u32 s1, $0xD;
	s1 =	sshrl.u32 s1, $0x2  }
0xb9: {  	s3 =	sand.u32 $0x4000, s31;
	s1 =	sadd.s32 s1, s30  }
0xba: {  	s0 =	sor.u32 s3, s0;
	s1 =	sshll.u32 s1, $0x11  }
0xbb: {  	s0 =	sor.u32 s1, s0  }
0xbc: {  	s0 =	sadd.s32 $0x8F2B, s0  }
0xbd: {  	[sflag:s0] =	ssyncadd.remote.s32 $0x1  }
0xbe: {  	_ =	sfence.sel $0xFFFF  }
0xbf: {  	[dreg:$0x0] =	wrdreg $0xFFFFFFFF;
	(pc) =	sbr.abs _section_cstart, $3  }
0xc0: {  	[dreg:$0x1] =	wrdreg $0xFFFFFFFF  }
0xc1: {  	_ =	task.clear_ibuf [dreg:s6], $0x2FFFF;
	_ =	strace $0x9FFFFFFF  }
0xc2: {  	(tm) =	ssettm $0x7FFFFFFF  }
0xc3: {  	_ =	shalt  }
tec
execute0_lowered:
.L_overlay_start_1:
0x0: {  	(tag) =	ssettag $0x1  }
0x1: {  	s0 =	rddreg [dreg:$0x0]  }
0x2: {  	s1 =	rddreg [dreg:$0x1];
	s2 =	srdreg.scid  }
0x3: {  	s13 =	simm.s32 $0x0;
	s7 =	stileid.u32;
	s11 =	simm.s32 $0x1C000  }
0x4: {  	s12 =	simm.s32 $0x11;
	s15 =	simm.s32 $0x80;
	s17 =	simm.s32 $0x1C800  }
0x5: {  	s19 =	simm.s32 $0x1D000;
	s21 =	simm.s32 $0x1D800;
	s29 =	simm.s32 $0x1F000  }
0x6: {  	s31 =	simm.s32 $0x1F800;
	s9 =	simm.s32 $0x3;
	s10 =	simm.s32 $0x4  }
0x7: {  	s14 =	simm.s32 $0x7;
	s16 =	simm.s32 $0x8;
	s18 =	simm.s32 $0x9  }
0x8: {  	s20 =	simm.s32 $0xA;
	s28 =	simm.s32 $0xD;
	s30 =	simm.s32 $0xE  }
0x9: {  	s2 =	sand.u32 $0x1, s2;
	[smem:$0x7FF] =	sst s13;
	s5 =	smul.u32 $0x18800, s7  }
0xa: {  	s4 =	sadd.s32 $0xFE400, s0;
	s6 =	sadd.s32 $0x6B400, s0;
	s22 =	sadd.s32 $0x3200, s0  }
0xb: {  	s23 =	smul.u32 $0x62000, s7;
	_ =	strace $0x8000004A;
	[dreg:$0x4] =	wrdreg s6  }
0xc: {  	s7 =	sshll.u32 s7, $0x1;
	s3 =	smul.u32 $0x188000, s2;
	[dreg:$0x5] =	wrdreg s22  }
0xd: {  	s24 =	ssub.s32 $0x2, s2;
	s2 =	sor.u32 s2, s7;
	s22 =	simm.s32 $0xB  }
0xe: {  	s8 =	sshrl.u32 s24, $0x1;
	s6 =	sshrl.u32 s23, $0x2;
	s2 =	smul.u32 $0x310, s2  }
0xf: {  	s25 =	sadd.s32 s5, s1;
	s23 =	simm.s32 $0x1E000;
	s3 =	sadd.s32 s5, s3  }
0x10: {  	s7 =	sadd.s32 s6, s1;
	s5 =	simm.s32 $0xF;
	s6 =	simm.s32 $0x10  }
0x11: {  	s3 =	sshrl.u32 s3, $0x3;
	[dreg:$0x7] =	wrdreg s2;
	s2 =	simm.s32 $0x2  }
.Ltmp0:
0x12: {  	[dreg:$0x6] =	wrdreg s7;
	s0 =	sadd.s32 s3, s0;
	(pc) =	sbr.rel .LBB2_1-.Ltmp0, $4  }
0x13: {  	s3 =	ssub.s32 s24, s8;
	s24 =	simm.s32 $0xC;
	s0 =	sadd.s32 $0x12F400, s0  }
0x14: {  	s26 =	smax.u32 s3, $0x1;
	s3 =	simm.s32 $0x6;
	[dreg:$0x8] =	wrdreg s0  }
0x15: {  	[dreg:$0x9] =	wrdreg s26;
	s0 =	sshrl.u32 s25, $0x3;
	s26 =	simm.s32 $0x1E800  }
0x16: {  	v0 =	vimm.f32 $0.0e+00;
	s25 =	simm.s32 $0x5;
	[dreg:$0xa] =	wrdreg s0;
	s0 =	simm.s32 $0x1  }
.LBB2_10:
0x17: {  	s7 =	stileid.u32;
	[bflag:$0x0] =	sbarrier.arrive $0xFFFF  }
0x18: {  	s7 =	sshll.u32 s7, $0x6;
	s8 =	rddreg [dreg:$0x8]  }
0x19: {  	s13 =	rddreg [dreg:$0xa];
	s7 =	sor.u32 $0x1C11, s7  }
0x1a: {  	[hbm:s8], [sflag:s7] =	dma.local [spmem:s13], $0x3100  }
0x1b: {  	_ =	swait.ge [sflag:s12], $0x3100  }
0x1c: {  	s7 =	rddreg [dreg:$0x3]  }
0x1d: {  	s8 =	rddreg [dreg:$0x9];
	s13 =	sadd.s32 $0x1, s7  }
0x1e: {  	p0 =	sne.s32 s13, s8  }
.Ltmp1:
0x1f: {  	_ = 	snop;
	(pc) =	sbr.rel @!p0 .LBB2_11-.Ltmp1, $3  }
0x20: {  	_ =	sdelay $0x1  }
0x21: {  	[sflag:s12] =	ssyncset.done $0x0  }
0x22: {  	[sflag:s12] =	ssyncadd.s32 $0xFFFFCF00;
	s7 =	rddreg [dreg:$0x6]  }
.LBB2_1:
0x23: {  	[dreg:$0x3] =	wrdreg s13;
	s8 =	simm.s32 $0x0  }
.LBB2_2:
0x24: {  	p0 =	sne.s32 s8, $0x1FC0  }
.Ltmp2:
0x25: {  	_ = 	snop;
	(pc) =	sbr.rel @p0 .LBB2_2-.Ltmp2, $3  }
0x26: {  	_ =	sdelay $0x1  }
0x27: {  	s13 =	sshra.s32 s8, $0x2  }
0x28: {  	s8 =	sadd.s32 $0x40, s8;
	[tilespmem:s13+$0x1C000] =	vst v0  }
0x29: {  	s8 =	sadd.s32 $0x0, s7  }
0x2a: {  	[spmem:s8] =	stream.linear.scatter [tilespmem:s11], [sflag:$0x11], $0x800, $0x38;
	v63 =	vld [tilespmem:$0x0]  }
0x2b: {  	s8 =	simm.s32 $0x2000;
	_ =	swait.ge [sflag:s12], $0x800  }
.LBB2_4:
0x2c: {  	s13 =	sshra.s32 s8, $0x2;
	[sflag:s12] =	ssyncset.done $0x0;
	p0 =	sne.s32 s8, $0x60000  }
.Ltmp3:
0x2d: {  	s13 =	sadd.s32 s13, s7;
	[sflag:s12] =	ssyncadd.s32 $0xFFFFF800;
	(pc) =	sbr.rel @p0 .LBB2_4-.Ltmp3, $3  }
0x2e: {  	[spmem:s13] =	stream.linear.scatter [tilespmem:s11], [sflag:$0x11], $0x800, $0x38;
	v63 =	vld [tilespmem:$0x0]  }
0x2f: {  	s8 =	sadd.s32 $0x2000, s8;
	_ =	sdelay $0x1  }
0x30: {  	_ =	swait.ge [sflag:s12], $0x800  }
.Ltmp4:
0x31: {  	(pc) =	sbr.rel .LBB2_6-.Ltmp4, $4  }
0x32: {  	[sflag:s12] =	ssyncset.done $0x0  }
0x33: {  	[sflag:s12] =	ssyncadd.s32 $0xFFFFF800  }
0x34: {  	[bflag:$0x0] =	sbarrier.arrive $0xFFFF  }
0x35: {  	s7 =	simm.s32 $0x0  }
.LBB2_9:
0x36: {  	_ =	swait.ge [sflag:s20], $0x800  }
0x37: {  	[sflag:s20] =	ssyncset.done $0x0  }
0x38: {  	[sflag:s20] =	ssyncadd.s32 $0xFFFFF800  }
0x39: {  	_ =	swait.ge [sflag:s22], $0x800  }
0x3a: {  	[sflag:s22] =	ssyncset.done $0x0  }
0x3b: {  	[sflag:s22] =	ssyncadd.s32 $0xFFFFF800  }
0x3c: {  	_ =	swait.ge [sflag:s24], $0x800  }
0x3d: {  	[sflag:s24] =	ssyncset.done $0x0  }
0x3e: {  	[sflag:s24] =	ssyncadd.s32 $0xFFFFF800  }
0x3f: {  	_ =	swait.ge [sflag:s28], $0x800  }
0x40: {  	[sflag:s28] =	ssyncset.done $0x0  }
0x41: {  	[sflag:s28] =	ssyncadd.s32 $0xFFFFF800  }
0x42: {  	_ =	swait.ge [sflag:s30], $0x800  }
0x43: {  	[sflag:s30] =	ssyncset.done $0x0  }
0x44: {  	[sflag:s30] =	ssyncadd.s32 $0xFFFFF800  }
0x45: {  	_ =	swait.ge [sflag:s5], $0x800  }
0x46: {  	[sflag:s5] =	ssyncset.done $0x0  }
0x47: {  	[sflag:s5] =	ssyncadd.s32 $0xFFFFF800  }
0x48: {  	_ =	swait.ge [sflag:s6], $0x800  }
0x49: {  	s7 =	rddreg [dreg:$0xb]  }
0x4a: {  	s7 =	sadd.s32 $0x1, s7  }
0x4b: {  	p0 =	sne.s32 s7, $0xE  }
.Ltmp5:
0x4c: {  	_ = 	snop;
	(pc) =	sbr.rel @!p0 .LBB2_10-.Ltmp5, $3  }
0x4d: {  	_ =	sdelay $0x1  }
0x4e: {  	[sflag:s6] =	ssyncset.done $0x0  }
0x4f: {  	[sflag:s6] =	ssyncadd.s32 $0xFFFFF800  }
.LBB2_6:
0x50: {  	s8 =	smul.u32 $0x38, s7  }
0x51: {  	s13 =	rddreg [dreg:$0x7]  }
0x52: {  	[dreg:$0xb] =	wrdreg s7;
	s8 =	sadd.s32 s13, s8  }
0x53: {  	s7 =	simm.s32 $0x0;
	s13 =	rddreg [dreg:$0x4];
	s8 =	sshll.u32 s8, $0x4  }
0x54: {  	[dreg:$0xc] =	wrdreg s8;
	s13 =	sadd.s32 s13, s8;
	s8 =	simm.s32 $0x18800  }
0x55: {  	[tilespmem:s8], [sflag:$0x11] =	stream.linear.gather [hbm4b:s13+s7], $0x1C00, $0x38;
	v63 =	vld [tilespmem:$0x0]  }
0x56: {  	_ =	swait.ge [sflag:s12], $0x1C00  }
0x57: {  	s7 =	rddreg [dreg:$0x5]  }
0x58: {  	s13 =	simm.s32 $0x0;
	[sflag:s12] =	ssyncset.done $0x0;
	s8 =	rddreg [dreg:$0xc]  }
0x59: {  	[sflag:s12] =	ssyncadd.s32 $0xFFFFE400;
	s8 =	sadd.s32 s7, s8;
	s7 =	simm.s32 $0x1A400  }
0x5a: {  	[tilespmem:s7], [sflag:$0x11] =	stream.linear.gather [hbm4b:s8+s13], $0x1C00, $0x38;
	v63 =	vld [tilespmem:$0x0]  }
0x5b: {  	_ =	swait.ge [sflag:s12], $0x1C00  }
0x5c: {  	[sflag:s12] =	ssyncset.done $0x0  }
0x5d: {  	s8 =	simm.s32 $0x18800;
	[sflag:s12] =	ssyncadd.s32 $0xFFFFE400  }
0x5e: {  	[tilespmem:s11], [sflag:$0x1] =	stream.indirect.gather [hbm4b:s4+s15], $0x10, s8, s15, $0xb8;
	v63 =	vld [tilespmem:$0x0]  }
0x5f: {  	s13 =	simm.s32 $0x18880  }
0x60: {  	[tilespmem:s17], [sflag:$0x2] =	stream.indirect.gather [hbm4b:s4+s15], $0x10, s13, s15, $0xb8;
	v63 =	vld [tilespmem:$0x0]  }
0x61: {  	s8 =	simm.s32 $0x18900  }
0x62: {  	[tilespmem:s19], [sflag:$0x3] =	stream.indirect.gather [hbm4b:s4+s15], $0x10, s8, s15, $0xb8;
	v63 =	vld [tilespmem:$0x0]  }
0x63: {  	s13 =	simm.s32 $0x18980  }
0x64: {  	[tilespmem:s21], [sflag:$0x4] =	stream.indirect.gather [hbm4b:s4+s15], $0x10, s13, s15, $0xb8;
	v63 =	vld [tilespmem:$0x0]  }
0x65: {  	s8 =	simm.s32 $0x18A00  }
0x66: {  	[tilespmem:s23], [sflag:$0x5] =	stream.indirect.gather [hbm4b:s4+s15], $0x10, s8, s15, $0xb8;
	v63 =	vld [tilespmem:$0x0]  }
0x67: {  	s13 =	simm.s32 $0x18A80  }
0x68: {  	[tilespmem:s26], [sflag:$0x6] =	stream.indirect.gather [hbm4b:s4+s15], $0x10, s13, s15, $0xb8;
	v63 =	vld [tilespmem:$0x0]  }
0x69: {  	s8 =	simm.s32 $0x18B00  }
0x6a: {  	[tilespmem:s29], [sflag:$0x7] =	stream.indirect.gather [hbm4b:s4+s15], $0x10, s8, s15, $0xb8;
	v63 =	vld [tilespmem:$0x0]  }
0x6b: {  	s13 =	simm.s32 $0x18B80;
	s8 =	simm.s32 $0x0  }
0x6c: {  	[tilespmem:s31], [sflag:$0x8] =	stream.indirect.gather [hbm4b:s4+s15], $0x10, s13, s15, $0xb8;
	v63 =	vld [tilespmem:$0x0]  }
.LBB2_7:
0x6d: {  	_ =	swait.ge [sflag:s0], $0x800  }
0x6e: {  	s13 =	sshra.s32 s8, $0x2;
	[sflag:s0] =	ssyncset.done $0x0  }
0x6f: {  	s7 =	sadd.s32 $0x1A400, s13;
	[sflag:s0] =	ssyncadd.s32 $0xFFFFF800  }
0x70: {  	[spmem:s1] =	stream.indirect.scatter.add.f32 [tilespmem:s11], [sflag:$0x9], $0x10, s7, s15, $0xb8;
	v63 =	vld [tilespmem:$0x0]  }
0x71: {  	_ =	swait.ge [sflag:s2], $0x800  }
0x72: {  	[sflag:s2] =	ssyncset.done $0x0  }
0x73: {  	s7 =	sadd.s32 $0x1A480, s13;
	[sflag:s2] =	ssyncadd.s32 $0xFFFFF800  }
0x74: {  	[spmem:s1] =	stream.indirect.scatter.add.f32 [tilespmem:s17], [sflag:$0xA], $0x10, s7, s15, $0xb8;
	v63 =	vld [tilespmem:$0x0]  }
0x75: {  	_ =	swait.ge [sflag:s9], $0x800  }
0x76: {  	[sflag:s9] =	ssyncset.done $0x0  }
0x77: {  	s7 =	sadd.s32 $0x1A500, s13;
	[sflag:s9] =	ssyncadd.s32 $0xFFFFF800  }
0x78: {  	[spmem:s1] =	stream.indirect.scatter.add.f32 [tilespmem:s19], [sflag:$0xB], $0x10, s7, s15, $0xb8;
	v63 =	vld [tilespmem:$0x0]  }
0x79: {  	_ =	swait.ge [sflag:s10], $0x800  }
0x7a: {  	[sflag:s10] =	ssyncset.done $0x0  }
0x7b: {  	s7 =	sadd.s32 $0x1A580, s13;
	[sflag:s10] =	ssyncadd.s32 $0xFFFFF800  }
0x7c: {  	[spmem:s1] =	stream.indirect.scatter.add.f32 [tilespmem:s21], [sflag:$0xC], $0x10, s7, s15, $0xb8;
	v63 =	vld [tilespmem:$0x0]  }
0x7d: {  	_ =	swait.ge [sflag:s25], $0x800  }
0x7e: {  	[sflag:s25] =	ssyncset.done $0x0  }
0x7f: {  	s7 =	sadd.s32 $0x1A600, s13;
	[sflag:s25] =	ssyncadd.s32 $0xFFFFF800  }
0x80: {  	[spmem:s1] =	stream.indirect.scatter.add.f32 [tilespmem:s23], [sflag:$0xD], $0x10, s7, s15, $0xb8;
	v63 =	vld [tilespmem:$0x0]  }
0x81: {  	_ =	swait.ge [sflag:s3], $0x800  }
0x82: {  	[sflag:s3] =	ssyncset.done $0x0  }
0x83: {  	s7 =	sadd.s32 $0x1A680, s13;
	[sflag:s3] =	ssyncadd.s32 $0xFFFFF800  }
0x84: {  	[spmem:s1] =	stream.indirect.scatter.add.f32 [tilespmem:s26], [sflag:$0xE], $0x10, s7, s15, $0xb8;
	v63 =	vld [tilespmem:$0x0]  }
0x85: {  	_ =	swait.ge [sflag:s14], $0x800  }
0x86: {  	[sflag:s14] =	ssyncset.done $0x0  }
0x87: {  	s7 =	sadd.s32 $0x1A700, s13;
	[sflag:s14] =	ssyncadd.s32 $0xFFFFF800  }
0x88: {  	[spmem:s1] =	stream.indirect.scatter.add.f32 [tilespmem:s29], [sflag:$0xF], $0x10, s7, s15, $0xb8;
	v63 =	vld [tilespmem:$0x0]  }
0x89: {  	_ =	swait.ge [sflag:s16], $0x800  }
0x8a: {  	p0 =	seq.s32 s8, $0x6000;
	[sflag:s16] =	ssyncset.done $0x0  }
.Ltmp6:
0x8b: {  	s7 =	sadd.s32 $0x1A780, s13;
	[sflag:s16] =	ssyncadd.s32 $0xFFFFF800;
	(pc) =	sbr.rel @p0 .LBB2_9-.Ltmp6, $4  }
0x8c: {  	[spmem:s1] =	stream.indirect.scatter.add.f32 [tilespmem:s31], [sflag:$0x10], $0x10, s7, s15, $0xb8;
	v63 =	vld [tilespmem:$0x0]  }
0x8d: {  	_ =	swait.ge [sflag:s18], $0x800  }
0x8e: {  	[sflag:s18] =	ssyncset.done $0x0  }
0x8f: {  	[sflag:s18] =	ssyncadd.s32 $0xFFFFF800  }
0x90: {  	s7 =	sadd.s32 $0x18C00, s13  }
0x91: {  	[tilespmem:s11], [sflag:$0x1] =	stream.indirect.gather [hbm4b:s4+s15], $0x10, s7, s15, $0xb8;
	v63 =	vld [tilespmem:$0x0]  }
0x92: {  	_ =	swait.ge [sflag:s20], $0x800  }
0x93: {  	[sflag:s20] =	ssyncset.done $0x0  }
0x94: {  	s7 =	sadd.s32 $0x18C80, s13;
	[sflag:s20] =	ssyncadd.s32 $0xFFFFF800  }
0x95: {  	[tilespmem:s17], [sflag:$0x2] =	stream.indirect.gather [hbm4b:s4+s15], $0x10, s7, s15, $0xb8;
	v63 =	vld [tilespmem:$0x0]  }
0x96: {  	_ =	swait.ge [sflag:s22], $0x800  }
0x97: {  	[sflag:s22] =	ssyncset.done $0x0  }
0x98: {  	s7 =	sadd.s32 $0x18D00, s13;
	[sflag:s22] =	ssyncadd.s32 $0xFFFFF800  }
0x99: {  	[tilespmem:s19], [sflag:$0x3] =	stream.indirect.gather [hbm4b:s4+s15], $0x10, s7, s15, $0xb8;
	v63 =	vld [tilespmem:$0x0]  }
0x9a: {  	_ =	swait.ge [sflag:s24], $0x800  }
0x9b: {  	[sflag:s24] =	ssyncset.done $0x0  }
0x9c: {  	s7 =	sadd.s32 $0x18D80, s13;
	[sflag:s24] =	ssyncadd.s32 $0xFFFFF800  }
0x9d: {  	[tilespmem:s21], [sflag:$0x4] =	stream.indirect.gather [hbm4b:s4+s15], $0x10, s7, s15, $0xb8;
	v63 =	vld [tilespmem:$0x0]  }
0x9e: {  	_ =	swait.ge [sflag:s28], $0x800  }
0x9f: {  	[sflag:s28] =	ssyncset.done $0x0  }
0xa0: {  	s7 =	sadd.s32 $0x18E00, s13;
	[sflag:s28] =	ssyncadd.s32 $0xFFFFF800  }
0xa1: {  	[tilespmem:s23], [sflag:$0x5] =	stream.indirect.gather [hbm4b:s4+s15], $0x10, s7, s15, $0xb8;
	v63 =	vld [tilespmem:$0x0]  }
0xa2: {  	_ =	swait.ge [sflag:s30], $0x800  }
0xa3: {  	[sflag:s30] =	ssyncset.done $0x0  }
0xa4: {  	s7 =	sadd.s32 $0x18E80, s13;
	[sflag:s30] =	ssyncadd.s32 $0xFFFFF800  }
0xa5: {  	[tilespmem:s26], [sflag:$0x6] =	stream.indirect.gather [hbm4b:s4+s15], $0x10, s7, s15, $0xb8;
	v63 =	vld [tilespmem:$0x0]  }
0xa6: {  	_ =	swait.ge [sflag:s5], $0x800  }
0xa7: {  	[sflag:s5] =	ssyncset.done $0x0  }
0xa8: {  	s7 =	sadd.s32 $0x18F00, s13;
	[sflag:s5] =	ssyncadd.s32 $0xFFFFF800  }
0xa9: {  	[tilespmem:s29], [sflag:$0x7] =	stream.indirect.gather [hbm4b:s4+s15], $0x10, s7, s15, $0xb8;
	v63 =	vld [tilespmem:$0x0]  }
.Ltmp7:
0xaa: {  	_ = 	snop;
	(pc) =	sbr.rel .LBB2_7-.Ltmp7, $4  }
0xab: {  	_ =	swait.ge [sflag:s6], $0x800  }
0xac: {  	[sflag:s6] =	ssyncset.done $0x0  }
0xad: {  	s8 =	sadd.s32 $0x1000, s8;
	s13 =	sadd.s32 $0x18F80, s13;
	[sflag:s6] =	ssyncadd.s32 $0xFFFFF800  }
0xae: {  	[tilespmem:s31], [sflag:$0x8] =	stream.indirect.gather [hbm4b:s4+s15], $0x10, s13, s15, $0xb8;
	v63 =	vld [tilespmem:$0x0]  }
.LBB2_11:
0xaf: {  	_ =	sfence.sel $0x180000  }
0xb0: {  	[bflag:$0x0] =	sbarrier.arrive $0xFFFF  }
0xb1: {  	_ =	strace $0x9000004A  }
0xb2: {  	s0 =	stileid.u32;
	[bflag:$0x2] =	sbarrier.arrive $0xFFFF  }
0xb3: {  	p0 =	sne.s32 s0, $0x0;
	s0 =	rddreg [dreg:$0x2]  }
0xb4: {  	s0 =	sadd.s32 @!p0 $0x100000, s0  }
0xb5: {  	[sflag:s0] =	ssyncadd.tile.s32 @!p0 $0x1;
	_ =	shalt  }
.Lfunc_end2:
_tile_overlayer_lowered:
.L_overlay_start_2:
0xb6: {  	(tag) =	ssettag $0x2  }
0xb7: {  	s0 =	rddreg [dreg:$0x0];
	s2 =	stileid.u32  }
0xb8: {  	s1 =	rddreg [dreg:$0x1];
	p0 =	sne.s32 s2, $0x0  }
0xb9: {  	s3 =	rddreg [dreg:$0x2];
	[bflag:$0x3] =	sbarrier.arrive $0xFFFF;
	s2 =	simm.s32 @!p0 $0x1C11  }
0xba: {  	[timem:s3], [sflag:s2] =	dma.local @!p0 [hbm:s0], s1  }
0xbb: {  	s0 =	simm.s32 @!p0 $0x11  }
0xbc: {  	_ =	swait.ge @!p0 [sflag:s0], s1  }
0xbd: {  	s1 =	ssub.s32 @!p0 $0x0, s1;
	[sflag:s0] =	ssyncset.done @!p0 $0x0  }
0xbe: {  	[sflag:s0] =	ssyncadd.s32 @!p0 s1  }
0xbf: {  	[bflag:$0x3] =	sbarrier.arrive $0xFFFF  }
0xc0: {  	_ =	shalt  }

// kernel: kernel.15.cloned.1.call-start
scs
__scs_entry_jumppad:
0x0: {  	(pc) =	sbr.rel $0x88, $3  }
0x1: {  	(tag) =	ssettag $0x0;
	lr =	simm.s32 $0x1  }
0x2: {  	[smem:$0x3F9B] =	sst lr;
	_ =	strace $0xD0000000  }
0x3: {  	_ = 	snop  }
0x4: {  	_ = 	snop  }
0x5: {  	_ = 	snop  }
0x6: {  	_ = 	snop  }
0x7: {  	_ = 	snop  }
__scs_overlays_trampoline_lowered:
0x8: {  	[smem:$0x3FAA] =	sst s0  }
0x9: {  	[smem:$0x3FAB] =	sst s1  }
0xa: {  	[smem:$0x3FAC] =	sst s2  }
0xb: {  	[smem:$0x3FAD] =	sst s3  }
0xc: {  	[smem:$0x3FAE] =	sst s4  }
0xd: {  	[smem:$0x3FAF] =	sst s5  }
0xe: {  	[smem:$0x3FB0] =	sst s6  }
0xf: {  	[smem:$0x3FB1] =	sst s7  }
0x10: {  	[smem:$0x3FB2] =	sst s8  }
0x11: {  	[smem:$0x3FB3] =	sst s9;
	s0 =	simm.s32 @!p0 $0x0  }
0x12: {  	s1 =	sld [smem:$0x3F99];
	s0 =	simm.s32 @p0 $0x1  }
0x13: {  	[smem:$0x3FB4] =	sst s0;
	s0 =	simm.s32 @!p1 $0x0  }
0x14: {  	s2 =	sld [smem:$0x3F98];
	s0 =	simm.s32 @p1 $0x1  }
0x15: {  	[smem:$0x3FB5] =	sst s0;
	s0 =	simm.s32 @!p2 $0x0  }
0x16: {  	s3 =	sld [smem:$0x3FDB];
	s0 =	simm.s32 @p2 $0x1  }
0x17: {  	s4 =	simm.s32 $0x1BF5;
	[smem:$0x3FB7] =	sst s0  }
0x18: {  	s0 =	sld [smem:$0x3F9A];
	_ =	swait.ge [sflag:s4], $0x0  }
0x19: {  	s7 =	sld [smem:$0x3F9B]  }
0x1a: {  	s8 =	sadd.s32 $0xFFFFE003, lr  }
0x1b: {  	s9 =	sadd.s32 $0xFFFFFEF7, lr;
	s5 =	simm.s32 $0xFFFFFFFF;
	p2 =	slt.u32 s8, $0xFFFFF086  }
0x1c: {  	p1 =	slt.u32 s9, $0xF7A;
	s5 =	simm.s32 @!p2 $0x0  }
0x1d: {  	s5 =	simm.s32 @p1 $0x1;
	p0 =	seq.s32 s7, s2  }
0x1e: {  	s7 =	smul.u32 @!p0 $0xF7A, s2;
	p2 =	seq.s32 @!p0 s5, $0x0  }
0x1f: {  	s9 =	smul.u32 $0xF7A, s1;
	s8 =	simm.s32 @!p0 $0x1BF5;
	p2 =	por !p2, p0  }
0x20: {  	[sflag:s8] =	ssyncset.s32 @!p0 $0xFFFFF086;
	s6 =	sadd.s32 @!p0 s3, s7;
	s7 =	simm.s32 @!p0 $0x108  }
0x21: {  	s3 =	sadd.s32 s3, s9;
	s6 =	sadd.s32 @!p0 $0x88, s6;
	s7 =	simm.s32 @p2 $0x1082  }
0x22: {  	[simem:s7], [sflag:s8] =	dma.local @!p0 [hbm:s6], $0xF7A  }
0x23: {  	s9 =	sor.u32 $0xD0000000, s2;
	s6 =	simm.s32 $0x108;
	_ =	swait.ge @!p0 [sflag:s8], $0x0  }
0x24: {  	s3 =	sadd.s32 $0x88, s3;
	s6 =	simm.s32 @!p1 $0x1082;
	[sflag:s4] =	ssyncset.s32 $0xFFFFF086  }
0x25: {  	[simem:s6], [sflag:s4] =	dma.local [hbm:s3], $0xF7A  }
0x26: {  	[smem:$0x3F9B] =	sst s1;
	(tag) =	ssettag s2;
	_ =	strace s9  }
0x27: {  	s1 =	sld [smem:$0x3FAB]  }
0x28: {  	s2 =	sld [smem:$0x3FAC]  }
0x29: {  	s4 =	sld [smem:$0x3FAE]  }
0x2a: {  	p0 =	seq.s32 s5, $0x0;
	s5 =	sld [smem:$0x3FAF]  }
0x2b: {  	s6 =	sld [smem:$0x3FB0]  }
0x2c: {  	s7 =	sld [smem:$0x3FB1]  }
0x2d: {  	s3 =	simm.s32 $0x108;
	s8 =	sld [smem:$0x3FB2]  }
0x2e: {  	s3 =	simm.s32 @!p0 $0x1082;
	s9 =	sld [smem:$0x3FB3]  }
0x2f: {  	lr =	sadd.s32 s0, s3;
	s0 =	sld [smem:$0x3FAA]  }
0x30: {  	s3 =	sld [smem:$0x3FAD]  }
0x31: {  	[smem:$0x3FB6] =	sst s10  }
0x32: {  	s10 =	sld [smem:$0x3FB4];
	_ =	sdelay $0x3  }
0x33: {  	p0 =	seq.s32 s10, $0x1;
	s10 =	sld [smem:$0x3FB6];
	_ =	sdelay $0x3  }
0x34: {  	[smem:$0x3FB6] =	sst s10  }
0x35: {  	s10 =	sld [smem:$0x3FB5];
	_ =	sdelay $0x3  }
0x36: {  	p1 =	seq.s32 s10, $0x1;
	s10 =	sld [smem:$0x3FB6];
	_ =	sdelay $0x3  }
0x37: {  	[smem:$0x3FB6] =	sst s10  }
0x38: {  	s10 =	sld [smem:$0x3FB7]  }
0x39: {  	_ = 	snop;
	(pc) =	sbr.ind lr, $3  }
0x3a: {  	_ = 	snop  }
0x3b: {  	_ = 	snop  }
0x3c: {  	p2 =	seq.s32 s10, $0x1;
	s10 =	sld [smem:$0x3FB6]  }
0x3d: {  	_ =	shalt  }
0x3e: {  	_ =	shalt  }
0x3f: {  	_ =	shalt  }
0x40: {  	_ =	shalt  }
0x41: {  	_ =	shalt  }
0x42: {  	_ =	shalt  }
0x43: {  	_ =	shalt  }
0x44: {  	_ =	shalt  }
0x45: {  	_ =	shalt  }
0x46: {  	_ =	shalt  }
0x47: {  	_ =	shalt  }
0x48: {  	_ =	shalt  }
0x49: {  	_ =	shalt  }
0x4a: {  	_ =	shalt  }
0x4b: {  	_ =	shalt  }
0x4c: {  	_ =	shalt  }
0x4d: {  	_ =	shalt  }
0x4e: {  	_ =	shalt  }
0x4f: {  	_ =	shalt  }
0x50: {  	_ =	shalt  }
0x51: {  	_ =	shalt  }
0x52: {  	_ =	shalt  }
0x53: {  	_ =	shalt  }
0x54: {  	_ =	shalt  }
0x55: {  	_ =	shalt  }
0x56: {  	_ =	shalt  }
0x57: {  	_ =	shalt  }
0x58: {  	_ =	shalt  }
0x59: {  	_ =	shalt  }
0x5a: {  	_ =	shalt  }
0x5b: {  	_ =	shalt  }
0x5c: {  	_ =	shalt  }
0x5d: {  	_ =	shalt  }
0x5e: {  	_ =	shalt  }
0x5f: {  	_ =	shalt  }
0x60: {  	_ =	shalt  }
0x61: {  	_ =	shalt  }
0x62: {  	_ =	shalt  }
0x63: {  	_ =	shalt  }
0x64: {  	_ =	shalt  }
0x65: {  	_ =	shalt  }
0x66: {  	_ =	shalt  }
0x67: {  	_ =	shalt  }
0x68: {  	_ =	shalt  }
0x69: {  	_ =	shalt  }
0x6a: {  	_ =	shalt  }
0x6b: {  	_ =	shalt  }
0x6c: {  	_ =	shalt  }
0x6d: {  	_ =	shalt  }
0x6e: {  	_ =	shalt  }
0x6f: {  	_ =	shalt  }
0x70: {  	_ =	shalt  }
0x71: {  	_ =	shalt  }
0x72: {  	_ =	shalt  }
0x73: {  	_ =	shalt  }
0x74: {  	_ =	shalt  }
0x75: {  	_ =	shalt  }
0x76: {  	_ =	shalt  }
0x77: {  	_ =	shalt  }
0x78: {  	_ =	shalt  }
0x79: {  	_ =	shalt  }
0x7a: {  	_ =	shalt  }
0x7b: {  	_ =	shalt  }
0x7c: {  	_ =	shalt  }
0x7d: {  	_ =	shalt  }
0x7e: {  	_ =	shalt  }
0x7f: {  	_ =	shalt  }
0x80: {  	_ =	shalt  }
0x81: {  	_ =	shalt  }
0x82: {  	_ =	shalt  }
0x83: {  	_ =	shalt  }
0x84: {  	_ =	shalt  }
0x85: {  	_ =	shalt  }
0x86: {  	_ =	shalt  }
0x87: {  	_ =	shalt  }
.Lfunc_end0:
.L_simem_size_0:
called_computation.2_lowered:
.L_overlay_start_0:
0x88: {  	s2 =	sld [smem:$0x3FD9]  }
0x89: {  	s3 =	sld [smem:$0x3FFE];
	_ =	sdelay $0x1  }
0x8a: {  	s1 =	srdreg.scid  }
0x8b: {  	s0 =	sand.u32 $0x1, s1  }
0x8c: {  	s16 =	sshll.u32 s0, $0xA;
	s2 =	sadd.s32 s3, s2  }
0x8d: {  	s2 =	sadd.s32 s2, s16  }
0x8e: {  	[smem:$0x3FC2] =	sst s2  }
0x8f: {  	_ = 	snop  }
0x90: {  	(tm) =	ssettm $0x1  }
0x91: {  	s17 =	sld [smem:$0x3FFB];
	_ =	sdelay $0x3  }
0x92: {  	_ =	strace s17  }
0x93: {  	s2 =	sld [smem:$0x3FFC];
	_ =	sdelay $0x3  }
0x94: {  	_ =	strace s2  }
0x95: {  	s2 =	sld [smem:$0x3FFD];
	_ =	sdelay $0x3  }
0x96: {  	_ =	strace s2  }
0x97: {  	_ =	strace $0x8FFFFFFF  }
0x98: {  	s18 =	sld [smem:$0x3FDB];
	_ =	sdelay $0x1  }
0x99: {  	s19 =	simm.s32 $_scs_section_size  }
0x9a: {  	s4 =	simm.s32 $_size__tile_overlayer_lowered;
	s5 =	simm.s32 $_tile_overlayer_lowered  }
0x9b: {  	s22 =	simm.s32 $0x1BFF;
	s21 =	sshll.u32 s5, $0x1;
	s2 =	sadd.s32 s19, s18  }
0x9c: {  	s6 =	simm.s32 $0x0;
	s20 =	sshll.u32 s4, $0x1;
	s4 =	sadd.s32 s21, s2  }
0x9d: {  	[timem:s6], [sflag:s22] =	dma.local [hbm:s4], s20  }
0x9e: {  	_ =	swait.ge [sflag:s22], s20  }
0x9f: {  	s3 =	ssub.s32 $0x0, s20;
	[sflag:s22] =	ssyncset.done $0x0  }
0xa0: {  	[sflag:s22] =	ssyncadd.s32 s3;
	_ =	sdelay $0x1  }
0xa1: {  	s23 =	simm.s32 $0x1B8B  }
0xa2: {  	_ =	swait.ge [sflag:s23], $0x1  }
0xa3: {  	[sflag:s23] =	ssyncset.done $0x0  }
0xa4: {  	s25 =	simm.s32 $0x1B8E;
	s24 =	sld [smem:$0x3FFE];
	[sflag:s23] =	ssyncadd.s32 $0xFFFFFFFF  }
0xa5: {  	s26 =	simm.s32 $execute0_lowered;
	[smem:$0x3FD2] =	sst s25  }
0xa6: {  	s4 =	sshll.u32 s26, $0x1;
	_ =	strace $0x8000004C;
	[dreg:$0x1] =	wrdreg $0xFFFFFFFF  }
0xa7: {  	s28 =	simm.s32 $_size_execute0_lowered;
	s2 =	sadd.s32 s2, s4;
	[dreg:$0x0] =	wrdreg $0x0  }
0xa8: {  	s4 =	sshll.u32 s28, $0x1;
	[dreg:$0x2] =	wrdreg s2  }
0xa9: {  	[dreg:$0x3] =	wrdreg s4  }
0xaa: {  	[dreg:$0x4] =	wrdreg $0xC0  }
0xab: {  	_ =	task [dreg:s6], $0x5FFFF  }
0xac: {  	[dreg:$0x1] =	wrdreg $0xFFFFFFFF  }
0xad: {  	[dreg:$0x0] =	wrdreg $0x60  }
0xae: {  	[dreg:$0x2] =	wrdreg s24  }
0xaf: {  	[dreg:$0x3] =	wrdreg $0x0  }
0xb0: {  	[dreg:$0x4] =	wrdreg $0x9  }
0xb1: {  	_ =	task.clear_ibuf [dreg:s6], $0x5FFFF;
	_ =	strace $0x9000004C  }
0xb2: {  	s29 =	simm.s32 $0x9;
	_ =	strace $0x8000004E  }
0xb3: {  	_ =	swait.ge [sflag:s29], $0x1  }
0xb4: {  	[sflag:s29] =	ssyncadd.s32 $0xFFFFFFFF  }
0xb5: {  	_ =	strace $0x9000004E  }
0xb6: {  	_ =	sfence  }
0xb7: {  	s30 =	sld [smem:$0x0];
	_ =	sdelay $0x2  }
0xb8: {  	s31 =	sshll.u32 s1, $0xD;
	s1 =	sshrl.u32 s1, $0x2  }
0xb9: {  	s3 =	sand.u32 $0x4000, s31;
	s1 =	sadd.s32 s1, s30  }
0xba: {  	s0 =	sor.u32 s3, s0;
	s1 =	sshll.u32 s1, $0x11  }
0xbb: {  	s0 =	sor.u32 s1, s0  }
0xbc: {  	s0 =	sadd.s32 $0x8F2B, s0  }
0xbd: {  	[sflag:s0] =	ssyncadd.remote.s32 $0x1  }
0xbe: {  	_ =	sfence.sel $0xFFFF  }
0xbf: {  	[dreg:$0x0] =	wrdreg $0xFFFFFFFF;
	(pc) =	sbr.abs _section_cstart, $3  }
0xc0: {  	[dreg:$0x1] =	wrdreg $0xFFFFFFFF  }
0xc1: {  	_ =	task.clear_ibuf [dreg:s6], $0x2FFFF;
	_ =	strace $0x9FFFFFFF  }
0xc2: {  	(tm) =	ssettm $0x7FFFFFFF  }
0xc3: {  	_ =	shalt  }
tec
execute0_lowered:
.L_overlay_start_1:
0x0: {  	(tag) =	ssettag $0x1  }
0x1: {  	s0 =	rddreg [dreg:$0x0]  }
0x2: {  	s1 =	rddreg [dreg:$0x1];
	s2 =	srdreg.scid  }
0x3: {  	s13 =	simm.s32 $0x0;
	s7 =	stileid.u32;
	s11 =	simm.s32 $0x1C000  }
0x4: {  	s12 =	simm.s32 $0x11;
	s15 =	simm.s32 $0x80;
	s17 =	simm.s32 $0x1C800  }
0x5: {  	s19 =	simm.s32 $0x1D000;
	s21 =	simm.s32 $0x1D800;
	s29 =	simm.s32 $0x1F000  }
0x6: {  	s31 =	simm.s32 $0x1F800;
	s9 =	simm.s32 $0x3;
	s10 =	simm.s32 $0x4  }
0x7: {  	s14 =	simm.s32 $0x7;
	s16 =	simm.s32 $0x8;
	s18 =	simm.s32 $0x9  }
0x8: {  	s20 =	simm.s32 $0xA;
	s28 =	simm.s32 $0xD;
	s30 =	simm.s32 $0xE  }
0x9: {  	s2 =	sand.u32 $0x1, s2;
	[smem:$0x7FF] =	sst s13;
	s5 =	smul.u32 $0x18800, s7  }
0xa: {  	s4 =	sadd.s32 $0xFE400, s0;
	s6 =	sadd.s32 $0x6B400, s0;
	s22 =	sadd.s32 $0x3200, s0  }
0xb: {  	s23 =	smul.u32 $0x62000, s7;
	_ =	strace $0x8000004D;
	[dreg:$0x4] =	wrdreg s6  }
0xc: {  	s7 =	sshll.u32 s7, $0x1;
	s3 =	smul.u32 $0x188000, s2;
	[dreg:$0x5] =	wrdreg s22  }
0xd: {  	s24 =	ssub.s32 $0x2, s2;
	s2 =	sor.u32 s2, s7;
	s22 =	simm.s32 $0xB  }
0xe: {  	s8 =	sshrl.u32 s24, $0x1;
	s6 =	sshrl.u32 s23, $0x2;
	s2 =	smul.u32 $0x310, s2  }
0xf: {  	s25 =	sadd.s32 s5, s1;
	s23 =	simm.s32 $0x1E000;
	s3 =	sadd.s32 s5, s3  }
0x10: {  	s7 =	sadd.s32 s6, s1;
	s5 =	simm.s32 $0xF;
	s6 =	simm.s32 $0x10  }
0x11: {  	s3 =	sshrl.u32 s3, $0x3;
	[dreg:$0x7] =	wrdreg s2;
	s2 =	simm.s32 $0x2  }
.Ltmp0:
0x12: {  	[dreg:$0x6] =	wrdreg s7;
	s0 =	sadd.s32 s3, s0;
	(pc) =	sbr.rel .LBB2_1-.Ltmp0, $4  }
0x13: {  	s3 =	ssub.s32 s24, s8;
	s24 =	simm.s32 $0xC;
	s0 =	sadd.s32 $0x12F400, s0  }
0x14: {  	s26 =	smax.u32 s3, $0x1;
	s3 =	simm.s32 $0x6;
	[dreg:$0x8] =	wrdreg s0  }
0x15: {  	[dreg:$0x9] =	wrdreg s26;
	s0 =	sshrl.u32 s25, $0x3;
	s26 =	simm.s32 $0x1E800  }
0x16: {  	v0 =	vimm.f32 $0.0e+00;
	s25 =	simm.s32 $0x5;
	[dreg:$0xa] =	wrdreg s0;
	s0 =	simm.s32 $0x1  }
.LBB2_10:
0x17: {  	s7 =	stileid.u32;
	[bflag:$0x0] =	sbarrier.arrive $0xFFFF  }
0x18: {  	s7 =	sshll.u32 s7, $0x6;
	s8 =	rddreg [dreg:$0x8]  }
0x19: {  	s13 =	rddreg [dreg:$0xa];
	s7 =	sor.u32 $0x1C11, s7  }
0x1a: {  	[hbm:s8], [sflag:s7] =	dma.local [spmem:s13], $0x3100  }
0x1b: {  	_ =	swait.ge [sflag:s12], $0x3100  }
0x1c: {  	s7 =	rddreg [dreg:$0x3]  }
0x1d: {  	s8 =	rddreg [dreg:$0x9];
	s13 =	sadd.s32 $0x1, s7  }
0x1e: {  	p0 =	sne.s32 s13, s8  }
.Ltmp1:
0x1f: {  	_ = 	snop;
	(pc) =	sbr.rel @!p0 .LBB2_11-.Ltmp1, $3  }
0x20: {  	_ =	sdelay $0x1  }
0x21: {  	[sflag:s12] =	ssyncset.done $0x0  }
0x22: {  	[sflag:s12] =	ssyncadd.s32 $0xFFFFCF00;
	s7 =	rddreg [dreg:$0x6]  }
.LBB2_1:
0x23: {  	[dreg:$0x3] =	wrdreg s13;
	s8 =	simm.s32 $0x0  }
.LBB2_2:
0x24: {  	p0 =	sne.s32 s8, $0x1FC0  }
.Ltmp2:
0x25: {  	_ = 	snop;
	(pc) =	sbr.rel @p0 .LBB2_2-.Ltmp2, $3  }
0x26: {  	_ =	sdelay $0x1  }
0x27: {  	s13 =	sshra.s32 s8, $0x2  }
0x28: {  	s8 =	sadd.s32 $0x40, s8;
	[tilespmem:s13+$0x1C000] =	vst v0  }
0x29: {  	s8 =	sadd.s32 $0x0, s7  }
0x2a: {  	[spmem:s8] =	stream.linear.scatter [tilespmem:s11], [sflag:$0x11], $0x800, $0x38;
	v63 =	vld [tilespmem:$0x0]  }
0x2b: {  	s8 =	simm.s32 $0x2000;
	_ =	swait.ge [sflag:s12], $0x800  }
.LBB2_4:
0x2c: {  	s13 =	sshra.s32 s8, $0x2;
	[sflag:s12] =	ssyncset.done $0x0;
	p0 =	sne.s32 s8, $0x60000  }
.Ltmp3:
0x2d: {  	s13 =	sadd.s32 s13, s7;
	[sflag:s12] =	ssyncadd.s32 $0xFFFFF800;
	(pc) =	sbr.rel @p0 .LBB2_4-.Ltmp3, $3  }
0x2e: {  	[spmem:s13] =	stream.linear.scatter [tilespmem:s11], [sflag:$0x11], $0x800, $0x38;
	v63 =	vld [tilespmem:$0x0]  }
0x2f: {  	s8 =	sadd.s32 $0x2000, s8;
	_ =	sdelay $0x1  }
0x30: {  	_ =	swait.ge [sflag:s12], $0x800  }
.Ltmp4:
0x31: {  	(pc) =	sbr.rel .LBB2_6-.Ltmp4, $4  }
0x32: {  	[sflag:s12] =	ssyncset.done $0x0  }
0x33: {  	[sflag:s12] =	ssyncadd.s32 $0xFFFFF800  }
0x34: {  	[bflag:$0x0] =	sbarrier.arrive $0xFFFF  }
0x35: {  	s7 =	simm.s32 $0x0  }
.LBB2_9:
0x36: {  	_ =	swait.ge [sflag:s20], $0x800  }
0x37: {  	[sflag:s20] =	ssyncset.done $0x0  }
0x38: {  	[sflag:s20] =	ssyncadd.s32 $0xFFFFF800  }
0x39: {  	_ =	swait.ge [sflag:s22], $0x800  }
0x3a: {  	[sflag:s22] =	ssyncset.done $0x0  }
0x3b: {  	[sflag:s22] =	ssyncadd.s32 $0xFFFFF800  }
0x3c: {  	_ =	swait.ge [sflag:s24], $0x800  }
0x3d: {  	[sflag:s24] =	ssyncset.done $0x0  }
0x3e: {  	[sflag:s24] =	ssyncadd.s32 $0xFFFFF800  }
0x3f: {  	_ =	swait.ge [sflag:s28], $0x800  }
0x40: {  	[sflag:s28] =	ssyncset.done $0x0  }
0x41: {  	[sflag:s28] =	ssyncadd.s32 $0xFFFFF800  }
0x42: {  	_ =	swait.ge [sflag:s30], $0x800  }
0x43: {  	[sflag:s30] =	ssyncset.done $0x0  }
0x44: {  	[sflag:s30] =	ssyncadd.s32 $0xFFFFF800  }
0x45: {  	_ =	swait.ge [sflag:s5], $0x800  }
0x46: {  	[sflag:s5] =	ssyncset.done $0x0  }
0x47: {  	[sflag:s5] =	ssyncadd.s32 $0xFFFFF800  }
0x48: {  	_ =	swait.ge [sflag:s6], $0x800  }
0x49: {  	s7 =	rddreg [dreg:$0xb]  }
0x4a: {  	s7 =	sadd.s32 $0x1, s7  }
0x4b: {  	p0 =	sne.s32 s7, $0xE  }
.Ltmp5:
0x4c: {  	_ = 	snop;
	(pc) =	sbr.rel @!p0 .LBB2_10-.Ltmp5, $3  }
0x4d: {  	_ =	sdelay $0x1  }
0x4e: {  	[sflag:s6] =	ssyncset.done $0x0  }
0x4f: {  	[sflag:s6] =	ssyncadd.s32 $0xFFFFF800  }
.LBB2_6:
0x50: {  	s8 =	smul.u32 $0x38, s7  }
0x51: {  	s13 =	rddreg [dreg:$0x7]  }
0x52: {  	[dreg:$0xb] =	wrdreg s7;
	s8 =	sadd.s32 s13, s8  }
0x53: {  	s7 =	simm.s32 $0x0;
	s13 =	rddreg [dreg:$0x4];
	s8 =	sshll.u32 s8, $0x4  }
0x54: {  	[dreg:$0xc] =	wrdreg s8;
	s13 =	sadd.s32 s13, s8;
	s8 =	simm.s32 $0x18800  }
0x55: {  	[tilespmem:s8], [sflag:$0x11] =	stream.linear.gather [hbm4b:s13+s7], $0x1C00, $0x38;
	v63 =	vld [tilespmem:$0x0]  }
0x56: {  	_ =	swait.ge [sflag:s12], $0x1C00  }
0x57: {  	s7 =	rddreg [dreg:$0x5]  }
0x58: {  	s13 =	simm.s32 $0x0;
	[sflag:s12] =	ssyncset.done $0x0;
	s8 =	rddreg [dreg:$0xc]  }
0x59: {  	[sflag:s12] =	ssyncadd.s32 $0xFFFFE400;
	s8 =	sadd.s32 s7, s8;
	s7 =	simm.s32 $0x1A400  }
0x5a: {  	[tilespmem:s7], [sflag:$0x11] =	stream.linear.gather [hbm4b:s8+s13], $0x1C00, $0x38;
	v63 =	vld [tilespmem:$0x0]  }
0x5b: {  	_ =	swait.ge [sflag:s12], $0x1C00  }
0x5c: {  	[sflag:s12] =	ssyncset.done $0x0  }
0x5d: {  	s8 =	simm.s32 $0x18800;
	[sflag:s12] =	ssyncadd.s32 $0xFFFFE400  }
0x5e: {  	[tilespmem:s11], [sflag:$0x1] =	stream.indirect.gather [hbm4b:s4+s15], $0x10, s8, s15, $0xb8;
	v63 =	vld [tilespmem:$0x0]  }
0x5f: {  	s13 =	simm.s32 $0x18880  }
0x60: {  	[tilespmem:s17], [sflag:$0x2] =	stream.indirect.gather [hbm4b:s4+s15], $0x10, s13, s15, $0xb8;
	v63 =	vld [tilespmem:$0x0]  }
0x61: {  	s8 =	simm.s32 $0x18900  }
0x62: {  	[tilespmem:s19], [sflag:$0x3] =	stream.indirect.gather [hbm4b:s4+s15], $0x10, s8, s15, $0xb8;
	v63 =	vld [tilespmem:$0x0]  }
0x63: {  	s13 =	simm.s32 $0x18980  }
0x64: {  	[tilespmem:s21], [sflag:$0x4] =	stream.indirect.gather [hbm4b:s4+s15], $0x10, s13, s15, $0xb8;
	v63 =	vld [tilespmem:$0x0]  }
0x65: {  	s8 =	simm.s32 $0x18A00  }
0x66: {  	[tilespmem:s23], [sflag:$0x5] =	stream.indirect.gather [hbm4b:s4+s15], $0x10, s8, s15, $0xb8;
	v63 =	vld [tilespmem:$0x0]  }
0x67: {  	s13 =	simm.s32 $0x18A80  }
0x68: {  	[tilespmem:s26], [sflag:$0x6] =	stream.indirect.gather [hbm4b:s4+s15], $0x10, s13, s15, $0xb8;
	v63 =	vld [tilespmem:$0x0]  }
0x69: {  	s8 =	simm.s32 $0x18B00  }
0x6a: {  	[tilespmem:s29], [sflag:$0x7] =	stream.indirect.gather [hbm4b:s4+s15], $0x10, s8, s15, $0xb8;
	v63 =	vld [tilespmem:$0x0]  }
0x6b: {  	s13 =	simm.s32 $0x18B80;
	s8 =	simm.s32 $0x0  }
0x6c: {  	[tilespmem:s31], [sflag:$0x8] =	stream.indirect.gather [hbm4b:s4+s15], $0x10, s13, s15, $0xb8;
	v63 =	vld [tilespmem:$0x0]  }
.LBB2_7:
0x6d: {  	_ =	swait.ge [sflag:s0], $0x800  }
0x6e: {  	s13 =	sshra.s32 s8, $0x2;
	[sflag:s0] =	ssyncset.done $0x0  }
0x6f: {  	s7 =	sadd.s32 $0x1A400, s13;
	[sflag:s0] =	ssyncadd.s32 $0xFFFFF800  }
0x70: {  	[spmem:s1] =	stream.indirect.scatter.add.f32 [tilespmem:s11], [sflag:$0x9], $0x10, s7, s15, $0xb8;
	v63 =	vld [tilespmem:$0x0]  }
0x71: {  	_ =	swait.ge [sflag:s2], $0x800  }
0x72: {  	[sflag:s2] =	ssyncset.done $0x0  }
0x73: {  	s7 =	sadd.s32 $0x1A480, s13;
	[sflag:s2] =	ssyncadd.s32 $0xFFFFF800  }
0x74: {  	[spmem:s1] =	stream.indirect.scatter.add.f32 [tilespmem:s17], [sflag:$0xA], $0x10, s7, s15, $0xb8;
	v63 =	vld [tilespmem:$0x0]  }
0x75: {  	_ =	swait.ge [sflag:s9], $0x800  }
0x76: {  	[sflag:s9] =	ssyncset.done $0x0  }
0x77: {  	s7 =	sadd.s32 $0x1A500, s13;
	[sflag:s9] =	ssyncadd.s32 $0xFFFFF800  }
0x78: {  	[spmem:s1] =	stream.indirect.scatter.add.f32 [tilespmem:s19], [sflag:$0xB], $0x10, s7, s15, $0xb8;
	v63 =	vld [tilespmem:$0x0]  }
0x79: {  	_ =	swait.ge [sflag:s10], $0x800  }
0x7a: {  	[sflag:s10] =	ssyncset.done $0x0  }
0x7b: {  	s7 =	sadd.s32 $0x1A580, s13;
	[sflag:s10] =	ssyncadd.s32 $0xFFFFF800  }
0x7c: {  	[spmem:s1] =	stream.indirect.scatter.add.f32 [tilespmem:s21], [sflag:$0xC], $0x10, s7, s15, $0xb8;
	v63 =	vld [tilespmem:$0x0]  }
0x7d: {  	_ =	swait.ge [sflag:s25], $0x800  }
0x7e: {  	[sflag:s25] =	ssyncset.done $0x0  }
0x7f: {  	s7 =	sadd.s32 $0x1A600, s13;
	[sflag:s25] =	ssyncadd.s32 $0xFFFFF800  }
0x80: {  	[spmem:s1] =	stream.indirect.scatter.add.f32 [tilespmem:s23], [sflag:$0xD], $0x10, s7, s15, $0xb8;
	v63 =	vld [tilespmem:$0x0]  }
0x81: {  	_ =	swait.ge [sflag:s3], $0x800  }
0x82: {  	[sflag:s3] =	ssyncset.done $0x0  }
0x83: {  	s7 =	sadd.s32 $0x1A680, s13;
	[sflag:s3] =	ssyncadd.s32 $0xFFFFF800  }
0x84: {  	[spmem:s1] =	stream.indirect.scatter.add.f32 [tilespmem:s26], [sflag:$0xE], $0x10, s7, s15, $0xb8;
	v63 =	vld [tilespmem:$0x0]  }
0x85: {  	_ =	swait.ge [sflag:s14], $0x800  }
0x86: {  	[sflag:s14] =	ssyncset.done $0x0  }
0x87: {  	s7 =	sadd.s32 $0x1A700, s13;
	[sflag:s14] =	ssyncadd.s32 $0xFFFFF800  }
0x88: {  	[spmem:s1] =	stream.indirect.scatter.add.f32 [tilespmem:s29], [sflag:$0xF], $0x10, s7, s15, $0xb8;
	v63 =	vld [tilespmem:$0x0]  }
0x89: {  	_ =	swait.ge [sflag:s16], $0x800  }
0x8a: {  	p0 =	seq.s32 s8, $0x6000;
	[sflag:s16] =	ssyncset.done $0x0  }
.Ltmp6:
0x8b: {  	s7 =	sadd.s32 $0x1A780, s13;
	[sflag:s16] =	ssyncadd.s32 $0xFFFFF800;
	(pc) =	sbr.rel @p0 .LBB2_9-.Ltmp6, $4  }
0x8c: {  	[spmem:s1] =	stream.indirect.scatter.add.f32 [tilespmem:s31], [sflag:$0x10], $0x10, s7, s15, $0xb8;
	v63 =	vld [tilespmem:$0x0]  }
0x8d: {  	_ =	swait.ge [sflag:s18], $0x800  }
0x8e: {  	[sflag:s18] =	ssyncset.done $0x0  }
0x8f: {  	[sflag:s18] =	ssyncadd.s32 $0xFFFFF800  }
0x90: {  	s7 =	sadd.s32 $0x18C00, s13  }
0x91: {  	[tilespmem:s11], [sflag:$0x1] =	stream.indirect.gather [hbm4b:s4+s15], $0x10, s7, s15, $0xb8;
	v63 =	vld [tilespmem:$0x0]  }
0x92: {  	_ =	swait.ge [sflag:s20], $0x800  }
0x93: {  	[sflag:s20] =	ssyncset.done $0x0  }
0x94: {  	s7 =	sadd.s32 $0x18C80, s13;
	[sflag:s20] =	ssyncadd.s32 $0xFFFFF800  }
0x95: {  	[tilespmem:s17], [sflag:$0x2] =	stream.indirect.gather [hbm4b:s4+s15], $0x10, s7, s15, $0xb8;
	v63 =	vld [tilespmem:$0x0]  }
0x96: {  	_ =	swait.ge [sflag:s22], $0x800  }
0x97: {  	[sflag:s22] =	ssyncset.done $0x0  }
0x98: {  	s7 =	sadd.s32 $0x18D00, s13;
	[sflag:s22] =	ssyncadd.s32 $0xFFFFF800  }
0x99: {  	[tilespmem:s19], [sflag:$0x3] =	stream.indirect.gather [hbm4b:s4+s15], $0x10, s7, s15, $0xb8;
	v63 =	vld [tilespmem:$0x0]  }
0x9a: {  	_ =	swait.ge [sflag:s24], $0x800  }
0x9b: {  	[sflag:s24] =	ssyncset.done $0x0  }
0x9c: {  	s7 =	sadd.s32 $0x18D80, s13;
	[sflag:s24] =	ssyncadd.s32 $0xFFFFF800  }
0x9d: {  	[tilespmem:s21], [sflag:$0x4] =	stream.indirect.gather [hbm4b:s4+s15], $0x10, s7, s15, $0xb8;
	v63 =	vld [tilespmem:$0x0]  }
0x9e: {  	_ =	swait.ge [sflag:s28], $0x800  }
0x9f: {  	[sflag:s28] =	ssyncset.done $0x0  }
0xa0: {  	s7 =	sadd.s32 $0x18E00, s13;
	[sflag:s28] =	ssyncadd.s32 $0xFFFFF800  }
0xa1: {  	[tilespmem:s23], [sflag:$0x5] =	stream.indirect.gather [hbm4b:s4+s15], $0x10, s7, s15, $0xb8;
	v63 =	vld [tilespmem:$0x0]  }
0xa2: {  	_ =	swait.ge [sflag:s30], $0x800  }
0xa3: {  	[sflag:s30] =	ssyncset.done $0x0  }
0xa4: {  	s7 =	sadd.s32 $0x18E80, s13;
	[sflag:s30] =	ssyncadd.s32 $0xFFFFF800  }
0xa5: {  	[tilespmem:s26], [sflag:$0x6] =	stream.indirect.gather [hbm4b:s4+s15], $0x10, s7, s15, $0xb8;
	v63 =	vld [tilespmem:$0x0]  }
0xa6: {  	_ =	swait.ge [sflag:s5], $0x800  }
0xa7: {  	[sflag:s5] =	ssyncset.done $0x0  }
0xa8: {  	s7 =	sadd.s32 $0x18F00, s13;
	[sflag:s5] =	ssyncadd.s32 $0xFFFFF800  }
0xa9: {  	[tilespmem:s29], [sflag:$0x7] =	stream.indirect.gather [hbm4b:s4+s15], $0x10, s7, s15, $0xb8;
	v63 =	vld [tilespmem:$0x0]  }
.Ltmp7:
0xaa: {  	_ = 	snop;
	(pc) =	sbr.rel .LBB2_7-.Ltmp7, $4  }
0xab: {  	_ =	swait.ge [sflag:s6], $0x800  }
0xac: {  	[sflag:s6] =	ssyncset.done $0x0  }
0xad: {  	s8 =	sadd.s32 $0x1000, s8;
	s13 =	sadd.s32 $0x18F80, s13;
	[sflag:s6] =	ssyncadd.s32 $0xFFFFF800  }
0xae: {  	[tilespmem:s31], [sflag:$0x8] =	stream.indirect.gather [hbm4b:s4+s15], $0x10, s13, s15, $0xb8;
	v63 =	vld [tilespmem:$0x0]  }
.LBB2_11:
0xaf: {  	_ =	sfence.sel $0x180000  }
0xb0: {  	[bflag:$0x0] =	sbarrier.arrive $0xFFFF  }
0xb1: {  	_ =	strace $0x9000004D  }
0xb2: {  	s0 =	stileid.u32;
	[bflag:$0x2] =	sbarrier.arrive $0xFFFF  }
0xb3: {  	p0 =	sne.s32 s0, $0x0;
	s0 =	rddreg [dreg:$0x2]  }
0xb4: {  	s0 =	sadd.s32 @!p0 $0x100000, s0  }
0xb5: {  	[sflag:s0] =	ssyncadd.tile.s32 @!p0 $0x1;
	_ =	shalt  }
.Lfunc_end2:
_tile_overlayer_lowered:
.L_overlay_start_2:
0xb6: {  	(tag) =	ssettag $0x2  }
0xb7: {  	s0 =	rddreg [dreg:$0x0];
	s2 =	stileid.u32  }
0xb8: {  	s1 =	rddreg [dreg:$0x1];
	p0 =	sne.s32 s2, $0x0  }
0xb9: {  	s3 =	rddreg [dreg:$0x2];
	[bflag:$0x3] =	sbarrier.arrive $0xFFFF;
	s2 =	simm.s32 @!p0 $0x1C11  }
0xba: {  	[timem:s3], [sflag:s2] =	dma.local @!p0 [hbm:s0], s1  }
0xbb: {  	s0 =	simm.s32 @!p0 $0x11  }
0xbc: {  	_ =	swait.ge @!p0 [sflag:s0], s1  }
0xbd: {  	s1 =	ssub.s32 @!p0 $0x0, s1;
	[sflag:s0] =	ssyncset.done @!p0 $0x0  }
0xbe: {  	[sflag:s0] =	ssyncadd.s32 @!p0 s1  }
0xbf: {  	[bflag:$0x3] =	sbarrier.arrive $0xFFFF  }
0xc0: {  	_ =	shalt  }

// kernel: kernel.9.cloned.1.call-start
scs
__scs_entry_jumppad:
0x0: {  	(pc) =	sbr.rel $0x88, $3  }
0x1: {  	(tag) =	ssettag $0x0;
	lr =	simm.s32 $0x1  }
0x2: {  	[smem:$0x3F9B] =	sst lr;
	_ =	strace $0xD0000000  }
0x3: {  	_ = 	snop  }
0x4: {  	_ = 	snop  }
0x5: {  	_ = 	snop  }
0x6: {  	_ = 	snop  }
0x7: {  	_ = 	snop  }
__scs_overlays_trampoline_lowered:
0x8: {  	[smem:$0x3FAA] =	sst s0  }
0x9: {  	[smem:$0x3FAB] =	sst s1  }
0xa: {  	[smem:$0x3FAC] =	sst s2  }
0xb: {  	[smem:$0x3FAD] =	sst s3  }
0xc: {  	[smem:$0x3FAE] =	sst s4  }
0xd: {  	[smem:$0x3FAF] =	sst s5  }
0xe: {  	[smem:$0x3FB0] =	sst s6  }
0xf: {  	[smem:$0x3FB1] =	sst s7  }
0x10: {  	[smem:$0x3FB2] =	sst s8  }
0x11: {  	[smem:$0x3FB3] =	sst s9;
	s0 =	simm.s32 @!p0 $0x0  }
0x12: {  	s1 =	sld [smem:$0x3F99];
	s0 =	simm.s32 @p0 $0x1  }
0x13: {  	[smem:$0x3FB4] =	sst s0;
	s0 =	simm.s32 @!p1 $0x0  }
0x14: {  	s2 =	sld [smem:$0x3F98];
	s0 =	simm.s32 @p1 $0x1  }
0x15: {  	[smem:$0x3FB5] =	sst s0;
	s0 =	simm.s32 @!p2 $0x0  }
0x16: {  	s3 =	sld [smem:$0x3FDB];
	s0 =	simm.s32 @p2 $0x1  }
0x17: {  	s4 =	simm.s32 $0x1BF5;
	[smem:$0x3FB7] =	sst s0  }
0x18: {  	s0 =	sld [smem:$0x3F9A];
	_ =	swait.ge [sflag:s4], $0x0  }
0x19: {  	s7 =	sld [smem:$0x3F9B]  }
0x1a: {  	s8 =	sadd.s32 $0xFFFFE003, lr  }
0x1b: {  	s9 =	sadd.s32 $0xFFFFFEF7, lr;
	s5 =	simm.s32 $0xFFFFFFFF;
	p2 =	slt.u32 s8, $0xFFFFF086  }
0x1c: {  	p1 =	slt.u32 s9, $0xF7A;
	s5 =	simm.s32 @!p2 $0x0  }
0x1d: {  	s5 =	simm.s32 @p1 $0x1;
	p0 =	seq.s32 s7, s2  }
0x1e: {  	s7 =	smul.u32 @!p0 $0xF7A, s2;
	p2 =	seq.s32 @!p0 s5, $0x0  }
0x1f: {  	s9 =	smul.u32 $0xF7A, s1;
	s8 =	simm.s32 @!p0 $0x1BF5;
	p2 =	por !p2, p0  }
0x20: {  	[sflag:s8] =	ssyncset.s32 @!p0 $0xFFFFF086;
	s6 =	sadd.s32 @!p0 s3, s7;
	s7 =	simm.s32 @!p0 $0x108  }
0x21: {  	s3 =	sadd.s32 s3, s9;
	s6 =	sadd.s32 @!p0 $0x88, s6;
	s7 =	simm.s32 @p2 $0x1082  }
0x22: {  	[simem:s7], [sflag:s8] =	dma.local @!p0 [hbm:s6], $0xF7A  }
0x23: {  	s9 =	sor.u32 $0xD0000000, s2;
	s6 =	simm.s32 $0x108;
	_ =	swait.ge @!p0 [sflag:s8], $0x0  }
0x24: {  	s3 =	sadd.s32 $0x88, s3;
	s6 =	simm.s32 @!p1 $0x1082;
	[sflag:s4] =	ssyncset.s32 $0xFFFFF086  }
0x25: {  	[simem:s6], [sflag:s4] =	dma.local [hbm:s3], $0xF7A  }
0x26: {  	[smem:$0x3F9B] =	sst s1;
	(tag) =	ssettag s2;
	_ =	strace s9  }
0x27: {  	s1 =	sld [smem:$0x3FAB]  }
0x28: {  	s2 =	sld [smem:$0x3FAC]  }
0x29: {  	s4 =	sld [smem:$0x3FAE]  }
0x2a: {  	p0 =	seq.s32 s5, $0x0;
	s5 =	sld [smem:$0x3FAF]  }
0x2b: {  	s6 =	sld [smem:$0x3FB0]  }
0x2c: {  	s7 =	sld [smem:$0x3FB1]  }
0x2d: {  	s3 =	simm.s32 $0x108;
	s8 =	sld [smem:$0x3FB2]  }
0x2e: {  	s3 =	simm.s32 @!p0 $0x1082;
	s9 =	sld [smem:$0x3FB3]  }
0x2f: {  	lr =	sadd.s32 s0, s3;
	s0 =	sld [smem:$0x3FAA]  }
0x30: {  	s3 =	sld [smem:$0x3FAD]  }
0x31: {  	[smem:$0x3FB6] =	sst s10  }
0x32: {  	s10 =	sld [smem:$0x3FB4];
	_ =	sdelay $0x3  }
0x33: {  	p0 =	seq.s32 s10, $0x1;
	s10 =	sld [smem:$0x3FB6];
	_ =	sdelay $0x3  }
0x34: {  	[smem:$0x3FB6] =	sst s10  }
0x35: {  	s10 =	sld [smem:$0x3FB5];
	_ =	sdelay $0x3  }
0x36: {  	p1 =	seq.s32 s10, $0x1;
	s10 =	sld [smem:$0x3FB6];
	_ =	sdelay $0x3  }
0x37: {  	[smem:$0x3FB6] =	sst s10  }
0x38: {  	s10 =	sld [smem:$0x3FB7]  }
0x39: {  	_ = 	snop;
	(pc) =	sbr.ind lr, $3  }
0x3a: {  	_ = 	snop  }
0x3b: {  	_ = 	snop  }
0x3c: {  	p2 =	seq.s32 s10, $0x1;
	s10 =	sld [smem:$0x3FB6]  }
0x3d: {  	_ =	shalt  }
0x3e: {  	_ =	shalt  }
0x3f: {  	_ =	shalt  }
0x40: {  	_ =	shalt  }
0x41: {  	_ =	shalt  }
0x42: {  	_ =	shalt  }
0x43: {  	_ =	shalt  }
0x44: {  	_ =	shalt  }
0x45: {  	_ =	shalt  }
0x46: {  	_ =	shalt  }
0x47: {  	_ =	shalt  }
0x48: {  	_ =	shalt  }
0x49: {  	_ =	shalt  }
0x4a: {  	_ =	shalt  }
0x4b: {  	_ =	shalt  }
0x4c: {  	_ =	shalt  }
0x4d: {  	_ =	shalt  }
0x4e: {  	_ =	shalt  }
0x4f: {  	_ =	shalt  }
0x50: {  	_ =	shalt  }
0x51: {  	_ =	shalt  }
0x52: {  	_ =	shalt  }
0x53: {  	_ =	shalt  }
0x54: {  	_ =	shalt  }
0x55: {  	_ =	shalt  }
0x56: {  	_ =	shalt  }
0x57: {  	_ =	shalt  }
0x58: {  	_ =	shalt  }
0x59: {  	_ =	shalt  }
0x5a: {  	_ =	shalt  }
0x5b: {  	_ =	shalt  }
0x5c: {  	_ =	shalt  }
0x5d: {  	_ =	shalt  }
0x5e: {  	_ =	shalt  }
0x5f: {  	_ =	shalt  }
0x60: {  	_ =	shalt  }
0x61: {  	_ =	shalt  }
0x62: {  	_ =	shalt  }
0x63: {  	_ =	shalt  }
0x64: {  	_ =	shalt  }
0x65: {  	_ =	shalt  }
0x66: {  	_ =	shalt  }
0x67: {  	_ =	shalt  }
0x68: {  	_ =	shalt  }
0x69: {  	_ =	shalt  }
0x6a: {  	_ =	shalt  }
0x6b: {  	_ =	shalt  }
0x6c: {  	_ =	shalt  }
0x6d: {  	_ =	shalt  }
0x6e: {  	_ =	shalt  }
0x6f: {  	_ =	shalt  }
0x70: {  	_ =	shalt  }
0x71: {  	_ =	shalt  }
0x72: {  	_ =	shalt  }
0x73: {  	_ =	shalt  }
0x74: {  	_ =	shalt  }
0x75: {  	_ =	shalt  }
0x76: {  	_ =	shalt  }
0x77: {  	_ =	shalt  }
0x78: {  	_ =	shalt  }
0x79: {  	_ =	shalt  }
0x7a: {  	_ =	shalt  }
0x7b: {  	_ =	shalt  }
0x7c: {  	_ =	shalt  }
0x7d: {  	_ =	shalt  }
0x7e: {  	_ =	shalt  }
0x7f: {  	_ =	shalt  }
0x80: {  	_ =	shalt  }
0x81: {  	_ =	shalt  }
0x82: {  	_ =	shalt  }
0x83: {  	_ =	shalt  }
0x84: {  	_ =	shalt  }
0x85: {  	_ =	shalt  }
0x86: {  	_ =	shalt  }
0x87: {  	_ =	shalt  }
.Lfunc_end0:
.L_simem_size_0:
called_computation_lowered:
.L_overlay_start_0:
0x88: {  	s2 =	sld [smem:$0x3FD9]  }
0x89: {  	s3 =	sld [smem:$0x3FFE];
	_ =	sdelay $0x1  }
0x8a: {  	s1 =	srdreg.scid  }
0x8b: {  	s0 =	sand.u32 $0x1, s1  }
0x8c: {  	s16 =	sshll.u32 s0, $0xA;
	s2 =	sadd.s32 s3, s2  }
0x8d: {  	s2 =	sadd.s32 s2, s16  }
0x8e: {  	[smem:$0x3FC2] =	sst s2  }
0x8f: {  	_ = 	snop  }
0x90: {  	(tm) =	ssettm $0x1  }
0x91: {  	s17 =	sld [smem:$0x3FFB];
	_ =	sdelay $0x3  }
0x92: {  	_ =	strace s17  }
0x93: {  	s2 =	sld [smem:$0x3FFC];
	_ =	sdelay $0x3  }
0x94: {  	_ =	strace s2  }
0x95: {  	s2 =	sld [smem:$0x3FFD];
	_ =	sdelay $0x3  }
0x96: {  	_ =	strace s2  }
0x97: {  	_ =	strace $0x8FFFFFFF  }
0x98: {  	s18 =	sld [smem:$0x3FDB];
	_ =	sdelay $0x1  }
0x99: {  	s19 =	simm.s32 $_scs_section_size  }
0x9a: {  	s4 =	simm.s32 $_size__tile_overlayer_lowered;
	s5 =	simm.s32 $_tile_overlayer_lowered  }
0x9b: {  	s22 =	simm.s32 $0x1BFF;
	s21 =	sshll.u32 s5, $0x1;
	s2 =	sadd.s32 s19, s18  }
0x9c: {  	s6 =	simm.s32 $0x0;
	s20 =	sshll.u32 s4, $0x1;
	s4 =	sadd.s32 s21, s2  }
0x9d: {  	[timem:s6], [sflag:s22] =	dma.local [hbm:s4], s20  }
0x9e: {  	_ =	swait.ge [sflag:s22], s20  }
0x9f: {  	s3 =	ssub.s32 $0x0, s20;
	[sflag:s22] =	ssyncset.done $0x0  }
0xa0: {  	[sflag:s22] =	ssyncadd.s32 s3;
	_ =	sdelay $0x1  }
0xa1: {  	s23 =	simm.s32 $0x1B8B  }
0xa2: {  	_ =	swait.ge [sflag:s23], $0x1  }
0xa3: {  	[sflag:s23] =	ssyncset.done $0x0  }
0xa4: {  	s25 =	simm.s32 $0x1B8E;
	s24 =	sld [smem:$0x3FFE];
	[sflag:s23] =	ssyncadd.s32 $0xFFFFFFFF  }
0xa5: {  	s26 =	simm.s32 $execute0_lowered;
	[smem:$0x3FD2] =	sst s25  }
0xa6: {  	s4 =	sshll.u32 s26, $0x1;
	_ =	strace $0x80000046;
	[dreg:$0x1] =	wrdreg $0xFFFFFFFF  }
0xa7: {  	s28 =	simm.s32 $_size_execute0_lowered;
	s2 =	sadd.s32 s2, s4;
	[dreg:$0x0] =	wrdreg $0x0  }
0xa8: {  	s4 =	sshll.u32 s28, $0x1;
	[dreg:$0x2] =	wrdreg s2  }
0xa9: {  	[dreg:$0x3] =	wrdreg s4  }
0xaa: {  	[dreg:$0x4] =	wrdreg $0xC0  }
0xab: {  	_ =	task [dreg:s6], $0x5FFFF  }
0xac: {  	[dreg:$0x1] =	wrdreg $0xFFFFFFFF  }
0xad: {  	[dreg:$0x0] =	wrdreg $0x60  }
0xae: {  	[dreg:$0x2] =	wrdreg s24  }
0xaf: {  	[dreg:$0x3] =	wrdreg $0x0  }
0xb0: {  	[dreg:$0x4] =	wrdreg $0x9  }
0xb1: {  	_ =	task.clear_ibuf [dreg:s6], $0x5FFFF;
	_ =	strace $0x90000046  }
0xb2: {  	s29 =	simm.s32 $0x9;
	_ =	strace $0x80000048  }
0xb3: {  	_ =	swait.ge [sflag:s29], $0x1  }
0xb4: {  	[sflag:s29] =	ssyncadd.s32 $0xFFFFFFFF  }
0xb5: {  	_ =	strace $0x90000048  }
0xb6: {  	_ =	sfence  }
0xb7: {  	s30 =	sld [smem:$0x0];
	_ =	sdelay $0x2  }
0xb8: {  	s31 =	sshll.u32 s1, $0xD;
	s1 =	sshrl.u32 s1, $0x2  }
0xb9: {  	s3 =	sand.u32 $0x4000, s31;
	s1 =	sadd.s32 s1, s30  }
0xba: {  	s0 =	sor.u32 s3, s0;
	s1 =	sshll.u32 s1, $0x11  }
0xbb: {  	s0 =	sor.u32 s1, s0  }
0xbc: {  	s0 =	sadd.s32 $0x8F2B, s0  }
0xbd: {  	[sflag:s0] =	ssyncadd.remote.s32 $0x1  }
0xbe: {  	_ =	sfence.sel $0xFFFF  }
0xbf: {  	[dreg:$0x0] =	wrdreg $0xFFFFFFFF;
	(pc) =	sbr.abs _section_cstart, $3  }
0xc0: {  	[dreg:$0x1] =	wrdreg $0xFFFFFFFF  }
0xc1: {  	_ =	task.clear_ibuf [dreg:s6], $0x2FFFF;
	_ =	strace $0x9FFFFFFF  }
0xc2: {  	(tm) =	ssettm $0x7FFFFFFF  }
0xc3: {  	_ =	shalt  }
tec
execute0_lowered:
.L_overlay_start_1:
0x0: {  	(tag) =	ssettag $0x1  }
0x1: {  	s5 =	rddreg [dreg:$0x0]  }
0x2: {  	s1 =	srdreg.scid;
	s0 =	stileid.u32  }
0x3: {  	s2 =	rddreg [dreg:$0x1];
	s3 =	simm.s32 $0x0;
	s11 =	simm.s32 $0x1880  }
0x4: {  	s12 =	simm.s32 $0x80;
	s13 =	simm.s32 $0x4D00;
	s14 =	simm.s32 $0x1900  }
0x5: {  	s15 =	simm.s32 $0x1980;
	s16 =	simm.s32 $0x1A00;
	s17 =	simm.s32 $0x1A80  }
0x6: {  	s18 =	simm.s32 $0x1B00;
	s19 =	simm.s32 $0x1B80;
	s20 =	simm.s32 $0x1C00  }
0x7: {  	s21 =	simm.s32 $0x1;
	s6 =	sand.u32 $0x1, s1;
	s1 =	rddreg [dreg:$0x2]  }
0x8: {  	s7 =	smul.u32 $0x1880, s0;
	[smem:$0x7FF] =	sst s3;
	s10 =	sshll.u32 s0, $0x1  }
0x9: {  	s22 =	sshll.u32 s0, $0x6;
	s4 =	smul.u32 $0x18800, s6;
	_ =	strace $0x80000047  }
0xa: {  	s9 =	ssub.s32 $0x2, s6;
	s6 =	sor.u32 s6, s10;
	s10 =	simm.s32 $0x2  }
0xb: {  	s22 =	sor.u32 $0x1C02, s22;
	s31 =	sshrl.u32 s9, $0x1;
	s8 =	sadd.s32 s7, s4  }
0xc: {  	s6 =	smul.u32 $0x310, s6;
	s4 =	sadd.s32 $0x3200, s5;
	s8 =	sshrl.u32 s8, $0x3  }
0xd: {  	s9 =	ssub.s32 s9, s31;
	s8 =	sadd.s32 s8, s5;
	s5 =	sadd.s32 s7, s2  }
0xe: {  	v0 =	vimm.f32 $0.0e+00;
	v1 =	vimm.f32 $1.000000000e+00;
	s7 =	sadd.s32 $0x65200, s8;
	s8 =	smax.u32 s9, $0x1;
	s9 =	simm.s32 $0x3480  }
.LBB2_1:
0xf: {  	s23 =	simm.s32 $0x40;
	s24 =	simm.s32 $0x0  }
.LBB2_2:
0x10: {  	p0 =	sne.s32 s23, $0x61C0;
	[tilespmem:s24+$0x3480] =	vst v0;
	s24 =	smov.u32 s23;
	s23 =	sadd.s32 $0x40, s23  }
.Ltmp0:
0x11: {  	(pc) =	sbr.rel @p0 .LBB2_2-.Ltmp0, $2  }
0x12: {  	_ =	sdelay $0x2  }
0x13: {  	s24 =	sshra.s32 s24, $0x2  }
0x14: {  	[tilespmem:s24+$0x3480] =	vst v0  }
0x15: {  	[tilespmem:$0x4D00] =	vst v1  }
0x16: {  	[tilespmem:$0x4D10] =	vst v1  }
0x17: {  	[tilespmem:$0x4D20] =	vst v1  }
0x18: {  	[tilespmem:$0x4D30] =	vst v1  }
0x19: {  	[tilespmem:$0x4D40] =	vst v1  }
0x1a: {  	[tilespmem:$0x4D50] =	vst v1  }
0x1b: {  	[tilespmem:$0x4D60] =	vst v1  }
0x1c: {  	[tilespmem:$0x4D70] =	vst v1  }
0x1d: {  	[spmem:s5] =	stream.linear.scatter [tilespmem:s9], [sflag:$0x2], $0x1880, $0x38;
	[tilespmem:$0x4D80] =	vst v63  }
0x1e: {  	_ =	swait.ge [sflag:s10], $0x1880  }
0x1f: {  	[sflag:s10] =	ssyncset.done $0x0  }
0x20: {  	[sflag:s10] =	ssyncadd.s32 $0xFFFFE780  }
0x21: {  	s23 =	simm.s32 $0x0;
	s24 =	simm.s32 $0x0;
	[bflag:$0x0] =	sbarrier.arrive $0xFFFF  }
.LBB2_4:
0x22: {  	s25 =	smul.u32 $0x38, s24;
	_ =	sdelay $0x1  }
0x23: {  	s25 =	sadd.s32 s6, s25  }
0x24: {  	s25 =	sshll.u32 s25, $0x4  }
0x25: {  	s25 =	sadd.s32 s4, s25  }
0x26: {  	[tilespmem:s11], [sflag:$0x2] =	stream.linear.gather [hbm4b:s25+s23], $0x1C00, $0x38;
	[tilespmem:$0x4D80] =	vst v63  }
0x27: {  	_ =	swait.ge [sflag:s10], $0x1C00  }
0x28: {  	[sflag:s10] =	ssyncset.done $0x0  }
0x29: {  	[sflag:s10] =	ssyncadd.s32 $0xFFFFE400  }
0x2a: {  	[spmem:s2] =	stream.indirect.scatter.add.f32 [tilespmem:s13], [sflag:$0x1], $0x1, s11, s12, $0xb8;
	[tilespmem:$0x4D80] =	vst v63  }
0x2b: {  	_ = 	snop  }
0x2c: {  	[spmem:s2] =	stream.indirect.scatter.add.f32 [tilespmem:s13], [sflag:$0x1], $0x1, s14, s12, $0xb8;
	[tilespmem:$0x4D80] =	vst v63  }
0x2d: {  	_ = 	snop  }
0x2e: {  	[spmem:s2] =	stream.indirect.scatter.add.f32 [tilespmem:s13], [sflag:$0x1], $0x1, s15, s12, $0xb8;
	[tilespmem:$0x4D80] =	vst v63  }
0x2f: {  	_ = 	snop  }
0x30: {  	[spmem:s2] =	stream.indirect.scatter.add.f32 [tilespmem:s13], [sflag:$0x1], $0x1, s16, s12, $0xb8;
	[tilespmem:$0x4D80] =	vst v63  }
0x31: {  	_ = 	snop  }
0x32: {  	[spmem:s2] =	stream.indirect.scatter.add.f32 [tilespmem:s13], [sflag:$0x1], $0x1, s17, s12, $0xb8;
	[tilespmem:$0x4D80] =	vst v63  }
0x33: {  	_ = 	snop  }
0x34: {  	[spmem:s2] =	stream.indirect.scatter.add.f32 [tilespmem:s13], [sflag:$0x1], $0x1, s18, s12, $0xb8;
	[tilespmem:$0x4D80] =	vst v63  }
0x35: {  	_ = 	snop  }
0x36: {  	[spmem:s2] =	stream.indirect.scatter.add.f32 [tilespmem:s13], [sflag:$0x1], $0x1, s19, s12, $0xb8;
	[tilespmem:$0x4D80] =	vst v63  }
0x37: {  	_ = 	snop  }
0x38: {  	[spmem:s2] =	stream.indirect.scatter.add.f32 [tilespmem:s13], [sflag:$0x1], $0x1, s20, s12, $0xb8;
	[tilespmem:$0x4D80] =	vst v63  }
0x39: {  	_ =	swait.ge [sflag:s21], $0x80  }
0x3a: {  	[sflag:s21] =	ssyncset.done $0x0  }
0x3b: {  	[sflag:s21] =	ssyncadd.s32 $0xFFFFFF80  }
0x3c: {  	_ =	swait.ge [sflag:s21], $0x80  }
0x3d: {  	[sflag:s21] =	ssyncset.done $0x0  }
0x3e: {  	[sflag:s21] =	ssyncadd.s32 $0xFFFFFF80  }
0x3f: {  	_ =	swait.ge [sflag:s21], $0x80  }
0x40: {  	[sflag:s21] =	ssyncset.done $0x0  }
0x41: {  	[sflag:s21] =	ssyncadd.s32 $0xFFFFFF80  }
0x42: {  	_ =	swait.ge [sflag:s21], $0x80  }
0x43: {  	[sflag:s21] =	ssyncset.done $0x0  }
0x44: {  	[sflag:s21] =	ssyncadd.s32 $0xFFFFFF80  }
0x45: {  	_ =	swait.ge [sflag:s21], $0x80  }
0x46: {  	[sflag:s21] =	ssyncset.done $0x0  }
0x47: {  	[sflag:s21] =	ssyncadd.s32 $0xFFFFFF80  }
0x48: {  	_ =	swait.ge [sflag:s21], $0x80  }
0x49: {  	[sflag:s21] =	ssyncset.done $0x0  }
0x4a: {  	[sflag:s21] =	ssyncadd.s32 $0xFFFFFF80  }
0x4b: {  	_ =	swait.ge [sflag:s21], $0x80  }
0x4c: {  	[sflag:s21] =	ssyncset.done $0x0  }
0x4d: {  	[sflag:s21] =	ssyncadd.s32 $0xFFFFFF80  }
0x4e: {  	_ =	swait.ge [sflag:s21], $0x80  }
0x4f: {  	[sflag:s21] =	ssyncset.done $0x0  }
0x50: {  	s30 =	simm.s32 $0x1C80;
	[sflag:s21] =	ssyncadd.s32 $0xFFFFFF80  }
0x51: {  	[spmem:s2] =	stream.indirect.scatter.add.f32 [tilespmem:s13], [sflag:$0x1], $0x1, s30, s12, $0xb8;
	[tilespmem:$0x4D80] =	vst v63  }
0x52: {  	s31 =	simm.s32 $0x1D00  }
0x53: {  	[spmem:s2] =	stream.indirect.scatter.add.f32 [tilespmem:s13], [sflag:$0x1], $0x1, s31, s12, $0xb8;
	[tilespmem:$0x4D80] =	vst v63  }
0x54: {  	s26 =	simm.s32 $0x1D80  }
0x55: {  	[spmem:s2] =	stream.indirect.scatter.add.f32 [tilespmem:s13], [sflag:$0x1], $0x1, s26, s12, $0xb8;
	[tilespmem:$0x4D80] =	vst v63  }
0x56: {  	s28 =	simm.s32 $0x1E00  }
0x57: {  	[spmem:s2] =	stream.indirect.scatter.add.f32 [tilespmem:s13], [sflag:$0x1], $0x1, s28, s12, $0xb8;
	[tilespmem:$0x4D80] =	vst v63  }
0x58: {  	s29 =	simm.s32 $0x1E80  }
0x59: {  	[spmem:s2] =	stream.indirect.scatter.add.f32 [tilespmem:s13], [sflag:$0x1], $0x1, s29, s12, $0xb8;
	[tilespmem:$0x4D80] =	vst v63  }
0x5a: {  	s30 =	simm.s32 $0x1F00  }
0x5b: {  	[spmem:s2] =	stream.indirect.scatter.add.f32 [tilespmem:s13], [sflag:$0x1], $0x1, s30, s12, $0xb8;
	[tilespmem:$0x4D80] =	vst v63  }
0x5c: {  	s25 =	simm.s32 $0x1000;
	s31 =	simm.s32 $0x1F80;
	s26 =	simm.s32 $0x2000  }
0x5d: {  	[spmem:s2] =	stream.indirect.scatter.add.f32 [tilespmem:s13], [sflag:$0x1], $0x1, s31, s12, $0xb8;
	[tilespmem:$0x4D80] =	vst v63  }
.LBB2_5:
0x5e: {  	[spmem:s2] =	stream.indirect.scatter.add.f32 [tilespmem:s13], [sflag:$0x1], $0x1, s26, s12, $0xb8;
	[tilespmem:$0x4D80] =	vst v63  }
0x5f: {  	s26 =	smov.u32 s25  }
0x60: {  	p0 =	sne.s32 s25, $0x5000;
	s25 =	sadd.s32 $0x1000, s25;
	_ =	swait.ge [sflag:s21], $0x80  }
0x61: {  	[sflag:s21] =	ssyncset.done $0x0  }
0x62: {  	[sflag:s21] =	ssyncadd.s32 $0xFFFFFF80  }
0x63: {  	_ =	swait.ge [sflag:s21], $0x80  }
0x64: {  	[sflag:s21] =	ssyncset.done $0x0  }
0x65: {  	[sflag:s21] =	ssyncadd.s32 $0xFFFFFF80  }
0x66: {  	_ =	swait.ge [sflag:s21], $0x80  }
0x67: {  	[sflag:s21] =	ssyncset.done $0x0  }
0x68: {  	[sflag:s21] =	ssyncadd.s32 $0xFFFFFF80  }
0x69: {  	_ =	swait.ge [sflag:s21], $0x80  }
0x6a: {  	[sflag:s21] =	ssyncset.done $0x0  }
0x6b: {  	[sflag:s21] =	ssyncadd.s32 $0xFFFFFF80  }
0x6c: {  	_ =	swait.ge [sflag:s21], $0x80  }
0x6d: {  	[sflag:s21] =	ssyncset.done $0x0  }
0x6e: {  	[sflag:s21] =	ssyncadd.s32 $0xFFFFFF80  }
0x6f: {  	_ =	swait.ge [sflag:s21], $0x80  }
0x70: {  	[sflag:s21] =	ssyncset.done $0x0  }
0x71: {  	[sflag:s21] =	ssyncadd.s32 $0xFFFFFF80  }
0x72: {  	_ =	swait.ge [sflag:s21], $0x80  }
0x73: {  	[sflag:s21] =	ssyncset.done $0x0  }
0x74: {  	[sflag:s21] =	ssyncadd.s32 $0xFFFFFF80  }
0x75: {  	_ =	swait.ge [sflag:s21], $0x80  }
0x76: {  	s26 =	sshra.s32 s26, $0x2;
	[sflag:s21] =	ssyncset.done $0x0  }
0x77: {  	s28 =	sadd.s32 $0x1C80, s26;
	[sflag:s21] =	ssyncadd.s32 $0xFFFFFF80  }
0x78: {  	[spmem:s2] =	stream.indirect.scatter.add.f32 [tilespmem:s13], [sflag:$0x1], $0x1, s28, s12, $0xb8;
	[tilespmem:$0x4D80] =	vst v63  }
0x79: {  	s28 =	sadd.s32 $0x1D00, s26  }
0x7a: {  	[spmem:s2] =	stream.indirect.scatter.add.f32 [tilespmem:s13], [sflag:$0x1], $0x1, s28, s12, $0xb8;
	[tilespmem:$0x4D80] =	vst v63  }
0x7b: {  	s28 =	sadd.s32 $0x1D80, s26  }
0x7c: {  	[spmem:s2] =	stream.indirect.scatter.add.f32 [tilespmem:s13], [sflag:$0x1], $0x1, s28, s12, $0xb8;
	[tilespmem:$0x4D80] =	vst v63  }
0x7d: {  	s28 =	sadd.s32 $0x1E00, s26  }
0x7e: {  	[spmem:s2] =	stream.indirect.scatter.add.f32 [tilespmem:s13], [sflag:$0x1], $0x1, s28, s12, $0xb8;
	[tilespmem:$0x4D80] =	vst v63  }
0x7f: {  	s28 =	sadd.s32 $0x1E80, s26  }
0x80: {  	[spmem:s2] =	stream.indirect.scatter.add.f32 [tilespmem:s13], [sflag:$0x1], $0x1, s28, s12, $0xb8;
	[tilespmem:$0x4D80] =	vst v63  }
.Ltmp1:
0x81: {  	s28 =	sadd.s32 $0x1F00, s26;
	(pc) =	sbr.rel @p0 .LBB2_5-.Ltmp1, $4  }
0x82: {  	[spmem:s2] =	stream.indirect.scatter.add.f32 [tilespmem:s13], [sflag:$0x1], $0x1, s28, s12, $0xb8;
	[tilespmem:$0x4D80] =	vst v63  }
0x83: {  	s28 =	sadd.s32 $0x1F80, s26  }
0x84: {  	[spmem:s2] =	stream.indirect.scatter.add.f32 [tilespmem:s13], [sflag:$0x1], $0x1, s28, s12, $0xb8;
	[tilespmem:$0x4D80] =	vst v63  }
0x85: {  	s26 =	sadd.s32 $0x2000, s26  }
0x86: {  	[spmem:s2] =	stream.indirect.scatter.add.f32 [tilespmem:s13], [sflag:$0x1], $0x1, s26, s12, $0xb8;
	[tilespmem:$0x4D80] =	vst v63  }
0x87: {  	_ =	swait.ge [sflag:s21], $0x80  }
0x88: {  	[sflag:s21] =	ssyncset.done $0x0  }
0x89: {  	[sflag:s21] =	ssyncadd.s32 $0xFFFFFF80  }
0x8a: {  	_ =	swait.ge [sflag:s21], $0x80  }
0x8b: {  	[sflag:s21] =	ssyncset.done $0x0  }
0x8c: {  	[sflag:s21] =	ssyncadd.s32 $0xFFFFFF80  }
0x8d: {  	_ =	swait.ge [sflag:s21], $0x80  }
0x8e: {  	[sflag:s21] =	ssyncset.done $0x0  }
0x8f: {  	[sflag:s21] =	ssyncadd.s32 $0xFFFFFF80  }
0x90: {  	_ =	swait.ge [sflag:s21], $0x80  }
0x91: {  	[sflag:s21] =	ssyncset.done $0x0  }
0x92: {  	[sflag:s21] =	ssyncadd.s32 $0xFFFFFF80  }
0x93: {  	_ =	swait.ge [sflag:s21], $0x80  }
0x94: {  	[sflag:s21] =	ssyncset.done $0x0  }
0x95: {  	[sflag:s21] =	ssyncadd.s32 $0xFFFFFF80  }
0x96: {  	_ =	swait.ge [sflag:s21], $0x80  }
0x97: {  	[sflag:s21] =	ssyncset.done $0x0  }
0x98: {  	s24 =	sadd.s32 $0x1, s24;
	[sflag:s21] =	ssyncadd.s32 $0xFFFFFF80  }
0x99: {  	p0 =	sne.s32 s24, $0xE;
	_ =	swait.ge [sflag:s21], $0x80  }
.Ltmp2:
0x9a: {  	[sflag:s21] =	ssyncset.done $0x0;
	(pc) =	sbr.rel @p0 .LBB2_4-.Ltmp2, $4  }
0x9b: {  	[sflag:s21] =	ssyncadd.s32 $0xFFFFFF80  }
0x9c: {  	_ =	swait.ge [sflag:s21], $0x80  }
0x9d: {  	[sflag:s21] =	ssyncset.done $0x0  }
0x9e: {  	[sflag:s21] =	ssyncadd.s32 $0xFFFFFF80  }
0x9f: {  	s3 =	sadd.s32 $0x1, s3  }
0xa0: {  	p0 =	sne.s32 s3, s8  }
.Ltmp3:
0xa1: {  	[bflag:$0x0] =	sbarrier.arrive $0xFFFF;
	s23 =	sshrl.u32 s5, $0x3;
	(pc) =	sbr.rel @p0 .LBB2_1-.Ltmp3, $4  }
0xa2: {  	[hbm:s7], [sflag:s22] =	dma.local [spmem:s23], $0x310  }
0xa3: {  	_ =	swait.ge [sflag:s10], $0x310  }
0xa4: {  	[sflag:s10] =	ssyncset.done $0x0  }
0xa5: {  	[sflag:s10] =	ssyncadd.s32 $0xFFFFFCF0  }
0xa6: {  	_ =	sfence.sel $0x180000  }
0xa7: {  	[bflag:$0x0] =	sbarrier.arrive $0xFFFF  }
0xa8: {  	p0 =	sne.s32 s0, $0x0;
	_ =	strace $0x90000047  }
0xa9: {  	s0 =	sadd.s32 @!p0 $0x100000, s1;
	[bflag:$0x2] =	sbarrier.arrive $0xFFFF  }
0xaa: {  	[sflag:s0] =	ssyncadd.tile.s32 @!p0 $0x1;
	_ =	shalt  }
.Lfunc_end2:
_tile_overlayer_lowered:
.L_overlay_start_2:
0xab: {  	(tag) =	ssettag $0x2  }
0xac: {  	s0 =	rddreg [dreg:$0x0];
	s2 =	stileid.u32  }
0xad: {  	s1 =	rddreg [dreg:$0x1];
	p0 =	sne.s32 s2, $0x0  }
0xae: {  	s3 =	rddreg [dreg:$0x2];
	[bflag:$0x3] =	sbarrier.arrive $0xFFFF;
	s2 =	simm.s32 @!p0 $0x1C02  }
0xaf: {  	[timem:s3], [sflag:s2] =	dma.local @!p0 [hbm:s0], s1  }
0xb0: {  	s0 =	simm.s32 @!p0 $0x2  }
0xb1: {  	_ =	swait.ge @!p0 [sflag:s0], s1  }
0xb2: {  	s1 =	ssub.s32 @!p0 $0x0, s1;
	[sflag:s0] =	ssyncset.done @!p0 $0x0  }
0xb3: {  	[sflag:s0] =	ssyncadd.s32 @!p0 s1  }
0xb4: {  	[bflag:$0x3] =	sbarrier.arrive $0xFFFF  }
0xb5: {  	_ =	shalt  }

</sc_bundles>
